<compile_context>
chip_gen: v7x
topology: tpu7x:2x2x1
jax: 0.10.2.dev20260603
libtpu: 0.0.44.dev20260713+nightly
codegen_flags: <defaults>
</compile_context>

<pallas_src>
import functools

import jax
import jax.numpy as jnp
from jax import lax
from jax.experimental import pallas as pl
from jax.experimental.pallas import tpu as pltpu
from jax.experimental.pallas import tpu_sc as plsc

N_NODES = 10000
D = 128
NP = 10240
E = 320000
NTILES = 32
EPT = 10240
EP = NTILES * EPT
CH = 128
NCH = EPT // CH
CHA = 64
NBUF = 3
KG = 2
NCHA0 = 288
NCHA1 = 32
NR0 = NCHA0 // 2
NR1 = NCHA1 // 2
RPT = NP // 16
BN = 2048

_mesh = plsc.VectorSubcoreMesh(core_axis_name="c", subcore_axis_name="s")



def _deg_body(dst_hbm, out_hbm, dst_v, ones_v, buf_v, deg_sh):
    c = lax.axis_index("c")
    s = lax.axis_index("s")
    wid = c * 16 + s
    pltpu.sync_copy(dst_hbm.at[wid], dst_v)
    zeros = jnp.zeros((16,), jnp.float32)
    ones = jnp.ones((16,), jnp.float32)
    for k in range(CH // 16):
        ones_v[pl.ds(k * 16, 16)] = ones
    for k in range(RPT // 16):
        buf_v[pl.ds(k * 16, 16)] = zeros
    pltpu.sync_copy(buf_v, deg_sh.at[pl.ds(s * RPT, RPT)])
    plsc.subcore_barrier()

    def body(j, carry):
        pltpu.sync_copy(ones_v, deg_sh.at[dst_v.at[j]], add=True)
        return carry

    lax.fori_loop(0, NCH, body, 0)
    plsc.subcore_barrier()
    pltpu.sync_copy(deg_sh.at[pl.ds(s * RPT, RPT)], buf_v)
    pltpu.sync_copy(buf_v, out_hbm.at[c, pl.ds(s * RPT, RPT)])


_deg_call = functools.partial(
    pl.kernel,
    out_type=jax.ShapeDtypeStruct((2, NP), jnp.float32),
    mesh=_mesh,
    scratch_types=[
        pltpu.VMEM((NCH, CH), jnp.int32),
        pltpu.VMEM((CH,), jnp.float32),
        pltpu.VMEM((RPT,), jnp.float32),
        pltpu.VMEM_SHARED((NP,), jnp.float32),
    ],
)(_deg_body)



def _prep_body(p0_ref, p1_ref, x_ref, y_ref, z_ref, dis_ref):
    deg = p0_ref[...] + p1_ref[...] + 1.0
    dis = lax.rsqrt(deg)
    x = x_ref[...]
    y_ref[...] = x * dis[:, None]
    z_ref[...] = x * (1.0 / deg)[:, None]
    dis_ref[...] = dis[:, None]


_prep_call = pl.pallas_call(
    _prep_body,
    grid=(NP // BN,),
    in_specs=[
        pl.BlockSpec((BN,), lambda i: (i,)),
        pl.BlockSpec((BN,), lambda i: (i,)),
        pl.BlockSpec((BN, D), lambda i: (i, 0)),
    ],
    out_specs=[
        pl.BlockSpec((BN, D), lambda i: (i, 0)),
        pl.BlockSpec((BN, D), lambda i: (i, 0)),
        pl.BlockSpec((BN, 1), lambda i: (i, 0)),
    ],
    out_shape=[
        jax.ShapeDtypeStruct((NP, D), jnp.float32),
        jax.ShapeDtypeStruct((NP, D), jnp.float32),
        jax.ShapeDtypeStruct((NP, 1), jnp.float32),
    ],
)



def _agg_body(y_hbm, combo_hbm, zrow_hbm, out_hbm,
              combo_v, sidx_v, didx_v, buf_v, acc_sh, semg, sems):
    c = lax.axis_index("c")
    s = lax.axis_index("s")
    ncha = jnp.where(c == 0, NCHA0, NCHA1)

    @pl.when(c == 0)
    def _():
        pltpu.sync_copy(combo_hbm.at[pl.ds(s * NR0, NR0)],
                        combo_v.at[pl.ds(0, NR0)])

    if NR1:
        @pl.when(c == 1)
        def _():
            pltpu.sync_copy(combo_hbm.at[pl.ds(16 * NR0 + s * NR1, NR1)],
                            combo_v.at[pl.ds(0, NR1)])

    pltpu.sync_copy(zrow_hbm, buf_v.at[0])
    for k in range(RPT // CHA):
        pltpu.sync_copy(buf_v.at[0], acc_sh.at[pl.ds(s * RPT + k * CHA, CHA)])
    plsc.subcore_barrier()

    cpr = CH // CHA

    def unpack(j, slot):
        r = j // cpr
        c0 = lax.rem(j, cpr) * CHA
        for k in range(CHA // 16):
            v = combo_v[r, pl.ds(c0 + k * 16, 16)]
            sidx_v[slot, pl.ds(k * 16, 16)] = jnp.bitwise_and(v, 0xFFFF)
            didx_v[slot, pl.ds(k * 16, 16)] = lax.shift_right_logical(v, 16)

    def issue_gather(j, slot):
        pltpu.async_copy(y_hbm.at[sidx_v.at[slot]], buf_v.at[slot],
                         semg.at[slot])

    for j in range(KG):
        @pl.when(j < ncha)
        def _():
            unpack(j, j)
            issue_gather(j, j)

    def body(j, carry):
        fslot = lax.rem(j + KG, NBUF)
        jslot = lax.rem(j, NBUF)

        @pl.when(j >= NBUF - KG)
        def _():
            pltpu.make_async_copy(buf_v.at[fslot],
                                  acc_sh.at[didx_v.at[fslot]],
                                  sems.at[fslot]).wait()

        @pl.when(j + KG < ncha)
        def _():
            unpack(j + KG, fslot)
            issue_gather(j + KG, fslot)

        pltpu.make_async_copy(y_hbm.at[sidx_v.at[jslot]], buf_v.at[jslot],
                              semg.at[jslot]).wait()
        pltpu.async_copy(buf_v.at[jslot], acc_sh.at[didx_v.at[jslot]],
                         sems.at[jslot], add=True)
        return carry

    lax.fori_loop(0, ncha, body, 0)
    for t in range(NBUF - KG):
        @pl.when(ncha > 0)
        def _():
            slot = lax.rem(ncha - (NBUF - KG) + t, NBUF)
            pltpu.make_async_copy(buf_v.at[slot], acc_sh.at[didx_v.at[slot]],
                                  sems.at[slot]).wait()
    plsc.subcore_barrier()
    for k in range(RPT // CHA):
        r0 = s * RPT + k * CHA
        pltpu.sync_copy(acc_sh.at[pl.ds(r0, CHA)], buf_v.at[0])
        pltpu.sync_copy(buf_v.at[0], out_hbm.at[c, pl.ds(r0, CHA)])


_agg_call = functools.partial(
    pl.kernel,
    out_type=jax.ShapeDtypeStruct((2, NP, D), jnp.float32),
    mesh=_mesh,
    scratch_types=[
        pltpu.VMEM((max(NR0, NR1), CH), jnp.int32),
        pltpu.VMEM((NBUF, CHA), jnp.int32),
        pltpu.VMEM((NBUF, CHA), jnp.int32),
        pltpu.VMEM((NBUF, CHA, D), jnp.float32),
        pltpu.VMEM_SHARED((NP, D), jnp.float32),
        pltpu.SemaphoreType.DMA((NBUF,)),
        pltpu.SemaphoreType.DMA((NBUF,)),
    ],
)(_agg_body)



def _out_body(s0_ref, s1_ref, z_ref, dis_ref, w_ref, b_ref, o_ref):
    agg = dis_ref[...] * (s0_ref[...] + s1_ref[...]) + z_ref[...]
    acc = jnp.dot(agg, w_ref[...], preferred_element_type=jnp.float32,
                  precision=lax.Precision.HIGHEST)
    o_ref[...] = jnp.maximum(acc + b_ref[...], 0.0)


_out_call = pl.pallas_call(
    _out_body,
    grid=(NP // BN,),
    in_specs=[
        pl.BlockSpec((BN, D), lambda i: (i, 0)),
        pl.BlockSpec((BN, D), lambda i: (i, 0)),
        pl.BlockSpec((BN, D), lambda i: (i, 0)),
        pl.BlockSpec((BN, 1), lambda i: (i, 0)),
        pl.BlockSpec((D, D), lambda i: (0, 0)),
        pl.BlockSpec((1, D), lambda i: (0, 0)),
    ],
    out_specs=pl.BlockSpec((BN, D), lambda i: (i, 0)),
    out_shape=jax.ShapeDtypeStruct((NP, D), jnp.float32),
)


def kernel(x, edge_index, W, b):
    ei = edge_index.astype(jnp.int32)
    pad = jnp.full((EP - E,), N_NODES, jnp.int32)
    src_p = jnp.concatenate([ei[0], pad])
    dst_p = jnp.concatenate([ei[1], pad])
    x_p = jnp.concatenate(
        [x.astype(jnp.float32), jnp.zeros((NP - N_NODES, D), jnp.float32)])
    zrow = jnp.zeros((CHA, D), jnp.float32)

    combo = (src_p | (dst_p << 16)).reshape(EP // CH, CH)

    degp = _deg_call(dst_p.reshape(NTILES, NCH, CH))
    y, z, dis = _prep_call(degp[0], degp[1], x_p)
    sp = _agg_call(y, combo, zrow)
    out = _out_call(sp[0], sp[1], z, dis, W.astype(jnp.float32),
                    b.astype(jnp.float32).reshape(1, D))
    return out[:N_NODES]

# --- scband reference (transcript-rebuilt; emitter-appended) ---
"""Pipeline reference for scband-semi-gcnconv-18159121728107 (READ-ONLY COPY).

The authoritative reference and input builder live on the scoring server;
editing this copy changes nothing except your own understanding.
"""

import jax, jax.numpy as jnp
import numpy as np

N_NODES = 10000
N_EDGES = 320000
D_IN = 128
D_OUT = 128

def setup_inputs(seed: int = 0) -> dict:
    key = jax.random.key(seed)
    k1, k2, k3, k4 = jax.random.split(key, 4)
    x = jax.random.normal(k1, (N_NODES, D_IN), dtype=jnp.float32)
    edge_index = jax.random.randint(k2, (2, N_EDGES), 0, N_NODES, dtype=jnp.int64)
    # GCNConv linear weight (glorot) and bias (zeros init in PyG, use small random here)
    std = float(np.sqrt(2.0 / (D_IN + D_OUT)))
    W = jax.random.normal(k3, (D_IN, D_OUT), dtype=jnp.float32) * std
    b = jnp.zeros((D_OUT,), dtype=jnp.float32)
    return {"x": x, "edge_index": edge_index, "W": W, "b": b}

def reference(x, edge_index, W, b):
    # Faithful GCNConv (PyG semantics): lin -> add self loops -> sym norm -> scatter-add -> + bias, then ReLU
    N = x.shape[0]
    src = edge_index[0]
    dst = edge_index[1]
    loop = jnp.arange(N, dtype=edge_index.dtype)
    src = jnp.concatenate([src, loop])
    dst = jnp.concatenate([dst, loop])
    h = x @ W
    deg = jnp.zeros((N,), dtype=h.dtype).at[dst].add(1.0)
    deg_inv_sqrt = jnp.where(deg > 0, deg ** -0.5, 0.0)
    norm = deg_inv_sqrt[src] * deg_inv_sqrt[dst]
    msg = h[src] * norm[:, None]
    out = jnp.zeros_like(h).at[dst].add(msg)
    out = out + b
    return jax.nn.relu(out)

if __name__ == "__main__":
    import jax
    _d = setup_inputs()
    print(jax.jit(kernel)(*tuple(_d.values())))

</pallas_src>

<mosaic_0001>
#map = affine_map<(d0, d1) -> (0, 0, 0)>
#map1 = affine_map<(d0, d1) -> (0, 0)>
module attributes {stable_mosaic.version = 14 : i64} {
  func.func @_deg_body(%arg0: i32, %arg1: i32, %arg2: memref<32x80x128xi32, #tpu.memory_space<hbm>>, %arg3: memref<2x10240xf32, #tpu.memory_space<hbm>>, %arg4: memref<80x128xi32, #tpu.memory_space<vmem>>, %arg5: memref<128xf32, #tpu.memory_space<vmem>>, %arg6: memref<640xf32, #tpu.memory_space<vmem>>, %arg7: memref<10240xf32, #tpu.memory_space<vmem_shared>>) attributes {dimension_semantics = [#tpu.dimension_semantics<core_parallel>, #tpu.dimension_semantics<subcore_parallel>], iteration_bounds = array<i64: 2, 16>, scalar_prefetch = 0 : i64, scratch_operands = 4 : i64, tpu.core_type = #tpu.core_type<sc_vector_subcore>, window_params = [{transform_indices = #map}, {transform_indices = #map1}]} {
    %mul3A = arith.constant 16 : i32
    %mul3A_0 = arith.muli %arg0, %mul3A : i32
    %add3A = arith.addi %mul3A_0, %arg1 : i32
    "tpu.region"() ({
      %run_scoped3A = tpu.sem_alloc : memref<!tpu.dma_semaphore, #tpu.memory_space<semaphore_mem>>
      %dma_start3A = arith.constant 0 : i32
      %dma_start3A_207 = arith.constant 0 : i32
      %dma_start3A_208 = tpu.memref_slice %arg2[%add3A, %dma_start3A, %dma_start3A_207] : memref<32x80x128xi32, #tpu.memory_space<hbm>> -> memref<1x80x128xi32, #tpu.memory_space<hbm>>
      %dma_start3A_209 = tpu.memref_squeeze %dma_start3A_208 : memref<1x80x128xi32, #tpu.memory_space<hbm>> -> memref<80x128xi32, #tpu.memory_space<hbm>>
      %dma_start3A_210 = arith.constant 0 : i32
      %dma_start3A_211 = arith.constant 0 : i32
      %dma_start3A_212 = tpu.memref_slice %arg2[%add3A, %dma_start3A_210, %dma_start3A_211] : memref<32x80x128xi32, #tpu.memory_space<hbm>> -> memref<1x80x128xi32, #tpu.memory_space<hbm>>
      %dma_start3A_213 = tpu.memref_squeeze %dma_start3A_212 : memref<1x80x128xi32, #tpu.memory_space<hbm>> -> memref<80x128xi32, #tpu.memory_space<hbm>>
      tpu.enqueue_dma source(%dma_start3A_213 : memref<80x128xi32, #tpu.memory_space<hbm>>) target(%arg4 : memref<80x128xi32, #tpu.memory_space<vmem>>) target_semaphore(%run_scoped3A : memref<!tpu.dma_semaphore, #tpu.memory_space<semaphore_mem>>)
      %dma_wait3A = arith.constant 0 : i32
      %dma_wait3A_214 = arith.constant 0 : i32
      %dma_wait3A_215 = tpu.memref_slice %arg2[%add3A, %dma_wait3A, %dma_wait3A_214] : memref<32x80x128xi32, #tpu.memory_space<hbm>> -> memref<1x80x128xi32, #tpu.memory_space<hbm>>
      %dma_wait3A_216 = tpu.memref_squeeze %dma_wait3A_215 : memref<1x80x128xi32, #tpu.memory_space<hbm>> -> memref<80x128xi32, #tpu.memory_space<hbm>>
      %dma_wait3A_217 = arith.constant 0 : i32
      %dma_wait3A_218 = arith.constant 0 : i32
      %dma_wait3A_219 = tpu.memref_slice %arg2[%add3A, %dma_wait3A_217, %dma_wait3A_218] : memref<32x80x128xi32, #tpu.memory_space<hbm>> -> memref<1x80x128xi32, #tpu.memory_space<hbm>>
      %dma_wait3A_220 = tpu.memref_squeeze %dma_wait3A_219 : memref<1x80x128xi32, #tpu.memory_space<hbm>> -> memref<80x128xi32, #tpu.memory_space<hbm>>
      tpu.wait_dma2 semaphore(%run_scoped3A : memref<!tpu.dma_semaphore, #tpu.memory_space<semaphore_mem>>) src(%dma_wait3A_220 : memref<80x128xi32, #tpu.memory_space<hbm>>) dst(%arg4 : memref<80x128xi32, #tpu.memory_space<vmem>>)
      tpu.yield
    }) : () -> ()
    %broadcast_in_dim3A = arith.constant 0.000000e+00 : f32
    %broadcast_in_dim3A_1 = vector.broadcast %broadcast_in_dim3A : f32 to vector<16xf32>
    %broadcast_in_dim3A_2 = arith.constant 1.000000e+00 : f32
    %broadcast_in_dim3A_3 = vector.broadcast %broadcast_in_dim3A_2 : f32 to vector<16xf32>
    %swap3A = arith.constant 0 : index
    %swap3A_4 = tpu.vector_load %arg5[%swap3A] {strides = array<i32>} : memref<128xf32, #tpu.memory_space<vmem>>, vector<16xf32>,
    %swap3A_5 = vector.shape_cast %swap3A_4 : vector<16xf32> to vector<16xf32>
    %swap3A_6 = vector.shape_cast %broadcast_in_dim3A_3 : vector<16xf32> to vector<16xf32>
    tpu.vector_store %arg5[%swap3A], %swap3A_6 {strides = array<i32>} : memref<128xf32, #tpu.memory_space<vmem>>, vector<16xf32>,
    %swap3A_7 = arith.constant 16 : index
    %swap3A_8 = tpu.vector_load %arg5[%swap3A_7] {strides = array<i32>} : memref<128xf32, #tpu.memory_space<vmem>>, vector<16xf32>,
    %swap3A_9 = vector.shape_cast %swap3A_8 : vector<16xf32> to vector<16xf32>
    %swap3A_10 = vector.shape_cast %broadcast_in_dim3A_3 : vector<16xf32> to vector<16xf32>
    tpu.vector_store %arg5[%swap3A_7], %swap3A_10 {strides = array<i32>} : memref<128xf32, #tpu.memory_space<vmem>>, vector<16xf32>,
    %swap3A_11 = arith.constant 32 : index
    %swap3A_12 = tpu.vector_load %arg5[%swap3A_11] {strides = array<i32>} : memref<128xf32, #tpu.memory_space<vmem>>, vector<16xf32>,
    %swap3A_13 = vector.shape_cast %swap3A_12 : vector<16xf32> to vector<16xf32>
    %swap3A_14 = vector.shape_cast %broadcast_in_dim3A_3 : vector<16xf32> to vector<16xf32>
    tpu.vector_store %arg5[%swap3A_11], %swap3A_14 {strides = array<i32>} : memref<128xf32, #tpu.memory_space<vmem>>, vector<16xf32>,
    %swap3A_15 = arith.constant 48 : index
    %swap3A_16 = tpu.vector_load %arg5[%swap3A_15] {strides = array<i32>} : memref<128xf32, #tpu.memory_space<vmem>>, vector<16xf32>,
    %swap3A_17 = vector.shape_cast %swap3A_16 : vector<16xf32> to vector<16xf32>
    %swap3A_18 = vector.shape_cast %broadcast_in_dim3A_3 : vector<16xf32> to vector<16xf32>
    tpu.vector_store %arg5[%swap3A_15], %swap3A_18 {strides = array<i32>} : memref<128xf32, #tpu.memory_space<vmem>>, vector<16xf32>,
    %swap3A_19 = arith.constant 64 : index
    %swap3A_20 = tpu.vector_load %arg5[%swap3A_19] {strides = array<i32>} : memref<128xf32, #tpu.memory_space<vmem>>, vector<16xf32>,
    %swap3A_21 = vector.shape_cast %swap3A_20 : vector<16xf32> to vector<16xf32>
    %swap3A_22 = vector.shape_cast %broadcast_in_dim3A_3 : vector<16xf32> to vector<16xf32>
    tpu.vector_store %arg5[%swap3A_19], %swap3A_22 {strides = array<i32>} : memref<128xf32, #tpu.memory_space<vmem>>, vector<16xf32>,
    %swap3A_23 = arith.constant 80 : index
    %swap3A_24 = tpu.vector_load %arg5[%swap3A_23] {strides = array<i32>} : memref<128xf32, #tpu.memory_space<vmem>>, vector<16xf32>,
    %swap3A_25 = vector.shape_cast %swap3A_24 : vector<16xf32> to vector<16xf32>
    %swap3A_26 = vector.shape_cast %broadcast_in_dim3A_3 : vector<16xf32> to vector<16xf32>
    tpu.vector_store %arg5[%swap3A_23], %swap3A_26 {strides = array<i32>} : memref<128xf32, #tpu.memory_space<vmem>>, vector<16xf32>,
    %swap3A_27 = arith.constant 96 : index
    %swap3A_28 = tpu.vector_load %arg5[%swap3A_27] {strides = array<i32>} : memref<128xf32, #tpu.memory_space<vmem>>, vector<16xf32>,
    %swap3A_29 = vector.shape_cast %swap3A_28 : vector<16xf32> to vector<16xf32>
    %swap3A_30 = vector.shape_cast %broadcast_in_dim3A_3 : vector<16xf32> to vector<16xf32>
    tpu.vector_store %arg5[%swap3A_27], %swap3A_30 {strides = array<i32>} : memref<128xf32, #tpu.memory_space<vmem>>, vector<16xf32>,
    %swap3A_31 = arith.constant 112 : index
    %swap3A_32 = tpu.vector_load %arg5[%swap3A_31] {strides = array<i32>} : memref<128xf32, #tpu.memory_space<vmem>>, vector<16xf32>,
    %swap3A_33 = vector.shape_cast %swap3A_32 : vector<16xf32> to vector<16xf32>
    %swap3A_34 = vector.shape_cast %broadcast_in_dim3A_3 : vector<16xf32> to vector<16xf32>
    tpu.vector_store %arg5[%swap3A_31], %swap3A_34 {strides = array<i32>} : memref<128xf32, #tpu.memory_space<vmem>>, vector<16xf32>,
    %swap3A_35 = arith.constant 0 : index
    %swap3A_36 = tpu.vector_load %arg6[%swap3A_35] {strides = array<i32>} : memref<640xf32, #tpu.memory_space<vmem>>, vector<16xf32>,
    %swap3A_37 = vector.shape_cast %swap3A_36 : vector<16xf32> to vector<16xf32>
    %swap3A_38 = vector.shape_cast %broadcast_in_dim3A_1 : vector<16xf32> to vector<16xf32>
    tpu.vector_store %arg6[%swap3A_35], %swap3A_38 {strides = array<i32>} : memref<640xf32, #tpu.memory_space<vmem>>, vector<16xf32>,
    %swap3A_39 = arith.constant 16 : index
    %swap3A_40 = tpu.vector_load %arg6[%swap3A_39] {strides = array<i32>} : memref<640xf32, #tpu.memory_space<vmem>>, vector<16xf32>,
    %swap3A_41 = vector.shape_cast %swap3A_40 : vector<16xf32> to vector<16xf32>
    %swap3A_42 = vector.shape_cast %broadcast_in_dim3A_1 : vector<16xf32> to vector<16xf32>
    tpu.vector_store %arg6[%swap3A_39], %swap3A_42 {strides = array<i32>} : memref<640xf32, #tpu.memory_space<vmem>>, vector<16xf32>,
    %swap3A_43 = arith.constant 32 : index
    %swap3A_44 = tpu.vector_load %arg6[%swap3A_43] {strides = array<i32>} : memref<640xf32, #tpu.memory_space<vmem>>, vector<16xf32>,
    %swap3A_45 = vector.shape_cast %swap3A_44 : vector<16xf32> to vector<16xf32>
    %swap3A_46 = vector.shape_cast %broadcast_in_dim3A_1 : vector<16xf32> to vector<16xf32>
    tpu.vector_store %arg6[%swap3A_43], %swap3A_46 {strides = array<i32>} : memref<640xf32, #tpu.memory_space<vmem>>, vector<16xf32>,
    %swap3A_47 = arith.constant 48 : index
    %swap3A_48 = tpu.vector_load %arg6[%swap3A_47] {strides = array<i32>} : memref<640xf32, #tpu.memory_space<vmem>>, vector<16xf32>,
    %swap3A_49 = vector.shape_cast %swap3A_48 : vector<16xf32> to vector<16xf32>
    %swap3A_50 = vector.shape_cast %broadcast_in_dim3A_1 : vector<16xf32> to vector<16xf32>
    tpu.vector_store %arg6[%swap3A_47], %swap3A_50 {strides = array<i32>} : memref<640xf32, #tpu.memory_space<vmem>>, vector<16xf32>,
    %swap3A_51 = arith.constant 64 : index
    %swap3A_52 = tpu.vector_load %arg6[%swap3A_51] {strides = array<i32>} : memref<640xf32, #tpu.memory_space<vmem>>, vector<16xf32>,
    %swap3A_53 = vector.shape_cast %swap3A_52 : vector<16xf32> to vector<16xf32>
    %swap3A_54 = vector.shape_cast %broadcast_in_dim3A_1 : vector<16xf32> to vector<16xf32>
    tpu.vector_store %arg6[%swap3A_51], %swap3A_54 {strides = array<i32>} : memref<640xf32, #tpu.memory_space<vmem>>, vector<16xf32>,
    %swap3A_55 = arith.constant 80 : index
    %swap3A_56 = tpu.vector_load %arg6[%swap3A_55] {strides = array<i32>} : memref<640xf32, #tpu.memory_space<vmem>>, vector<16xf32>,
    %swap3A_57 = vector.shape_cast %swap3A_56 : vector<16xf32> to vector<16xf32>
    %swap3A_58 = vector.shape_cast %broadcast_in_dim3A_1 : vector<16xf32> to vector<16xf32>
    tpu.vector_store %arg6[%swap3A_55], %swap3A_58 {strides = array<i32>} : memref<640xf32, #tpu.memory_space<vmem>>, vector<16xf32>,
    %swap3A_59 = arith.constant 96 : index
    %swap3A_60 = tpu.vector_load %arg6[%swap3A_59] {strides = array<i32>} : memref<640xf32, #tpu.memory_space<vmem>>, vector<16xf32>,
    %swap3A_61 = vector.shape_cast %swap3A_60 : vector<16xf32> to vector<16xf32>
    %swap3A_62 = vector.shape_cast %broadcast_in_dim3A_1 : vector<16xf32> to vector<16xf32>
    tpu.vector_store %arg6[%swap3A_59], %swap3A_62 {strides = array<i32>} : memref<640xf32, #tpu.memory_space<vmem>>, vector<16xf32>,
    %swap3A_63 = arith.constant 112 : index
    %swap3A_64 = tpu.vector_load %arg6[%swap3A_63] {strides = array<i32>} : memref<640xf32, #tpu.memory_space<vmem>>, vector<16xf32>,
    %swap3A_65 = vector.shape_cast %swap3A_64 : vector<16xf32> to vector<16xf32>
    %swap3A_66 = vector.shape_cast %broadcast_in_dim3A_1 : vector<16xf32> to vector<16xf32>
    tpu.vector_store %arg6[%swap3A_63], %swap3A_66 {strides = array<i32>} : memref<640xf32, #tpu.memory_space<vmem>>, vector<16xf32>,
    %swap3A_67 = arith.constant 128 : index
    %swap3A_68 = tpu.vector_load %arg6[%swap3A_67] {strides = array<i32>} : memref<640xf32, #tpu.memory_space<vmem>>, vector<16xf32>,
    %swap3A_69 = vector.shape_cast %swap3A_68 : vector<16xf32> to vector<16xf32>
    %swap3A_70 = vector.shape_cast %broadcast_in_dim3A_1 : vector<16xf32> to vector<16xf32>
    tpu.vector_store %arg6[%swap3A_67], %swap3A_70 {strides = array<i32>} : memref<640xf32, #tpu.memory_space<vmem>>, vector<16xf32>,
    %swap3A_71 = arith.constant 144 : index
    %swap3A_72 = tpu.vector_load %arg6[%swap3A_71] {strides = array<i32>} : memref<640xf32, #tpu.memory_space<vmem>>, vector<16xf32>,
    %swap3A_73 = vector.shape_cast %swap3A_72 : vector<16xf32> to vector<16xf32>
    %swap3A_74 = vector.shape_cast %broadcast_in_dim3A_1 : vector<16xf32> to vector<16xf32>
    tpu.vector_store %arg6[%swap3A_71], %swap3A_74 {strides = array<i32>} : memref<640xf32, #tpu.memory_space<vmem>>, vector<16xf32>,
    %swap3A_75 = arith.constant 160 : index
    %swap3A_76 = tpu.vector_load %arg6[%swap3A_75] {strides = array<i32>} : memref<640xf32, #tpu.memory_space<vmem>>, vector<16xf32>,
    %swap3A_77 = vector.shape_cast %swap3A_76 : vector<16xf32> to vector<16xf32>
    %swap3A_78 = vector.shape_cast %broadcast_in_dim3A_1 : vector<16xf32> to vector<16xf32>
    tpu.vector_store %arg6[%swap3A_75], %swap3A_78 {strides = array<i32>} : memref<640xf32, #tpu.memory_space<vmem>>, vector<16xf32>,
    %swap3A_79 = arith.constant 176 : index
    %swap3A_80 = tpu.vector_load %arg6[%swap3A_79] {strides = array<i32>} : memref<640xf32, #tpu.memory_space<vmem>>, vector<16xf32>,
    %swap3A_81 = vector.shape_cast %swap3A_80 : vector<16xf32> to vector<16xf32>
    %swap3A_82 = vector.shape_cast %broadcast_in_dim3A_1 : vector<16xf32> to vector<16xf32>
    tpu.vector_store %arg6[%swap3A_79], %swap3A_82 {strides = array<i32>} : memref<640xf32, #tpu.memory_space<vmem>>, vector<16xf32>,
    %swap3A_83 = arith.constant 192 : index
    %swap3A_84 = tpu.vector_load %arg6[%swap3A_83] {strides = array<i32>} : memref<640xf32, #tpu.memory_space<vmem>>, vector<16xf32>,
    %swap3A_85 = vector.shape_cast %swap3A_84 : vector<16xf32> to vector<16xf32>
    %swap3A_86 = vector.shape_cast %broadcast_in_dim3A_1 : vector<16xf32> to vector<16xf32>
    tpu.vector_store %arg6[%swap3A_83], %swap3A_86 {strides = array<i32>} : memref<640xf32, #tpu.memory_space<vmem>>, vector<16xf32>,
    %swap3A_87 = arith.constant 208 : index
    %swap3A_88 = tpu.vector_load %arg6[%swap3A_87] {strides = array<i32>} : memref<640xf32, #tpu.memory_space<vmem>>, vector<16xf32>,
    %swap3A_89 = vector.shape_cast %swap3A_88 : vector<16xf32> to vector<16xf32>
    %swap3A_90 = vector.shape_cast %broadcast_in_dim3A_1 : vector<16xf32> to vector<16xf32>
    tpu.vector_store %arg6[%swap3A_87], %swap3A_90 {strides = array<i32>} : memref<640xf32, #tpu.memory_space<vmem>>, vector<16xf32>,
    %swap3A_91 = arith.constant 224 : index
    %swap3A_92 = tpu.vector_load %arg6[%swap3A_91] {strides = array<i32>} : memref<640xf32, #tpu.memory_space<vmem>>, vector<16xf32>,
    %swap3A_93 = vector.shape_cast %swap3A_92 : vector<16xf32> to vector<16xf32>
    %swap3A_94 = vector.shape_cast %broadcast_in_dim3A_1 : vector<16xf32> to vector<16xf32>
    tpu.vector_store %arg6[%swap3A_91], %swap3A_94 {strides = array<i32>} : memref<640xf32, #tpu.memory_space<vmem>>, vector<16xf32>,
    %swap3A_95 = arith.constant 240 : index
    %swap3A_96 = tpu.vector_load %arg6[%swap3A_95] {strides = array<i32>} : memref<640xf32, #tpu.memory_space<vmem>>, vector<16xf32>,
    %swap3A_97 = vector.shape_cast %swap3A_96 : vector<16xf32> to vector<16xf32>
    %swap3A_98 = vector.shape_cast %broadcast_in_dim3A_1 : vector<16xf32> to vector<16xf32>
    tpu.vector_store %arg6[%swap3A_95], %swap3A_98 {strides = array<i32>} : memref<640xf32, #tpu.memory_space<vmem>>, vector<16xf32>,
    %swap3A_99 = arith.constant 256 : index
    %swap3A_100 = tpu.vector_load %arg6[%swap3A_99] {strides = array<i32>} : memref<640xf32, #tpu.memory_space<vmem>>, vector<16xf32>,
    %swap3A_101 = vector.shape_cast %swap3A_100 : vector<16xf32> to vector<16xf32>
    %swap3A_102 = vector.shape_cast %broadcast_in_dim3A_1 : vector<16xf32> to vector<16xf32>
    tpu.vector_store %arg6[%swap3A_99], %swap3A_102 {strides = array<i32>} : memref<640xf32, #tpu.memory_space<vmem>>, vector<16xf32>,
    %swap3A_103 = arith.constant 272 : index
    %swap3A_104 = tpu.vector_load %arg6[%swap3A_103] {strides = array<i32>} : memref<640xf32, #tpu.memory_space<vmem>>, vector<16xf32>,
    %swap3A_105 = vector.shape_cast %swap3A_104 : vector<16xf32> to vector<16xf32>
    %swap3A_106 = vector.shape_cast %broadcast_in_dim3A_1 : vector<16xf32> to vector<16xf32>
    tpu.vector_store %arg6[%swap3A_103], %swap3A_106 {strides = array<i32>} : memref<640xf32, #tpu.memory_space<vmem>>, vector<16xf32>,
    %swap3A_107 = arith.constant 288 : index
    %swap3A_108 = tpu.vector_load %arg6[%swap3A_107] {strides = array<i32>} : memref<640xf32, #tpu.memory_space<vmem>>, vector<16xf32>,
    %swap3A_109 = vector.shape_cast %swap3A_108 : vector<16xf32> to vector<16xf32>
    %swap3A_110 = vector.shape_cast %broadcast_in_dim3A_1 : vector<16xf32> to vector<16xf32>
    tpu.vector_store %arg6[%swap3A_107], %swap3A_110 {strides = array<i32>} : memref<640xf32, #tpu.memory_space<vmem>>, vector<16xf32>,
    %swap3A_111 = arith.constant 304 : index
    %swap3A_112 = tpu.vector_load %arg6[%swap3A_111] {strides = array<i32>} : memref<640xf32, #tpu.memory_space<vmem>>, vector<16xf32>,
    %swap3A_113 = vector.shape_cast %swap3A_112 : vector<16xf32> to vector<16xf32>
    %swap3A_114 = vector.shape_cast %broadcast_in_dim3A_1 : vector<16xf32> to vector<16xf32>
    tpu.vector_store %arg6[%swap3A_111], %swap3A_114 {strides = array<i32>} : memref<640xf32, #tpu.memory_space<vmem>>, vector<16xf32>,
    %swap3A_115 = arith.constant 320 : index
    %swap3A_116 = tpu.vector_load %arg6[%swap3A_115] {strides = array<i32>} : memref<640xf32, #tpu.memory_space<vmem>>, vector<16xf32>,
    %swap3A_117 = vector.shape_cast %swap3A_116 : vector<16xf32> to vector<16xf32>
    %swap3A_118 = vector.shape_cast %broadcast_in_dim3A_1 : vector<16xf32> to vector<16xf32>
    tpu.vector_store %arg6[%swap3A_115], %swap3A_118 {strides = array<i32>} : memref<640xf32, #tpu.memory_space<vmem>>, vector<16xf32>,
    %swap3A_119 = arith.constant 336 : index
    %swap3A_120 = tpu.vector_load %arg6[%swap3A_119] {strides = array<i32>} : memref<640xf32, #tpu.memory_space<vmem>>, vector<16xf32>,
    %swap3A_121 = vector.shape_cast %swap3A_120 : vector<16xf32> to vector<16xf32>
    %swap3A_122 = vector.shape_cast %broadcast_in_dim3A_1 : vector<16xf32> to vector<16xf32>
    tpu.vector_store %arg6[%swap3A_119], %swap3A_122 {strides = array<i32>} : memref<640xf32, #tpu.memory_space<vmem>>, vector<16xf32>,
    %swap3A_123 = arith.constant 352 : index
    %swap3A_124 = tpu.vector_load %arg6[%swap3A_123] {strides = array<i32>} : memref<640xf32, #tpu.memory_space<vmem>>, vector<16xf32>,
    %swap3A_125 = vector.shape_cast %swap3A_124 : vector<16xf32> to vector<16xf32>
    %swap3A_126 = vector.shape_cast %broadcast_in_dim3A_1 : vector<16xf32> to vector<16xf32>
    tpu.vector_store %arg6[%swap3A_123], %swap3A_126 {strides = array<i32>} : memref<640xf32, #tpu.memory_space<vmem>>, vector<16xf32>,
    %swap3A_127 = arith.constant 368 : index
    %swap3A_128 = tpu.vector_load %arg6[%swap3A_127] {strides = array<i32>} : memref<640xf32, #tpu.memory_space<vmem>>, vector<16xf32>,
    %swap3A_129 = vector.shape_cast %swap3A_128 : vector<16xf32> to vector<16xf32>
    %swap3A_130 = vector.shape_cast %broadcast_in_dim3A_1 : vector<16xf32> to vector<16xf32>
    tpu.vector_store %arg6[%swap3A_127], %swap3A_130 {strides = array<i32>} : memref<640xf32, #tpu.memory_space<vmem>>, vector<16xf32>,
    %swap3A_131 = arith.constant 384 : index
    %swap3A_132 = tpu.vector_load %arg6[%swap3A_131] {strides = array<i32>} : memref<640xf32, #tpu.memory_space<vmem>>, vector<16xf32>,
    %swap3A_133 = vector.shape_cast %swap3A_132 : vector<16xf32> to vector<16xf32>
    %swap3A_134 = vector.shape_cast %broadcast_in_dim3A_1 : vector<16xf32> to vector<16xf32>
    tpu.vector_store %arg6[%swap3A_131], %swap3A_134 {strides = array<i32>} : memref<640xf32, #tpu.memory_space<vmem>>, vector<16xf32>,
    %swap3A_135 = arith.constant 400 : index
    %swap3A_136 = tpu.vector_load %arg6[%swap3A_135] {strides = array<i32>} : memref<640xf32, #tpu.memory_space<vmem>>, vector<16xf32>,
    %swap3A_137 = vector.shape_cast %swap3A_136 : vector<16xf32> to vector<16xf32>
    %swap3A_138 = vector.shape_cast %broadcast_in_dim3A_1 : vector<16xf32> to vector<16xf32>
    tpu.vector_store %arg6[%swap3A_135], %swap3A_138 {strides = array<i32>} : memref<640xf32, #tpu.memory_space<vmem>>, vector<16xf32>,
    %swap3A_139 = arith.constant 416 : index
    %swap3A_140 = tpu.vector_load %arg6[%swap3A_139] {strides = array<i32>} : memref<640xf32, #tpu.memory_space<vmem>>, vector<16xf32>,
    %swap3A_141 = vector.shape_cast %swap3A_140 : vector<16xf32> to vector<16xf32>
    %swap3A_142 = vector.shape_cast %broadcast_in_dim3A_1 : vector<16xf32> to vector<16xf32>
    tpu.vector_store %arg6[%swap3A_139], %swap3A_142 {strides = array<i32>} : memref<640xf32, #tpu.memory_space<vmem>>, vector<16xf32>,
    %swap3A_143 = arith.constant 432 : index
    %swap3A_144 = tpu.vector_load %arg6[%swap3A_143] {strides = array<i32>} : memref<640xf32, #tpu.memory_space<vmem>>, vector<16xf32>,
    %swap3A_145 = vector.shape_cast %swap3A_144 : vector<16xf32> to vector<16xf32>
    %swap3A_146 = vector.shape_cast %broadcast_in_dim3A_1 : vector<16xf32> to vector<16xf32>
    tpu.vector_store %arg6[%swap3A_143], %swap3A_146 {strides = array<i32>} : memref<640xf32, #tpu.memory_space<vmem>>, vector<16xf32>,
    %swap3A_147 = arith.constant 448 : index
    %swap3A_148 = tpu.vector_load %arg6[%swap3A_147] {strides = array<i32>} : memref<640xf32, #tpu.memory_space<vmem>>, vector<16xf32>,
    %swap3A_149 = vector.shape_cast %swap3A_148 : vector<16xf32> to vector<16xf32>
    %swap3A_150 = vector.shape_cast %broadcast_in_dim3A_1 : vector<16xf32> to vector<16xf32>
    tpu.vector_store %arg6[%swap3A_147], %swap3A_150 {strides = array<i32>} : memref<640xf32, #tpu.memory_space<vmem>>, vector<16xf32>,
    %swap3A_151 = arith.constant 464 : index
    %swap3A_152 = tpu.vector_load %arg6[%swap3A_151] {strides = array<i32>} : memref<640xf32, #tpu.memory_space<vmem>>, vector<16xf32>,
    %swap3A_153 = vector.shape_cast %swap3A_152 : vector<16xf32> to vector<16xf32>
    %swap3A_154 = vector.shape_cast %broadcast_in_dim3A_1 : vector<16xf32> to vector<16xf32>
    tpu.vector_store %arg6[%swap3A_151], %swap3A_154 {strides = array<i32>} : memref<640xf32, #tpu.memory_space<vmem>>, vector<16xf32>,
    %swap3A_155 = arith.constant 480 : index
    %swap3A_156 = tpu.vector_load %arg6[%swap3A_155] {strides = array<i32>} : memref<640xf32, #tpu.memory_space<vmem>>, vector<16xf32>,
    %swap3A_157 = vector.shape_cast %swap3A_156 : vector<16xf32> to vector<16xf32>
    %swap3A_158 = vector.shape_cast %broadcast_in_dim3A_1 : vector<16xf32> to vector<16xf32>
    tpu.vector_store %arg6[%swap3A_155], %swap3A_158 {strides = array<i32>} : memref<640xf32, #tpu.memory_space<vmem>>, vector<16xf32>,
    %swap3A_159 = arith.constant 496 : index
    %swap3A_160 = tpu.vector_load %arg6[%swap3A_159] {strides = array<i32>} : memref<640xf32, #tpu.memory_space<vmem>>, vector<16xf32>,
    %swap3A_161 = vector.shape_cast %swap3A_160 : vector<16xf32> to vector<16xf32>
    %swap3A_162 = vector.shape_cast %broadcast_in_dim3A_1 : vector<16xf32> to vector<16xf32>
    tpu.vector_store %arg6[%swap3A_159], %swap3A_162 {strides = array<i32>} : memref<640xf32, #tpu.memory_space<vmem>>, vector<16xf32>,
    %swap3A_163 = arith.constant 512 : index
    %swap3A_164 = tpu.vector_load %arg6[%swap3A_163] {strides = array<i32>} : memref<640xf32, #tpu.memory_space<vmem>>, vector<16xf32>,
    %swap3A_165 = vector.shape_cast %swap3A_164 : vector<16xf32> to vector<16xf32>
    %swap3A_166 = vector.shape_cast %broadcast_in_dim3A_1 : vector<16xf32> to vector<16xf32>
    tpu.vector_store %arg6[%swap3A_163], %swap3A_166 {strides = array<i32>} : memref<640xf32, #tpu.memory_space<vmem>>, vector<16xf32>,
    %swap3A_167 = arith.constant 528 : index
    %swap3A_168 = tpu.vector_load %arg6[%swap3A_167] {strides = array<i32>} : memref<640xf32, #tpu.memory_space<vmem>>, vector<16xf32>,
    %swap3A_169 = vector.shape_cast %swap3A_168 : vector<16xf32> to vector<16xf32>
    %swap3A_170 = vector.shape_cast %broadcast_in_dim3A_1 : vector<16xf32> to vector<16xf32>
    tpu.vector_store %arg6[%swap3A_167], %swap3A_170 {strides = array<i32>} : memref<640xf32, #tpu.memory_space<vmem>>, vector<16xf32>,
    %swap3A_171 = arith.constant 544 : index
    %swap3A_172 = tpu.vector_load %arg6[%swap3A_171] {strides = array<i32>} : memref<640xf32, #tpu.memory_space<vmem>>, vector<16xf32>,
    %swap3A_173 = vector.shape_cast %swap3A_172 : vector<16xf32> to vector<16xf32>
    %swap3A_174 = vector.shape_cast %broadcast_in_dim3A_1 : vector<16xf32> to vector<16xf32>
    tpu.vector_store %arg6[%swap3A_171], %swap3A_174 {strides = array<i32>} : memref<640xf32, #tpu.memory_space<vmem>>, vector<16xf32>,
    %swap3A_175 = arith.constant 560 : index
    %swap3A_176 = tpu.vector_load %arg6[%swap3A_175] {strides = array<i32>} : memref<640xf32, #tpu.memory_space<vmem>>, vector<16xf32>,
    %swap3A_177 = vector.shape_cast %swap3A_176 : vector<16xf32> to vector<16xf32>
    %swap3A_178 = vector.shape_cast %broadcast_in_dim3A_1 : vector<16xf32> to vector<16xf32>
    tpu.vector_store %arg6[%swap3A_175], %swap3A_178 {strides = array<i32>} : memref<640xf32, #tpu.memory_space<vmem>>, vector<16xf32>,
    %swap3A_179 = arith.constant 576 : index
    %swap3A_180 = tpu.vector_load %arg6[%swap3A_179] {strides = array<i32>} : memref<640xf32, #tpu.memory_space<vmem>>, vector<16xf32>,
    %swap3A_181 = vector.shape_cast %swap3A_180 : vector<16xf32> to vector<16xf32>
    %swap3A_182 = vector.shape_cast %broadcast_in_dim3A_1 : vector<16xf32> to vector<16xf32>
    tpu.vector_store %arg6[%swap3A_179], %swap3A_182 {strides = array<i32>} : memref<640xf32, #tpu.memory_space<vmem>>, vector<16xf32>,
    %swap3A_183 = arith.constant 592 : index
    %swap3A_184 = tpu.vector_load %arg6[%swap3A_183] {strides = array<i32>} : memref<640xf32, #tpu.memory_space<vmem>>, vector<16xf32>,
    %swap3A_185 = vector.shape_cast %swap3A_184 : vector<16xf32> to vector<16xf32>
    %swap3A_186 = vector.shape_cast %broadcast_in_dim3A_1 : vector<16xf32> to vector<16xf32>
    tpu.vector_store %arg6[%swap3A_183], %swap3A_186 {strides = array<i32>} : memref<640xf32, #tpu.memory_space<vmem>>, vector<16xf32>,
    %swap3A_187 = arith.constant 608 : index
    %swap3A_188 = tpu.vector_load %arg6[%swap3A_187] {strides = array<i32>} : memref<640xf32, #tpu.memory_space<vmem>>, vector<16xf32>,
    %swap3A_189 = vector.shape_cast %swap3A_188 : vector<16xf32> to vector<16xf32>
    %swap3A_190 = vector.shape_cast %broadcast_in_dim3A_1 : vector<16xf32> to vector<16xf32>
    tpu.vector_store %arg6[%swap3A_187], %swap3A_190 {strides = array<i32>} : memref<640xf32, #tpu.memory_space<vmem>>, vector<16xf32>,
    %swap3A_191 = arith.constant 624 : index
    %swap3A_192 = tpu.vector_load %arg6[%swap3A_191] {strides = array<i32>} : memref<640xf32, #tpu.memory_space<vmem>>, vector<16xf32>,
    %swap3A_193 = vector.shape_cast %swap3A_192 : vector<16xf32> to vector<16xf32>
    %swap3A_194 = vector.shape_cast %broadcast_in_dim3A_1 : vector<16xf32> to vector<16xf32>
    tpu.vector_store %arg6[%swap3A_191], %swap3A_194 {strides = array<i32>} : memref<640xf32, #tpu.memory_space<vmem>>, vector<16xf32>,
    %mul3A_195 = arith.constant 640 : i32
    %mul3A_196 = arith.muli %arg1, %mul3A_195 : i32
    "tpu.region"() ({
      %run_scoped3A = tpu.sem_alloc : memref<!tpu.dma_semaphore, #tpu.memory_space<semaphore_mem>>
      %dma_start3A = tpu.memref_slice %arg7[%mul3A_196] : memref<10240xf32, #tpu.memory_space<vmem_shared>> -> memref<640xf32, #tpu.memory_space<vmem_shared>>
      %dma_start3A_207 = tpu.memref_slice %arg7[%mul3A_196] : memref<10240xf32, #tpu.memory_space<vmem_shared>> -> memref<640xf32, #tpu.memory_space<vmem_shared>>
      tpu.enqueue_dma source(%arg6 : memref<640xf32, #tpu.memory_space<vmem>>) target(%dma_start3A_207 : memref<640xf32, #tpu.memory_space<vmem_shared>>) target_semaphore(%run_scoped3A : memref<!tpu.dma_semaphore, #tpu.memory_space<semaphore_mem>>)
      %dma_wait3A = tpu.memref_slice %arg7[%mul3A_196] : memref<10240xf32, #tpu.memory_space<vmem_shared>> -> memref<640xf32, #tpu.memory_space<vmem_shared>>
      %dma_wait3A_208 = tpu.memref_slice %arg7[%mul3A_196] : memref<10240xf32, #tpu.memory_space<vmem_shared>> -> memref<640xf32, #tpu.memory_space<vmem_shared>>
      tpu.wait_dma2 semaphore(%run_scoped3A : memref<!tpu.dma_semaphore, #tpu.memory_space<semaphore_mem>>) src(%arg6 : memref<640xf32, #tpu.memory_space<vmem>>) dst(%dma_wait3A_208 : memref<640xf32, #tpu.memory_space<vmem_shared>>)
      tpu.yield
    }) : () -> ()
    %barrier3A = arith.constant 0 : index
    tpu.barrier barrier_id(%barrier3A)
    %scan3A = arith.constant 0 : i32
    %scan3A_197 = arith.constant 0 : i32
    %scan3A_198 = arith.constant 80 : i32
    %scan3A_199 = arith.addi %scan3A_197, %scan3A_198 : i32
    %scan3A_200 = arith.constant 1 : i32
    scf.for %scan3A_207 = %scan3A_197 to %scan3A_199 step %scan3A_200  : i32 {
      "tpu.region"() ({
        %run_scoped3A = tpu.sem_alloc : memref<!tpu.dma_semaphore, #tpu.memory_space<semaphore_mem>>
        %dma_start3A = arith.constant 0 : i32
        %dma_start3A_208 = tpu.memref_slice %arg4[%scan3A_207, %dma_start3A] : memref<80x128xi32, #tpu.memory_space<vmem>> -> memref<1x128xi32, #tpu.memory_space<vmem>>
        %dma_start3A_209 = tpu.memref_squeeze %dma_start3A_208 : memref<1x128xi32, #tpu.memory_space<vmem>> -> memref<128xi32, #tpu.memory_space<vmem>>
        %dma_start3A_210 = arith.constant 0 : i32
        %dma_start3A_211 = tpu.memref_slice %arg7[%dma_start3A_210] : memref<10240xf32, #tpu.memory_space<vmem_shared>> -> memref<10240xf32, #tpu.memory_space<vmem_shared>>
        tpu.enqueue_indirect_dma source(%arg5 : memref<128xf32, #tpu.memory_space<vmem>>) target(%dma_start3A_211 : memref<10240xf32, #tpu.memory_space<vmem_shared>>) offsets(%dma_start3A_209 : memref<128xi32, #tpu.memory_space<vmem>>) semaphore(%run_scoped3A : memref<!tpu.dma_semaphore, #tpu.memory_space<semaphore_mem>>) {add = true}
        %dma_wait3A = arith.constant 0 : i32
        %dma_wait3A_212 = tpu.memref_slice %arg4[%scan3A_207, %dma_wait3A] : memref<80x128xi32, #tpu.memory_space<vmem>> -> memref<1x128xi32, #tpu.memory_space<vmem>>
        %dma_wait3A_213 = tpu.memref_squeeze %dma_wait3A_212 : memref<1x128xi32, #tpu.memory_space<vmem>> -> memref<128xi32, #tpu.memory_space<vmem>>
        %dma_wait3A_214 = arith.constant 0 : i32
        %dma_wait3A_215 = tpu.memref_slice %arg7[%dma_wait3A_214] : memref<10240xf32, #tpu.memory_space<vmem_shared>> -> memref<10240xf32, #tpu.memory_space<vmem_shared>>
        tpu.wait_indirect_dma semaphore(%run_scoped3A : memref<!tpu.dma_semaphore, #tpu.memory_space<semaphore_mem>>) src(%arg5 : memref<128xf32, #tpu.memory_space<vmem>>) dst(%dma_wait3A_215 : memref<10240xf32, #tpu.memory_space<vmem_shared>>)
        tpu.yield
      }) : () -> ()
    }
    %scan3A_201 = arith.constant 80 : i32
    %barrier3A_202 = arith.constant 0 : index
    tpu.barrier barrier_id(%barrier3A_202)
    %mul3A_203 = arith.constant 640 : i32
    %mul3A_204 = arith.muli %arg1, %mul3A_203 : i32
    "tpu.region"() ({
      %run_scoped3A = tpu.sem_alloc : memref<!tpu.dma_semaphore, #tpu.memory_space<semaphore_mem>>
      %dma_start3A = tpu.memref_slice %arg7[%mul3A_204] : memref<10240xf32, #tpu.memory_space<vmem_shared>> -> memref<640xf32, #tpu.memory_space<vmem_shared>>
      %dma_start3A_207 = tpu.memref_slice %arg7[%mul3A_204] : memref<10240xf32, #tpu.memory_space<vmem_shared>> -> memref<640xf32, #tpu.memory_space<vmem_shared>>
      tpu.enqueue_dma source(%dma_start3A_207 : memref<640xf32, #tpu.memory_space<vmem_shared>>) target(%arg6 : memref<640xf32, #tpu.memory_space<vmem>>) target_semaphore(%run_scoped3A : memref<!tpu.dma_semaphore, #tpu.memory_space<semaphore_mem>>)
      %dma_wait3A = tpu.memref_slice %arg7[%mul3A_204] : memref<10240xf32, #tpu.memory_space<vmem_shared>> -> memref<640xf32, #tpu.memory_space<vmem_shared>>
      %dma_wait3A_208 = tpu.memref_slice %arg7[%mul3A_204] : memref<10240xf32, #tpu.memory_space<vmem_shared>> -> memref<640xf32, #tpu.memory_space<vmem_shared>>
      tpu.wait_dma2 semaphore(%run_scoped3A : memref<!tpu.dma_semaphore, #tpu.memory_space<semaphore_mem>>) src(%dma_wait3A_208 : memref<640xf32, #tpu.memory_space<vmem_shared>>) dst(%arg6 : memref<640xf32, #tpu.memory_space<vmem>>)
      tpu.yield
    }) : () -> ()
    %mul3A_205 = arith.constant 640 : i32
    %mul3A_206 = arith.muli %arg1, %mul3A_205 : i32
    "tpu.region"() ({
      %run_scoped3A = tpu.sem_alloc : memref<!tpu.dma_semaphore, #tpu.memory_space<semaphore_mem>>
      %dma_start3A = tpu.memref_slice %arg3[%arg0, %mul3A_206] : memref<2x10240xf32, #tpu.memory_space<hbm>> -> memref<1x640xf32, #tpu.memory_space<hbm>>
      %dma_start3A_207 = tpu.memref_squeeze %dma_start3A : memref<1x640xf32, #tpu.memory_space<hbm>> -> memref<640xf32, #tpu.memory_space<hbm>>
      %dma_start3A_208 = tpu.memref_slice %arg3[%arg0, %mul3A_206] : memref<2x10240xf32, #tpu.memory_space<hbm>> -> memref<1x640xf32, #tpu.memory_space<hbm>>
      %dma_start3A_209 = tpu.memref_squeeze %dma_start3A_208 : memref<1x640xf32, #tpu.memory_space<hbm>> -> memref<640xf32, #tpu.memory_space<hbm>>
      tpu.enqueue_dma source(%arg6 : memref<640xf32, #tpu.memory_space<vmem>>) target(%dma_start3A_209 : memref<640xf32, #tpu.memory_space<hbm>>) target_semaphore(%run_scoped3A : memref<!tpu.dma_semaphore, #tpu.memory_space<semaphore_mem>>)
      %dma_wait3A = tpu.memref_slice %arg3[%arg0, %mul3A_206] : memref<2x10240xf32, #tpu.memory_space<hbm>> -> memref<1x640xf32, #tpu.memory_space<hbm>>
      %dma_wait3A_210 = tpu.memref_squeeze %dma_wait3A : memref<1x640xf32, #tpu.memory_space<hbm>> -> memref<640xf32, #tpu.memory_space<hbm>>
      %dma_wait3A_211 = tpu.memref_slice %arg3[%arg0, %mul3A_206] : memref<2x10240xf32, #tpu.memory_space<hbm>> -> memref<1x640xf32, #tpu.memory_space<hbm>>
      %dma_wait3A_212 = tpu.memref_squeeze %dma_wait3A_211 : memref<1x640xf32, #tpu.memory_space<hbm>> -> memref<640xf32, #tpu.memory_space<hbm>>
      tpu.wait_dma2 semaphore(%run_scoped3A : memref<!tpu.dma_semaphore, #tpu.memory_space<semaphore_mem>>) src(%arg6 : memref<640xf32, #tpu.memory_space<vmem>>) dst(%dma_wait3A_212 : memref<640xf32, #tpu.memory_space<hbm>>)
      tpu.yield
    }) : () -> ()
    return
  }
}

#map = affine_map<(d0, d1) -> (0, 0)>
#map1 = affine_map<(d0, d1) -> (0, 0, 0)>
module attributes {stable_mosaic.version = 14 : i64} {
  func.func @_agg_body(%arg0: i32, %arg1: i32, %arg2: memref<10240x128xf32, #tpu.memory_space<hbm>>, %arg3: memref<2560x128xi32, #tpu.memory_space<hbm>>, %arg4: memref<64x128xf32, #tpu.memory_space<hbm>>, %arg5: memref<2x10240x128xf32, #tpu.memory_space<hbm>>, %arg6: memref<144x128xi32, #tpu.memory_space<vmem>>, %arg7: memref<3x64xi32, #tpu.memory_space<vmem>>, %arg8: memref<3x64xi32, #tpu.memory_space<vmem>>, %arg9: memref<3x64x128xf32, #tpu.memory_space<vmem>>, %arg10: memref<10240x128xf32, #tpu.memory_space<vmem_shared>>, %arg11: memref<3x!tpu.dma_semaphore, #tpu.memory_space<semaphore_mem>>, %arg12: memref<3x!tpu.dma_semaphore, #tpu.memory_space<semaphore_mem>>) attributes {dimension_semantics = [#tpu.dimension_semantics<core_parallel>, #tpu.dimension_semantics<subcore_parallel>], iteration_bounds = array<i64: 2, 16>, scalar_prefetch = 0 : i64, scratch_operands = 7 : i64, tpu.core_type = #tpu.core_type<sc_vector_subcore>, window_params = [{transform_indices = #map}, {transform_indices = #map}, {transform_indices = #map}, {transform_indices = #map1}]} {
    %eq3A = arith.constant 0 : i32
    %eq3A_0 = arith.cmpi eq, %arg0, %eq3A : i32
    %jit3A = arith.constant 288 : i32
    %jit3A_1 = arith.constant 32 : i32
    %select_n3A = arith.select %eq3A_0, %jit3A, %jit3A_1 : i32
    %eq3A_2 = arith.constant 0 : i32
    %eq3A_3 = arith.cmpi eq, %arg0, %eq3A_2 : i32
    %convert_element_type3A = arith.extui %eq3A_3 : i1 to i32
    %cond3A = arith.constant 0 : i32
    %cond3A_4 = arith.cmpi ne, %convert_element_type3A, %cond3A : i32
    scf.if %cond3A_4 {
      %mul3A_142 = arith.constant 144 : i32
      %mul3A_143 = arith.muli %arg1, %mul3A_142 : i32
      "tpu.region"() ({
        %run_scoped3A_144 = tpu.sem_alloc : memref<!tpu.dma_semaphore, #tpu.memory_space<semaphore_mem>>
        %dma_start3A = arith.constant 0 : i32
        %dma_start3A_145 = arith.constant 0 : i32
        %dma_start3A_146 = tpu.memref_slice %arg6[%dma_start3A, %dma_start3A_145] : memref<144x128xi32, #tpu.memory_space<vmem>> -> memref<144x128xi32, #tpu.memory_space<vmem>>
        %dma_start3A_147 = arith.constant 0 : i32
        %dma_start3A_148 = tpu.memref_slice %arg3[%mul3A_143, %dma_start3A_147] : memref<2560x128xi32, #tpu.memory_space<hbm>> -> memref<144x128xi32, #tpu.memory_space<hbm>>
        %dma_start3A_149 = arith.constant 0 : i32
        %dma_start3A_150 = arith.constant 0 : i32
        %dma_start3A_151 = tpu.memref_slice %arg6[%dma_start3A_149, %dma_start3A_150] : memref<144x128xi32, #tpu.memory_space<vmem>> -> memref<144x128xi32, #tpu.memory_space<vmem>>
        %dma_start3A_152 = arith.constant 0 : i32
        %dma_start3A_153 = tpu.memref_slice %arg3[%mul3A_143, %dma_start3A_152] : memref<2560x128xi32, #tpu.memory_space<hbm>> -> memref<144x128xi32, #tpu.memory_space<hbm>>
        tpu.enqueue_dma source(%dma_start3A_153 : memref<144x128xi32, #tpu.memory_space<hbm>>) target(%dma_start3A_151 : memref<144x128xi32, #tpu.memory_space<vmem>>) target_semaphore(%run_scoped3A_144 : memref<!tpu.dma_semaphore, #tpu.memory_space<semaphore_mem>>)
        %dma_wait3A = arith.constant 0 : i32
        %dma_wait3A_154 = arith.constant 0 : i32
        %dma_wait3A_155 = tpu.memref_slice %arg6[%dma_wait3A, %dma_wait3A_154] : memref<144x128xi32, #tpu.memory_space<vmem>> -> memref<144x128xi32, #tpu.memory_space<vmem>>
        %dma_wait3A_156 = arith.constant 0 : i32
        %dma_wait3A_157 = tpu.memref_slice %arg3[%mul3A_143, %dma_wait3A_156] : memref<2560x128xi32, #tpu.memory_space<hbm>> -> memref<144x128xi32, #tpu.memory_space<hbm>>
        %dma_wait3A_158 = arith.constant 0 : i32
        %dma_wait3A_159 = arith.constant 0 : i32
        %dma_wait3A_160 = tpu.memref_slice %arg6[%dma_wait3A_158, %dma_wait3A_159] : memref<144x128xi32, #tpu.memory_space<vmem>> -> memref<144x128xi32, #tpu.memory_space<vmem>>
        %dma_wait3A_161 = arith.constant 0 : i32
        %dma_wait3A_162 = tpu.memref_slice %arg3[%mul3A_143, %dma_wait3A_161] : memref<2560x128xi32, #tpu.memory_space<hbm>> -> memref<144x128xi32, #tpu.memory_space<hbm>>
        tpu.wait_dma2 semaphore(%run_scoped3A_144 : memref<!tpu.dma_semaphore, #tpu.memory_space<semaphore_mem>>) src(%dma_wait3A_162 : memref<144x128xi32, #tpu.memory_space<hbm>>) dst(%dma_wait3A_160 : memref<144x128xi32, #tpu.memory_space<vmem>>)
        tpu.yield
      }) : () -> ()
    } else {
    }
    %eq3A_5 = arith.constant 1 : i32
    %eq3A_6 = arith.cmpi eq, %arg0, %eq3A_5 : i32
    %convert_element_type3A_7 = arith.extui %eq3A_6 : i1 to i32
    %cond3A_8 = arith.constant 0 : i32
    %cond3A_9 = arith.cmpi ne, %convert_element_type3A_7, %cond3A_8 : i32
    scf.if %cond3A_9 {
      %mul3A_142 = arith.constant 16 : i32
      %mul3A_143 = arith.muli %arg1, %mul3A_142 : i32
      %add3A_144 = arith.constant 2304 : i32
      %add3A_145 = arith.addi %add3A_144, %mul3A_143 : i32
      "tpu.region"() ({
        %run_scoped3A_146 = tpu.sem_alloc : memref<!tpu.dma_semaphore, #tpu.memory_space<semaphore_mem>>
        %dma_start3A = arith.constant 0 : i32
        %dma_start3A_147 = arith.constant 0 : i32
        %dma_start3A_148 = tpu.memref_slice %arg6[%dma_start3A, %dma_start3A_147] : memref<144x128xi32, #tpu.memory_space<vmem>> -> memref<16x128xi32, #tpu.memory_space<vmem>>
        %dma_start3A_149 = arith.constant 0 : i32
        %dma_start3A_150 = tpu.memref_slice %arg3[%add3A_145, %dma_start3A_149] : memref<2560x128xi32, #tpu.memory_space<hbm>> -> memref<16x128xi32, #tpu.memory_space<hbm>>
        %dma_start3A_151 = arith.constant 0 : i32
        %dma_start3A_152 = arith.constant 0 : i32
        %dma_start3A_153 = tpu.memref_slice %arg6[%dma_start3A_151, %dma_start3A_152] : memref<144x128xi32, #tpu.memory_space<vmem>> -> memref<16x128xi32, #tpu.memory_space<vmem>>
        %dma_start3A_154 = arith.constant 0 : i32
        %dma_start3A_155 = tpu.memref_slice %arg3[%add3A_145, %dma_start3A_154] : memref<2560x128xi32, #tpu.memory_space<hbm>> -> memref<16x128xi32, #tpu.memory_space<hbm>>
        tpu.enqueue_dma source(%dma_start3A_155 : memref<16x128xi32, #tpu.memory_space<hbm>>) target(%dma_start3A_153 : memref<16x128xi32, #tpu.memory_space<vmem>>) target_semaphore(%run_scoped3A_146 : memref<!tpu.dma_semaphore, #tpu.memory_space<semaphore_mem>>)
        %dma_wait3A = arith.constant 0 : i32
        %dma_wait3A_156 = arith.constant 0 : i32
        %dma_wait3A_157 = tpu.memref_slice %arg6[%dma_wait3A, %dma_wait3A_156] : memref<144x128xi32, #tpu.memory_space<vmem>> -> memref<16x128xi32, #tpu.memory_space<vmem>>
        %dma_wait3A_158 = arith.constant 0 : i32
        %dma_wait3A_159 = tpu.memref_slice %arg3[%add3A_145, %dma_wait3A_158] : memref<2560x128xi32, #tpu.memory_space<hbm>> -> memref<16x128xi32, #tpu.memory_space<hbm>>
        %dma_wait3A_160 = arith.constant 0 : i32
        %dma_wait3A_161 = arith.constant 0 : i32
        %dma_wait3A_162 = tpu.memref_slice %arg6[%dma_wait3A_160, %dma_wait3A_161] : memref<144x128xi32, #tpu.memory_space<vmem>> -> memref<16x128xi32, #tpu.memory_space<vmem>>
        %dma_wait3A_163 = arith.constant 0 : i32
        %dma_wait3A_164 = tpu.memref_slice %arg3[%add3A_145, %dma_wait3A_163] : memref<2560x128xi32, #tpu.memory_space<hbm>> -> memref<16x128xi32, #tpu.memory_space<hbm>>
        tpu.wait_dma2 semaphore(%run_scoped3A_146 : memref<!tpu.dma_semaphore, #tpu.memory_space<semaphore_mem>>) src(%dma_wait3A_164 : memref<16x128xi32, #tpu.memory_space<hbm>>) dst(%dma_wait3A_162 : memref<16x128xi32, #tpu.memory_space<vmem>>)
        tpu.yield
      }) : () -> ()
    } else {
    }
    %run_scoped3A = arith.constant 0 : i32
    "tpu.region"() ({
      %run_scoped3A_142 = tpu.sem_alloc : memref<!tpu.dma_semaphore, #tpu.memory_space<semaphore_mem>>
      %dma_start3A = arith.constant 0 : i32
      %dma_start3A_143 = arith.constant 0 : i32
      %dma_start3A_144 = tpu.memref_slice %arg9[%run_scoped3A, %dma_start3A, %dma_start3A_143] : memref<3x64x128xf32, #tpu.memory_space<vmem>> -> memref<1x64x128xf32, #tpu.memory_space<vmem>>
      %dma_start3A_145 = tpu.memref_squeeze %dma_start3A_144 : memref<1x64x128xf32, #tpu.memory_space<vmem>> -> memref<64x128xf32, #tpu.memory_space<vmem>>
      %dma_start3A_146 = arith.constant 0 : i32
      %dma_start3A_147 = arith.constant 0 : i32
      %dma_start3A_148 = tpu.memref_slice %arg9[%run_scoped3A, %dma_start3A_146, %dma_start3A_147] : memref<3x64x128xf32, #tpu.memory_space<vmem>> -> memref<1x64x128xf32, #tpu.memory_space<vmem>>
      %dma_start3A_149 = tpu.memref_squeeze %dma_start3A_148 : memref<1x64x128xf32, #tpu.memory_space<vmem>> -> memref<64x128xf32, #tpu.memory_space<vmem>>
      tpu.enqueue_dma source(%arg4 : memref<64x128xf32, #tpu.memory_space<hbm>>) target(%dma_start3A_149 : memref<64x128xf32, #tpu.memory_space<vmem>>) target_semaphore(%run_scoped3A_142 : memref<!tpu.dma_semaphore, #tpu.memory_space<semaphore_mem>>)
      %dma_wait3A = arith.constant 0 : i32
      %dma_wait3A_150 = arith.constant 0 : i32
      %dma_wait3A_151 = tpu.memref_slice %arg9[%run_scoped3A, %dma_wait3A, %dma_wait3A_150] : memref<3x64x128xf32, #tpu.memory_space<vmem>> -> memref<1x64x128xf32, #tpu.memory_space<vmem>>
      %dma_wait3A_152 = tpu.memref_squeeze %dma_wait3A_151 : memref<1x64x128xf32, #tpu.memory_space<vmem>> -> memref<64x128xf32, #tpu.memory_space<vmem>>
      %dma_wait3A_153 = arith.constant 0 : i32
      %dma_wait3A_154 = arith.constant 0 : i32
      %dma_wait3A_155 = tpu.memref_slice %arg9[%run_scoped3A, %dma_wait3A_153, %dma_wait3A_154] : memref<3x64x128xf32, #tpu.memory_space<vmem>> -> memref<1x64x128xf32, #tpu.memory_space<vmem>>
      %dma_wait3A_156 = tpu.memref_squeeze %dma_wait3A_155 : memref<1x64x128xf32, #tpu.memory_space<vmem>> -> memref<64x128xf32, #tpu.memory_space<vmem>>
      tpu.wait_dma2 semaphore(%run_scoped3A_142 : memref<!tpu.dma_semaphore, #tpu.memory_space<semaphore_mem>>) src(%arg4 : memref<64x128xf32, #tpu.memory_space<hbm>>) dst(%dma_wait3A_156 : memref<64x128xf32, #tpu.memory_space<vmem>>)
      tpu.yield
    }) : () -> ()
    %mul3A = arith.constant 640 : i32
    %mul3A_10 = arith.muli %arg1, %mul3A : i32
    %add3A = arith.constant 0 : i32
    %add3A_11 = arith.addi %mul3A_10, %add3A : i32
    %run_scoped3A_12 = arith.constant 0 : i32
    "tpu.region"() ({
      %run_scoped3A_142 = tpu.sem_alloc : memref<!tpu.dma_semaphore, #tpu.memory_space<semaphore_mem>>
      %dma_start3A = arith.constant 0 : i32
      %dma_start3A_143 = arith.constant 0 : i32
      %dma_start3A_144 = tpu.memref_slice %arg9[%run_scoped3A_12, %dma_start3A, %dma_start3A_143] : memref<3x64x128xf32, #tpu.memory_space<vmem>> -> memref<1x64x128xf32, #tpu.memory_space<vmem>>
      %dma_start3A_145 = tpu.memref_squeeze %dma_start3A_144 : memref<1x64x128xf32, #tpu.memory_space<vmem>> -> memref<64x128xf32, #tpu.memory_space<vmem>>
      %dma_start3A_146 = arith.constant 0 : i32
      %dma_start3A_147 = tpu.memref_slice %arg10[%add3A_11, %dma_start3A_146] : memref<10240x128xf32, #tpu.memory_space<vmem_shared>> -> memref<64x128xf32, #tpu.memory_space<vmem_shared>>
      %dma_start3A_148 = arith.constant 0 : i32
      %dma_start3A_149 = tpu.memref_slice %arg10[%add3A_11, %dma_start3A_148] : memref<10240x128xf32, #tpu.memory_space<vmem_shared>> -> memref<64x128xf32, #tpu.memory_space<vmem_shared>>
      %dma_start3A_150 = arith.constant 0 : i32
      %dma_start3A_151 = arith.constant 0 : i32
      %dma_start3A_152 = tpu.memref_slice %arg9[%run_scoped3A_12, %dma_start3A_150, %dma_start3A_151] : memref<3x64x128xf32, #tpu.memory_space<vmem>> -> memref<1x64x128xf32, #tpu.memory_space<vmem>>
      %dma_start3A_153 = tpu.memref_squeeze %dma_start3A_152 : memref<1x64x128xf32, #tpu.memory_space<vmem>> -> memref<64x128xf32, #tpu.memory_space<vmem>>
      tpu.enqueue_dma source(%dma_start3A_153 : memref<64x128xf32, #tpu.memory_space<vmem>>) target(%dma_start3A_149 : memref<64x128xf32, #tpu.memory_space<vmem_shared>>) target_semaphore(%run_scoped3A_142 : memref<!tpu.dma_semaphore, #tpu.memory_space<semaphore_mem>>)
      %dma_wait3A = arith.constant 0 : i32
      %dma_wait3A_154 = arith.constant 0 : i32
      %dma_wait3A_155 = tpu.memref_slice %arg9[%run_scoped3A_12, %dma_wait3A, %dma_wait3A_154] : memref<3x64x128xf32, #tpu.memory_space<vmem>> -> memref<1x64x128xf32, #tpu.memory_space<vmem>>
      %dma_wait3A_156 = tpu.memref_squeeze %dma_wait3A_155 : memref<1x64x128xf32, #tpu.memory_space<vmem>> -> memref<64x128xf32, #tpu.memory_space<vmem>>
      %dma_wait3A_157 = arith.constant 0 : i32
      %dma_wait3A_158 = tpu.memref_slice %arg10[%add3A_11, %dma_wait3A_157] : memref<10240x128xf32, #tpu.memory_space<vmem_shared>> -> memref<64x128xf32, #tpu.memory_space<vmem_shared>>
      %dma_wait3A_159 = arith.constant 0 : i32
      %dma_wait3A_160 = tpu.memref_slice %arg10[%add3A_11, %dma_wait3A_159] : memref<10240x128xf32, #tpu.memory_space<vmem_shared>> -> memref<64x128xf32, #tpu.memory_space<vmem_shared>>
      %dma_wait3A_161 = arith.constant 0 : i32
      %dma_wait3A_162 = arith.constant 0 : i32
      %dma_wait3A_163 = tpu.memref_slice %arg9[%run_scoped3A_12, %dma_wait3A_161, %dma_wait3A_162] : memref<3x64x128xf32, #tpu.memory_space<vmem>> -> memref<1x64x128xf32, #tpu.memory_space<vmem>>
      %dma_wait3A_164 = tpu.memref_squeeze %dma_wait3A_163 : memref<1x64x128xf32, #tpu.memory_space<vmem>> -> memref<64x128xf32, #tpu.memory_space<vmem>>
      tpu.wait_dma2 semaphore(%run_scoped3A_142 : memref<!tpu.dma_semaphore, #tpu.memory_space<semaphore_mem>>) src(%dma_wait3A_164 : memref<64x128xf32, #tpu.memory_space<vmem>>) dst(%dma_wait3A_160 : memref<64x128xf32, #tpu.memory_space<vmem_shared>>)
      tpu.yield
    }) : () -> ()
    %mul3A_13 = arith.constant 640 : i32
    %mul3A_14 = arith.muli %arg1, %mul3A_13 : i32
    %add3A_15 = arith.constant 64 : i32
    %add3A_16 = arith.addi %mul3A_14, %add3A_15 : i32
    %run_scoped3A_17 = arith.constant 0 : i32
    "tpu.region"() ({
      %run_scoped3A_142 = tpu.sem_alloc : memref<!tpu.dma_semaphore, #tpu.memory_space<semaphore_mem>>
      %dma_start3A = arith.constant 0 : i32
      %dma_start3A_143 = arith.constant 0 : i32
      %dma_start3A_144 = tpu.memref_slice %arg9[%run_scoped3A_17, %dma_start3A, %dma_start3A_143] : memref<3x64x128xf32, #tpu.memory_space<vmem>> -> memref<1x64x128xf32, #tpu.memory_space<vmem>>
      %dma_start3A_145 = tpu.memref_squeeze %dma_start3A_144 : memref<1x64x128xf32, #tpu.memory_space<vmem>> -> memref<64x128xf32, #tpu.memory_space<vmem>>
      %dma_start3A_146 = arith.constant 0 : i32
      %dma_start3A_147 = tpu.memref_slice %arg10[%add3A_16, %dma_start3A_146] : memref<10240x128xf32, #tpu.memory_space<vmem_shared>> -> memref<64x128xf32, #tpu.memory_space<vmem_shared>>
      %dma_start3A_148 = arith.constant 0 : i32
      %dma_start3A_149 = tpu.memref_slice %arg10[%add3A_16, %dma_start3A_148] : memref<10240x128xf32, #tpu.memory_space<vmem_shared>> -> memref<64x128xf32, #tpu.memory_space<vmem_shared>>
      %dma_start3A_150 = arith.constant 0 : i32
      %dma_start3A_151 = arith.constant 0 : i32
      %dma_start3A_152 = tpu.memref_slice %arg9[%run_scoped3A_17, %dma_start3A_150, %dma_start3A_151] : memref<3x64x128xf32, #tpu.memory_space<vmem>> -> memref<1x64x128xf32, #tpu.memory_space<vmem>>
      %dma_start3A_153 = tpu.memref_squeeze %dma_start3A_152 : memref<1x64x128xf32, #tpu.memory_space<vmem>> -> memref<64x128xf32, #tpu.memory_space<vmem>>
      tpu.enqueue_dma source(%dma_start3A_153 : memref<64x128xf32, #tpu.memory_space<vmem>>) target(%dma_start3A_149 : memref<64x128xf32, #tpu.memory_space<vmem_shared>>) target_semaphore(%run_scoped3A_142 : memref<!tpu.dma_semaphore, #tpu.memory_space<semaphore_mem>>)
      %dma_wait3A = arith.constant 0 : i32
      %dma_wait3A_154 = arith.constant 0 : i32
      %dma_wait3A_155 = tpu.memref_slice %arg9[%run_scoped3A_17, %dma_wait3A, %dma_wait3A_154] : memref<3x64x128xf32, #tpu.memory_space<vmem>> -> memref<1x64x128xf32, #tpu.memory_space<vmem>>
      %dma_wait3A_156 = tpu.memref_squeeze %dma_wait3A_155 : memref<1x64x128xf32, #tpu.memory_space<vmem>> -> memref<64x128xf32, #tpu.memory_space<vmem>>
      %dma_wait3A_157 = arith.constant 0 : i32
      %dma_wait3A_158 = tpu.memref_slice %arg10[%add3A_16, %dma_wait3A_157] : memref<10240x128xf32, #tpu.memory_space<vmem_shared>> -> memref<64x128xf32, #tpu.memory_space<vmem_shared>>
      %dma_wait3A_159 = arith.constant 0 : i32
      %dma_wait3A_160 = tpu.memref_slice %arg10[%add3A_16, %dma_wait3A_159] : memref<10240x128xf32, #tpu.memory_space<vmem_shared>> -> memref<64x128xf32, #tpu.memory_space<vmem_shared>>
      %dma_wait3A_161 = arith.constant 0 : i32
      %dma_wait3A_162 = arith.constant 0 : i32
      %dma_wait3A_163 = tpu.memref_slice %arg9[%run_scoped3A_17, %dma_wait3A_161, %dma_wait3A_162] : memref<3x64x128xf32, #tpu.memory_space<vmem>> -> memref<1x64x128xf32, #tpu.memory_space<vmem>>
      %dma_wait3A_164 = tpu.memref_squeeze %dma_wait3A_163 : memref<1x64x128xf32, #tpu.memory_space<vmem>> -> memref<64x128xf32, #tpu.memory_space<vmem>>
      tpu.wait_dma2 semaphore(%run_scoped3A_142 : memref<!tpu.dma_semaphore, #tpu.memory_space<semaphore_mem>>) src(%dma_wait3A_164 : memref<64x128xf32, #tpu.memory_space<vmem>>) dst(%dma_wait3A_160 : memref<64x128xf32, #tpu.memory_space<vmem_shared>>)
      tpu.yield
    }) : () -> ()
    %mul3A_18 = arith.constant 640 : i32
    %mul3A_19 = arith.muli %arg1, %mul3A_18 : i32
    %add3A_20 = arith.constant 128 : i32
    %add3A_21 = arith.addi %mul3A_19, %add3A_20 : i32
    %run_scoped3A_22 = arith.constant 0 : i32
    "tpu.region"() ({
      %run_scoped3A_142 = tpu.sem_alloc : memref<!tpu.dma_semaphore, #tpu.memory_space<semaphore_mem>>
      %dma_start3A = arith.constant 0 : i32
      %dma_start3A_143 = arith.constant 0 : i32
      %dma_start3A_144 = tpu.memref_slice %arg9[%run_scoped3A_22, %dma_start3A, %dma_start3A_143] : memref<3x64x128xf32, #tpu.memory_space<vmem>> -> memref<1x64x128xf32, #tpu.memory_space<vmem>>
      %dma_start3A_145 = tpu.memref_squeeze %dma_start3A_144 : memref<1x64x128xf32, #tpu.memory_space<vmem>> -> memref<64x128xf32, #tpu.memory_space<vmem>>
      %dma_start3A_146 = arith.constant 0 : i32
      %dma_start3A_147 = tpu.memref_slice %arg10[%add3A_21, %dma_start3A_146] : memref<10240x128xf32, #tpu.memory_space<vmem_shared>> -> memref<64x128xf32, #tpu.memory_space<vmem_shared>>
      %dma_start3A_148 = arith.constant 0 : i32
      %dma_start3A_149 = tpu.memref_slice %arg10[%add3A_21, %dma_start3A_148] : memref<10240x128xf32, #tpu.memory_space<vmem_shared>> -> memref<64x128xf32, #tpu.memory_space<vmem_shared>>
      %dma_start3A_150 = arith.constant 0 : i32
      %dma_start3A_151 = arith.constant 0 : i32
      %dma_start3A_152 = tpu.memref_slice %arg9[%run_scoped3A_22, %dma_start3A_150, %dma_start3A_151] : memref<3x64x128xf32, #tpu.memory_space<vmem>> -> memref<1x64x128xf32, #tpu.memory_space<vmem>>
      %dma_start3A_153 = tpu.memref_squeeze %dma_start3A_152 : memref<1x64x128xf32, #tpu.memory_space<vmem>> -> memref<64x128xf32, #tpu.memory_space<vmem>>
      tpu.enqueue_dma source(%dma_start3A_153 : memref<64x128xf32, #tpu.memory_space<vmem>>) target(%dma_start3A_149 : memref<64x128xf32, #tpu.memory_space<vmem_shared>>) target_semaphore(%run_scoped3A_142 : memref<!tpu.dma_semaphore, #tpu.memory_space<semaphore_mem>>)
      %dma_wait3A = arith.constant 0 : i32
      %dma_wait3A_154 = arith.constant 0 : i32
      %dma_wait3A_155 = tpu.memref_slice %arg9[%run_scoped3A_22, %dma_wait3A, %dma_wait3A_154] : memref<3x64x128xf32, #tpu.memory_space<vmem>> -> memref<1x64x128xf32, #tpu.memory_space<vmem>>
      %dma_wait3A_156 = tpu.memref_squeeze %dma_wait3A_155 : memref<1x64x128xf32, #tpu.memory_space<vmem>> -> memref<64x128xf32, #tpu.memory_space<vmem>>
      %dma_wait3A_157 = arith.constant 0 : i32
      %dma_wait3A_158 = tpu.memref_slice %arg10[%add3A_21, %dma_wait3A_157] : memref<10240x128xf32, #tpu.memory_space<vmem_shared>> -> memref<64x128xf32, #tpu.memory_space<vmem_shared>>
      %dma_wait3A_159 = arith.constant 0 : i32
      %dma_wait3A_160 = tpu.memref_slice %arg10[%add3A_21, %dma_wait3A_159] : memref<10240x128xf32, #tpu.memory_space<vmem_shared>> -> memref<64x128xf32, #tpu.memory_space<vmem_shared>>
      %dma_wait3A_161 = arith.constant 0 : i32
      %dma_wait3A_162 = arith.constant 0 : i32
      %dma_wait3A_163 = tpu.memref_slice %arg9[%run_scoped3A_22, %dma_wait3A_161, %dma_wait3A_162] : memref<3x64x128xf32, #tpu.memory_space<vmem>> -> memref<1x64x128xf32, #tpu.memory_space<vmem>>
      %dma_wait3A_164 = tpu.memref_squeeze %dma_wait3A_163 : memref<1x64x128xf32, #tpu.memory_space<vmem>> -> memref<64x128xf32, #tpu.memory_space<vmem>>
      tpu.wait_dma2 semaphore(%run_scoped3A_142 : memref<!tpu.dma_semaphore, #tpu.memory_space<semaphore_mem>>) src(%dma_wait3A_164 : memref<64x128xf32, #tpu.memory_space<vmem>>) dst(%dma_wait3A_160 : memref<64x128xf32, #tpu.memory_space<vmem_shared>>)
      tpu.yield
    }) : () -> ()
    %mul3A_23 = arith.constant 640 : i32
    %mul3A_24 = arith.muli %arg1, %mul3A_23 : i32
    %add3A_25 = arith.constant 192 : i32
    %add3A_26 = arith.addi %mul3A_24, %add3A_25 : i32
    %run_scoped3A_27 = arith.constant 0 : i32
    "tpu.region"() ({
      %run_scoped3A_142 = tpu.sem_alloc : memref<!tpu.dma_semaphore, #tpu.memory_space<semaphore_mem>>
      %dma_start3A = arith.constant 0 : i32
      %dma_start3A_143 = arith.constant 0 : i32
      %dma_start3A_144 = tpu.memref_slice %arg9[%run_scoped3A_27, %dma_start3A, %dma_start3A_143] : memref<3x64x128xf32, #tpu.memory_space<vmem>> -> memref<1x64x128xf32, #tpu.memory_space<vmem>>
      %dma_start3A_145 = tpu.memref_squeeze %dma_start3A_144 : memref<1x64x128xf32, #tpu.memory_space<vmem>> -> memref<64x128xf32, #tpu.memory_space<vmem>>
      %dma_start3A_146 = arith.constant 0 : i32
      %dma_start3A_147 = tpu.memref_slice %arg10[%add3A_26, %dma_start3A_146] : memref<10240x128xf32, #tpu.memory_space<vmem_shared>> -> memref<64x128xf32, #tpu.memory_space<vmem_shared>>
      %dma_start3A_148 = arith.constant 0 : i32
      %dma_start3A_149 = tpu.memref_slice %arg10[%add3A_26, %dma_start3A_148] : memref<10240x128xf32, #tpu.memory_space<vmem_shared>> -> memref<64x128xf32, #tpu.memory_space<vmem_shared>>
      %dma_start3A_150 = arith.constant 0 : i32
      %dma_start3A_151 = arith.constant 0 : i32
      %dma_start3A_152 = tpu.memref_slice %arg9[%run_scoped3A_27, %dma_start3A_150, %dma_start3A_151] : memref<3x64x128xf32, #tpu.memory_space<vmem>> -> memref<1x64x128xf32, #tpu.memory_space<vmem>>
      %dma_start3A_153 = tpu.memref_squeeze %dma_start3A_152 : memref<1x64x128xf32, #tpu.memory_space<vmem>> -> memref<64x128xf32, #tpu.memory_space<vmem>>
      tpu.enqueue_dma source(%dma_start3A_153 : memref<64x128xf32, #tpu.memory_space<vmem>>) target(%dma_start3A_149 : memref<64x128xf32, #tpu.memory_space<vmem_shared>>) target_semaphore(%run_scoped3A_142 : memref<!tpu.dma_semaphore, #tpu.memory_space<semaphore_mem>>)
      %dma_wait3A = arith.constant 0 : i32
      %dma_wait3A_154 = arith.constant 0 : i32
      %dma_wait3A_155 = tpu.memref_slice %arg9[%run_scoped3A_27, %dma_wait3A, %dma_wait3A_154] : memref<3x64x128xf32, #tpu.memory_space<vmem>> -> memref<1x64x128xf32, #tpu.memory_space<vmem>>
      %dma_wait3A_156 = tpu.memref_squeeze %dma_wait3A_155 : memref<1x64x128xf32, #tpu.memory_space<vmem>> -> memref<64x128xf32, #tpu.memory_space<vmem>>
      %dma_wait3A_157 = arith.constant 0 : i32
      %dma_wait3A_158 = tpu.memref_slice %arg10[%add3A_26, %dma_wait3A_157] : memref<10240x128xf32, #tpu.memory_space<vmem_shared>> -> memref<64x128xf32, #tpu.memory_space<vmem_shared>>
      %dma_wait3A_159 = arith.constant 0 : i32
      %dma_wait3A_160 = tpu.memref_slice %arg10[%add3A_26, %dma_wait3A_159] : memref<10240x128xf32, #tpu.memory_space<vmem_shared>> -> memref<64x128xf32, #tpu.memory_space<vmem_shared>>
      %dma_wait3A_161 = arith.constant 0 : i32
      %dma_wait3A_162 = arith.constant 0 : i32
      %dma_wait3A_163 = tpu.memref_slice %arg9[%run_scoped3A_27, %dma_wait3A_161, %dma_wait3A_162] : memref<3x64x128xf32, #tpu.memory_space<vmem>> -> memref<1x64x128xf32, #tpu.memory_space<vmem>>
      %dma_wait3A_164 = tpu.memref_squeeze %dma_wait3A_163 : memref<1x64x128xf32, #tpu.memory_space<vmem>> -> memref<64x128xf32, #tpu.memory_space<vmem>>
      tpu.wait_dma2 semaphore(%run_scoped3A_142 : memref<!tpu.dma_semaphore, #tpu.memory_space<semaphore_mem>>) src(%dma_wait3A_164 : memref<64x128xf32, #tpu.memory_space<vmem>>) dst(%dma_wait3A_160 : memref<64x128xf32, #tpu.memory_space<vmem_shared>>)
      tpu.yield
    }) : () -> ()
    %mul3A_28 = arith.constant 640 : i32
    %mul3A_29 = arith.muli %arg1, %mul3A_28 : i32
    %add3A_30 = arith.constant 256 : i32
    %add3A_31 = arith.addi %mul3A_29, %add3A_30 : i32
    %run_scoped3A_32 = arith.constant 0 : i32
    "tpu.region"() ({
      %run_scoped3A_142 = tpu.sem_alloc : memref<!tpu.dma_semaphore, #tpu.memory_space<semaphore_mem>>
      %dma_start3A = arith.constant 0 : i32
      %dma_start3A_143 = arith.constant 0 : i32
      %dma_start3A_144 = tpu.memref_slice %arg9[%run_scoped3A_32, %dma_start3A, %dma_start3A_143] : memref<3x64x128xf32, #tpu.memory_space<vmem>> -> memref<1x64x128xf32, #tpu.memory_space<vmem>>
      %dma_start3A_145 = tpu.memref_squeeze %dma_start3A_144 : memref<1x64x128xf32, #tpu.memory_space<vmem>> -> memref<64x128xf32, #tpu.memory_space<vmem>>
      %dma_start3A_146 = arith.constant 0 : i32
      %dma_start3A_147 = tpu.memref_slice %arg10[%add3A_31, %dma_start3A_146] : memref<10240x128xf32, #tpu.memory_space<vmem_shared>> -> memref<64x128xf32, #tpu.memory_space<vmem_shared>>
      %dma_start3A_148 = arith.constant 0 : i32
      %dma_start3A_149 = tpu.memref_slice %arg10[%add3A_31, %dma_start3A_148] : memref<10240x128xf32, #tpu.memory_space<vmem_shared>> -> memref<64x128xf32, #tpu.memory_space<vmem_shared>>
      %dma_start3A_150 = arith.constant 0 : i32
      %dma_start3A_151 = arith.constant 0 : i32
      %dma_start3A_152 = tpu.memref_slice %arg9[%run_scoped3A_32, %dma_start3A_150, %dma_start3A_151] : memref<3x64x128xf32, #tpu.memory_space<vmem>> -> memref<1x64x128xf32, #tpu.memory_space<vmem>>
      %dma_start3A_153 = tpu.memref_squeeze %dma_start3A_152 : memref<1x64x128xf32, #tpu.memory_space<vmem>> -> memref<64x128xf32, #tpu.memory_space<vmem>>
      tpu.enqueue_dma source(%dma_start3A_153 : memref<64x128xf32, #tpu.memory_space<vmem>>) target(%dma_start3A_149 : memref<64x128xf32, #tpu.memory_space<vmem_shared>>) target_semaphore(%run_scoped3A_142 : memref<!tpu.dma_semaphore, #tpu.memory_space<semaphore_mem>>)
      %dma_wait3A = arith.constant 0 : i32
      %dma_wait3A_154 = arith.constant 0 : i32
      %dma_wait3A_155 = tpu.memref_slice %arg9[%run_scoped3A_32, %dma_wait3A, %dma_wait3A_154] : memref<3x64x128xf32, #tpu.memory_space<vmem>> -> memref<1x64x128xf32, #tpu.memory_space<vmem>>
      %dma_wait3A_156 = tpu.memref_squeeze %dma_wait3A_155 : memref<1x64x128xf32, #tpu.memory_space<vmem>> -> memref<64x128xf32, #tpu.memory_space<vmem>>
      %dma_wait3A_157 = arith.constant 0 : i32
      %dma_wait3A_158 = tpu.memref_slice %arg10[%add3A_31, %dma_wait3A_157] : memref<10240x128xf32, #tpu.memory_space<vmem_shared>> -> memref<64x128xf32, #tpu.memory_space<vmem_shared>>
      %dma_wait3A_159 = arith.constant 0 : i32
      %dma_wait3A_160 = tpu.memref_slice %arg10[%add3A_31, %dma_wait3A_159] : memref<10240x128xf32, #tpu.memory_space<vmem_shared>> -> memref<64x128xf32, #tpu.memory_space<vmem_shared>>
      %dma_wait3A_161 = arith.constant 0 : i32
      %dma_wait3A_162 = arith.constant 0 : i32
      %dma_wait3A_163 = tpu.memref_slice %arg9[%run_scoped3A_32, %dma_wait3A_161, %dma_wait3A_162] : memref<3x64x128xf32, #tpu.memory_space<vmem>> -> memref<1x64x128xf32, #tpu.memory_space<vmem>>
      %dma_wait3A_164 = tpu.memref_squeeze %dma_wait3A_163 : memref<1x64x128xf32, #tpu.memory_space<vmem>> -> memref<64x128xf32, #tpu.memory_space<vmem>>
      tpu.wait_dma2 semaphore(%run_scoped3A_142 : memref<!tpu.dma_semaphore, #tpu.memory_space<semaphore_mem>>) src(%dma_wait3A_164 : memref<64x128xf32, #tpu.memory_space<vmem>>) dst(%dma_wait3A_160 : memref<64x128xf32, #tpu.memory_space<vmem_shared>>)
      tpu.yield
    }) : () -> ()
    %mul3A_33 = arith.constant 640 : i32
    %mul3A_34 = arith.muli %arg1, %mul3A_33 : i32
    %add3A_35 = arith.constant 320 : i32
    %add3A_36 = arith.addi %mul3A_34, %add3A_35 : i32
    %run_scoped3A_37 = arith.constant 0 : i32
    "tpu.region"() ({
      %run_scoped3A_142 = tpu.sem_alloc : memref<!tpu.dma_semaphore, #tpu.memory_space<semaphore_mem>>
      %dma_start3A = arith.constant 0 : i32
      %dma_start3A_143 = arith.constant 0 : i32
      %dma_start3A_144 = tpu.memref_slice %arg9[%run_scoped3A_37, %dma_start3A, %dma_start3A_143] : memref<3x64x128xf32, #tpu.memory_space<vmem>> -> memref<1x64x128xf32, #tpu.memory_space<vmem>>
      %dma_start3A_145 = tpu.memref_squeeze %dma_start3A_144 : memref<1x64x128xf32, #tpu.memory_space<vmem>> -> memref<64x128xf32, #tpu.memory_space<vmem>>
      %dma_start3A_146 = arith.constant 0 : i32
      %dma_start3A_147 = tpu.memref_slice %arg10[%add3A_36, %dma_start3A_146] : memref<10240x128xf32, #tpu.memory_space<vmem_shared>> -> memref<64x128xf32, #tpu.memory_space<vmem_shared>>
      %dma_start3A_148 = arith.constant 0 : i32
      %dma_start3A_149 = tpu.memref_slice %arg10[%add3A_36, %dma_start3A_148] : memref<10240x128xf32, #tpu.memory_space<vmem_shared>> -> memref<64x128xf32, #tpu.memory_space<vmem_shared>>
      %dma_start3A_150 = arith.constant 0 : i32
      %dma_start3A_151 = arith.constant 0 : i32
      %dma_start3A_152 = tpu.memref_slice %arg9[%run_scoped3A_37, %dma_start3A_150, %dma_start3A_151] : memref<3x64x128xf32, #tpu.memory_space<vmem>> -> memref<1x64x128xf32, #tpu.memory_space<vmem>>
      %dma_start3A_153 = tpu.memref_squeeze %dma_start3A_152 : memref<1x64x128xf32, #tpu.memory_space<vmem>> -> memref<64x128xf32, #tpu.memory_space<vmem>>
      tpu.enqueue_dma source(%dma_start3A_153 : memref<64x128xf32, #tpu.memory_space<vmem>>) target(%dma_start3A_149 : memref<64x128xf32, #tpu.memory_space<vmem_shared>>) target_semaphore(%run_scoped3A_142 : memref<!tpu.dma_semaphore, #tpu.memory_space<semaphore_mem>>)
      %dma_wait3A = arith.constant 0 : i32
      %dma_wait3A_154 = arith.constant 0 : i32
      %dma_wait3A_155 = tpu.memref_slice %arg9[%run_scoped3A_37, %dma_wait3A, %dma_wait3A_154] : memref<3x64x128xf32, #tpu.memory_space<vmem>> -> memref<1x64x128xf32, #tpu.memory_space<vmem>>
      %dma_wait3A_156 = tpu.memref_squeeze %dma_wait3A_155 : memref<1x64x128xf32, #tpu.memory_space<vmem>> -> memref<64x128xf32, #tpu.memory_space<vmem>>
      %dma_wait3A_157 = arith.constant 0 : i32
      %dma_wait3A_158 = tpu.memref_slice %arg10[%add3A_36, %dma_wait3A_157] : memref<10240x128xf32, #tpu.memory_space<vmem_shared>> -> memref<64x128xf32, #tpu.memory_space<vmem_shared>>
      %dma_wait3A_159 = arith.constant 0 : i32
      %dma_wait3A_160 = tpu.memref_slice %arg10[%add3A_36, %dma_wait3A_159] : memref<10240x128xf32, #tpu.memory_space<vmem_shared>> -> memref<64x128xf32, #tpu.memory_space<vmem_shared>>
      %dma_wait3A_161 = arith.constant 0 : i32
      %dma_wait3A_162 = arith.constant 0 : i32
      %dma_wait3A_163 = tpu.memref_slice %arg9[%run_scoped3A_37, %dma_wait3A_161, %dma_wait3A_162] : memref<3x64x128xf32, #tpu.memory_space<vmem>> -> memref<1x64x128xf32, #tpu.memory_space<vmem>>
      %dma_wait3A_164 = tpu.memref_squeeze %dma_wait3A_163 : memref<1x64x128xf32, #tpu.memory_space<vmem>> -> memref<64x128xf32, #tpu.memory_space<vmem>>
      tpu.wait_dma2 semaphore(%run_scoped3A_142 : memref<!tpu.dma_semaphore, #tpu.memory_space<semaphore_mem>>) src(%dma_wait3A_164 : memref<64x128xf32, #tpu.memory_space<vmem>>) dst(%dma_wait3A_160 : memref<64x128xf32, #tpu.memory_space<vmem_shared>>)
      tpu.yield
    }) : () -> ()
    %mul3A_38 = arith.constant 640 : i32
    %mul3A_39 = arith.muli %arg1, %mul3A_38 : i32
    %add3A_40 = arith.constant 384 : i32
    %add3A_41 = arith.addi %mul3A_39, %add3A_40 : i32
    %run_scoped3A_42 = arith.constant 0 : i32
    "tpu.region"() ({
      %run_scoped3A_142 = tpu.sem_alloc : memref<!tpu.dma_semaphore, #tpu.memory_space<semaphore_mem>>
      %dma_start3A = arith.constant 0 : i32
      %dma_start3A_143 = arith.constant 0 : i32
      %dma_start3A_144 = tpu.memref_slice %arg9[%run_scoped3A_42, %dma_start3A, %dma_start3A_143] : memref<3x64x128xf32, #tpu.memory_space<vmem>> -> memref<1x64x128xf32, #tpu.memory_space<vmem>>
      %dma_start3A_145 = tpu.memref_squeeze %dma_start3A_144 : memref<1x64x128xf32, #tpu.memory_space<vmem>> -> memref<64x128xf32, #tpu.memory_space<vmem>>
      %dma_start3A_146 = arith.constant 0 : i32
      %dma_start3A_147 = tpu.memref_slice %arg10[%add3A_41, %dma_start3A_146] : memref<10240x128xf32, #tpu.memory_space<vmem_shared>> -> memref<64x128xf32, #tpu.memory_space<vmem_shared>>
      %dma_start3A_148 = arith.constant 0 : i32
      %dma_start3A_149 = tpu.memref_slice %arg10[%add3A_41, %dma_start3A_148] : memref<10240x128xf32, #tpu.memory_space<vmem_shared>> -> memref<64x128xf32, #tpu.memory_space<vmem_shared>>
      %dma_start3A_150 = arith.constant 0 : i32
      %dma_start3A_151 = arith.constant 0 : i32
      %dma_start3A_152 = tpu.memref_slice %arg9[%run_scoped3A_42, %dma_start3A_150, %dma_start3A_151] : memref<3x64x128xf32, #tpu.memory_space<vmem>> -> memref<1x64x128xf32, #tpu.memory_space<vmem>>
      %dma_start3A_153 = tpu.memref_squeeze %dma_start3A_152 : memref<1x64x128xf32, #tpu.memory_space<vmem>> -> memref<64x128xf32, #tpu.memory_space<vmem>>
      tpu.enqueue_dma source(%dma_start3A_153 : memref<64x128xf32, #tpu.memory_space<vmem>>) target(%dma_start3A_149 : memref<64x128xf32, #tpu.memory_space<vmem_shared>>) target_semaphore(%run_scoped3A_142 : memref<!tpu.dma_semaphore, #tpu.memory_space<semaphore_mem>>)
      %dma_wait3A = arith.constant 0 : i32
      %dma_wait3A_154 = arith.constant 0 : i32
      %dma_wait3A_155 = tpu.memref_slice %arg9[%run_scoped3A_42, %dma_wait3A, %dma_wait3A_154] : memref<3x64x128xf32, #tpu.memory_space<vmem>> -> memref<1x64x128xf32, #tpu.memory_space<vmem>>
      %dma_wait3A_156 = tpu.memref_squeeze %dma_wait3A_155 : memref<1x64x128xf32, #tpu.memory_space<vmem>> -> memref<64x128xf32, #tpu.memory_space<vmem>>
      %dma_wait3A_157 = arith.constant 0 : i32
      %dma_wait3A_158 = tpu.memref_slice %arg10[%add3A_41, %dma_wait3A_157] : memref<10240x128xf32, #tpu.memory_space<vmem_shared>> -> memref<64x128xf32, #tpu.memory_space<vmem_shared>>
      %dma_wait3A_159 = arith.constant 0 : i32
      %dma_wait3A_160 = tpu.memref_slice %arg10[%add3A_41, %dma_wait3A_159] : memref<10240x128xf32, #tpu.memory_space<vmem_shared>> -> memref<64x128xf32, #tpu.memory_space<vmem_shared>>
      %dma_wait3A_161 = arith.constant 0 : i32
      %dma_wait3A_162 = arith.constant 0 : i32
      %dma_wait3A_163 = tpu.memref_slice %arg9[%run_scoped3A_42, %dma_wait3A_161, %dma_wait3A_162] : memref<3x64x128xf32, #tpu.memory_space<vmem>> -> memref<1x64x128xf32, #tpu.memory_space<vmem>>
      %dma_wait3A_164 = tpu.memref_squeeze %dma_wait3A_163 : memref<1x64x128xf32, #tpu.memory_space<vmem>> -> memref<64x128xf32, #tpu.memory_space<vmem>>
      tpu.wait_dma2 semaphore(%run_scoped3A_142 : memref<!tpu.dma_semaphore, #tpu.memory_space<semaphore_mem>>) src(%dma_wait3A_164 : memref<64x128xf32, #tpu.memory_space<vmem>>) dst(%dma_wait3A_160 : memref<64x128xf32, #tpu.memory_space<vmem_shared>>)
      tpu.yield
    }) : () -> ()
    %mul3A_43 = arith.constant 640 : i32
    %mul3A_44 = arith.muli %arg1, %mul3A_43 : i32
    %add3A_45 = arith.constant 448 : i32
    %add3A_46 = arith.addi %mul3A_44, %add3A_45 : i32
    %run_scoped3A_47 = arith.constant 0 : i32
    "tpu.region"() ({
      %run_scoped3A_142 = tpu.sem_alloc : memref<!tpu.dma_semaphore, #tpu.memory_space<semaphore_mem>>
      %dma_start3A = arith.constant 0 : i32
      %dma_start3A_143 = arith.constant 0 : i32
      %dma_start3A_144 = tpu.memref_slice %arg9[%run_scoped3A_47, %dma_start3A, %dma_start3A_143] : memref<3x64x128xf32, #tpu.memory_space<vmem>> -> memref<1x64x128xf32, #tpu.memory_space<vmem>>
      %dma_start3A_145 = tpu.memref_squeeze %dma_start3A_144 : memref<1x64x128xf32, #tpu.memory_space<vmem>> -> memref<64x128xf32, #tpu.memory_space<vmem>>
      %dma_start3A_146 = arith.constant 0 : i32
      %dma_start3A_147 = tpu.memref_slice %arg10[%add3A_46, %dma_start3A_146] : memref<10240x128xf32, #tpu.memory_space<vmem_shared>> -> memref<64x128xf32, #tpu.memory_space<vmem_shared>>
      %dma_start3A_148 = arith.constant 0 : i32
      %dma_start3A_149 = tpu.memref_slice %arg10[%add3A_46, %dma_start3A_148] : memref<10240x128xf32, #tpu.memory_space<vmem_shared>> -> memref<64x128xf32, #tpu.memory_space<vmem_shared>>
      %dma_start3A_150 = arith.constant 0 : i32
      %dma_start3A_151 = arith.constant 0 : i32
      %dma_start3A_152 = tpu.memref_slice %arg9[%run_scoped3A_47, %dma_start3A_150, %dma_start3A_151] : memref<3x64x128xf32, #tpu.memory_space<vmem>> -> memref<1x64x128xf32, #tpu.memory_space<vmem>>
      %dma_start3A_153 = tpu.memref_squeeze %dma_start3A_152 : memref<1x64x128xf32, #tpu.memory_space<vmem>> -> memref<64x128xf32, #tpu.memory_space<vmem>>
      tpu.enqueue_dma source(%dma_start3A_153 : memref<64x128xf32, #tpu.memory_space<vmem>>) target(%dma_start3A_149 : memref<64x128xf32, #tpu.memory_space<vmem_shared>>) target_semaphore(%run_scoped3A_142 : memref<!tpu.dma_semaphore, #tpu.memory_space<semaphore_mem>>)
      %dma_wait3A = arith.constant 0 : i32
      %dma_wait3A_154 = arith.constant 0 : i32
      %dma_wait3A_155 = tpu.memref_slice %arg9[%run_scoped3A_47, %dma_wait3A, %dma_wait3A_154] : memref<3x64x128xf32, #tpu.memory_space<vmem>> -> memref<1x64x128xf32, #tpu.memory_space<vmem>>
      %dma_wait3A_156 = tpu.memref_squeeze %dma_wait3A_155 : memref<1x64x128xf32, #tpu.memory_space<vmem>> -> memref<64x128xf32, #tpu.memory_space<vmem>>
      %dma_wait3A_157 = arith.constant 0 : i32
      %dma_wait3A_158 = tpu.memref_slice %arg10[%add3A_46, %dma_wait3A_157] : memref<10240x128xf32, #tpu.memory_space<vmem_shared>> -> memref<64x128xf32, #tpu.memory_space<vmem_shared>>
      %dma_wait3A_159 = arith.constant 0 : i32
      %dma_wait3A_160 = tpu.memref_slice %arg10[%add3A_46, %dma_wait3A_159] : memref<10240x128xf32, #tpu.memory_space<vmem_shared>> -> memref<64x128xf32, #tpu.memory_space<vmem_shared>>
      %dma_wait3A_161 = arith.constant 0 : i32
      %dma_wait3A_162 = arith.constant 0 : i32
      %dma_wait3A_163 = tpu.memref_slice %arg9[%run_scoped3A_47, %dma_wait3A_161, %dma_wait3A_162] : memref<3x64x128xf32, #tpu.memory_space<vmem>> -> memref<1x64x128xf32, #tpu.memory_space<vmem>>
      %dma_wait3A_164 = tpu.memref_squeeze %dma_wait3A_163 : memref<1x64x128xf32, #tpu.memory_space<vmem>> -> memref<64x128xf32, #tpu.memory_space<vmem>>
      tpu.wait_dma2 semaphore(%run_scoped3A_142 : memref<!tpu.dma_semaphore, #tpu.memory_space<semaphore_mem>>) src(%dma_wait3A_164 : memref<64x128xf32, #tpu.memory_space<vmem>>) dst(%dma_wait3A_160 : memref<64x128xf32, #tpu.memory_space<vmem_shared>>)
      tpu.yield
    }) : () -> ()
    %mul3A_48 = arith.constant 640 : i32
    %mul3A_49 = arith.muli %arg1, %mul3A_48 : i32
    %add3A_50 = arith.constant 512 : i32
    %add3A_51 = arith.addi %mul3A_49, %add3A_50 : i32
    %run_scoped3A_52 = arith.constant 0 : i32
    "tpu.region"() ({
      %run_scoped3A_142 = tpu.sem_alloc : memref<!tpu.dma_semaphore, #tpu.memory_space<semaphore_mem>>
      %dma_start3A = arith.constant 0 : i32
      %dma_start3A_143 = arith.constant 0 : i32
      %dma_start3A_144 = tpu.memref_slice %arg9[%run_scoped3A_52, %dma_start3A, %dma_start3A_143] : memref<3x64x128xf32, #tpu.memory_space<vmem>> -> memref<1x64x128xf32, #tpu.memory_space<vmem>>
      %dma_start3A_145 = tpu.memref_squeeze %dma_start3A_144 : memref<1x64x128xf32, #tpu.memory_space<vmem>> -> memref<64x128xf32, #tpu.memory_space<vmem>>
      %dma_start3A_146 = arith.constant 0 : i32
      %dma_start3A_147 = tpu.memref_slice %arg10[%add3A_51, %dma_start3A_146] : memref<10240x128xf32, #tpu.memory_space<vmem_shared>> -> memref<64x128xf32, #tpu.memory_space<vmem_shared>>
      %dma_start3A_148 = arith.constant 0 : i32
      %dma_start3A_149 = tpu.memref_slice %arg10[%add3A_51, %dma_start3A_148] : memref<10240x128xf32, #tpu.memory_space<vmem_shared>> -> memref<64x128xf32, #tpu.memory_space<vmem_shared>>
      %dma_start3A_150 = arith.constant 0 : i32
      %dma_start3A_151 = arith.constant 0 : i32
      %dma_start3A_152 = tpu.memref_slice %arg9[%run_scoped3A_52, %dma_start3A_150, %dma_start3A_151] : memref<3x64x128xf32, #tpu.memory_space<vmem>> -> memref<1x64x128xf32, #tpu.memory_space<vmem>>
      %dma_start3A_153 = tpu.memref_squeeze %dma_start3A_152 : memref<1x64x128xf32, #tpu.memory_space<vmem>> -> memref<64x128xf32, #tpu.memory_space<vmem>>
      tpu.enqueue_dma source(%dma_start3A_153 : memref<64x128xf32, #tpu.memory_space<vmem>>) target(%dma_start3A_149 : memref<64x128xf32, #tpu.memory_space<vmem_shared>>) target_semaphore(%run_scoped3A_142 : memref<!tpu.dma_semaphore, #tpu.memory_space<semaphore_mem>>)
      %dma_wait3A = arith.constant 0 : i32
      %dma_wait3A_154 = arith.constant 0 : i32
      %dma_wait3A_155 = tpu.memref_slice %arg9[%run_scoped3A_52, %dma_wait3A, %dma_wait3A_154] : memref<3x64x128xf32, #tpu.memory_space<vmem>> -> memref<1x64x128xf32, #tpu.memory_space<vmem>>
      %dma_wait3A_156 = tpu.memref_squeeze %dma_wait3A_155 : memref<1x64x128xf32, #tpu.memory_space<vmem>> -> memref<64x128xf32, #tpu.memory_space<vmem>>
      %dma_wait3A_157 = arith.constant 0 : i32
      %dma_wait3A_158 = tpu.memref_slice %arg10[%add3A_51, %dma_wait3A_157] : memref<10240x128xf32, #tpu.memory_space<vmem_shared>> -> memref<64x128xf32, #tpu.memory_space<vmem_shared>>
      %dma_wait3A_159 = arith.constant 0 : i32
      %dma_wait3A_160 = tpu.memref_slice %arg10[%add3A_51, %dma_wait3A_159] : memref<10240x128xf32, #tpu.memory_space<vmem_shared>> -> memref<64x128xf32, #tpu.memory_space<vmem_shared>>
      %dma_wait3A_161 = arith.constant 0 : i32
      %dma_wait3A_162 = arith.constant 0 : i32
      %dma_wait3A_163 = tpu.memref_slice %arg9[%run_scoped3A_52, %dma_wait3A_161, %dma_wait3A_162] : memref<3x64x128xf32, #tpu.memory_space<vmem>> -> memref<1x64x128xf32, #tpu.memory_space<vmem>>
      %dma_wait3A_164 = tpu.memref_squeeze %dma_wait3A_163 : memref<1x64x128xf32, #tpu.memory_space<vmem>> -> memref<64x128xf32, #tpu.memory_space<vmem>>
      tpu.wait_dma2 semaphore(%run_scoped3A_142 : memref<!tpu.dma_semaphore, #tpu.memory_space<semaphore_mem>>) src(%dma_wait3A_164 : memref<64x128xf32, #tpu.memory_space<vmem>>) dst(%dma_wait3A_160 : memref<64x128xf32, #tpu.memory_space<vmem_shared>>)
      tpu.yield
    }) : () -> ()
    %mul3A_53 = arith.constant 640 : i32
    %mul3A_54 = arith.muli %arg1, %mul3A_53 : i32
    %add3A_55 = arith.constant 576 : i32
    %add3A_56 = arith.addi %mul3A_54, %add3A_55 : i32
    %run_scoped3A_57 = arith.constant 0 : i32
    "tpu.region"() ({
      %run_scoped3A_142 = tpu.sem_alloc : memref<!tpu.dma_semaphore, #tpu.memory_space<semaphore_mem>>
      %dma_start3A = arith.constant 0 : i32
      %dma_start3A_143 = arith.constant 0 : i32
      %dma_start3A_144 = tpu.memref_slice %arg9[%run_scoped3A_57, %dma_start3A, %dma_start3A_143] : memref<3x64x128xf32, #tpu.memory_space<vmem>> -> memref<1x64x128xf32, #tpu.memory_space<vmem>>
      %dma_start3A_145 = tpu.memref_squeeze %dma_start3A_144 : memref<1x64x128xf32, #tpu.memory_space<vmem>> -> memref<64x128xf32, #tpu.memory_space<vmem>>
      %dma_start3A_146 = arith.constant 0 : i32
      %dma_start3A_147 = tpu.memref_slice %arg10[%add3A_56, %dma_start3A_146] : memref<10240x128xf32, #tpu.memory_space<vmem_shared>> -> memref<64x128xf32, #tpu.memory_space<vmem_shared>>
      %dma_start3A_148 = arith.constant 0 : i32
      %dma_start3A_149 = tpu.memref_slice %arg10[%add3A_56, %dma_start3A_148] : memref<10240x128xf32, #tpu.memory_space<vmem_shared>> -> memref<64x128xf32, #tpu.memory_space<vmem_shared>>
      %dma_start3A_150 = arith.constant 0 : i32
      %dma_start3A_151 = arith.constant 0 : i32
      %dma_start3A_152 = tpu.memref_slice %arg9[%run_scoped3A_57, %dma_start3A_150, %dma_start3A_151] : memref<3x64x128xf32, #tpu.memory_space<vmem>> -> memref<1x64x128xf32, #tpu.memory_space<vmem>>
      %dma_start3A_153 = tpu.memref_squeeze %dma_start3A_152 : memref<1x64x128xf32, #tpu.memory_space<vmem>> -> memref<64x128xf32, #tpu.memory_space<vmem>>
      tpu.enqueue_dma source(%dma_start3A_153 : memref<64x128xf32, #tpu.memory_space<vmem>>) target(%dma_start3A_149 : memref<64x128xf32, #tpu.memory_space<vmem_shared>>) target_semaphore(%run_scoped3A_142 : memref<!tpu.dma_semaphore, #tpu.memory_space<semaphore_mem>>)
      %dma_wait3A = arith.constant 0 : i32
      %dma_wait3A_154 = arith.constant 0 : i32
      %dma_wait3A_155 = tpu.memref_slice %arg9[%run_scoped3A_57, %dma_wait3A, %dma_wait3A_154] : memref<3x64x128xf32, #tpu.memory_space<vmem>> -> memref<1x64x128xf32, #tpu.memory_space<vmem>>
      %dma_wait3A_156 = tpu.memref_squeeze %dma_wait3A_155 : memref<1x64x128xf32, #tpu.memory_space<vmem>> -> memref<64x128xf32, #tpu.memory_space<vmem>>
      %dma_wait3A_157 = arith.constant 0 : i32
      %dma_wait3A_158 = tpu.memref_slice %arg10[%add3A_56, %dma_wait3A_157] : memref<10240x128xf32, #tpu.memory_space<vmem_shared>> -> memref<64x128xf32, #tpu.memory_space<vmem_shared>>
      %dma_wait3A_159 = arith.constant 0 : i32
      %dma_wait3A_160 = tpu.memref_slice %arg10[%add3A_56, %dma_wait3A_159] : memref<10240x128xf32, #tpu.memory_space<vmem_shared>> -> memref<64x128xf32, #tpu.memory_space<vmem_shared>>
      %dma_wait3A_161 = arith.constant 0 : i32
      %dma_wait3A_162 = arith.constant 0 : i32
      %dma_wait3A_163 = tpu.memref_slice %arg9[%run_scoped3A_57, %dma_wait3A_161, %dma_wait3A_162] : memref<3x64x128xf32, #tpu.memory_space<vmem>> -> memref<1x64x128xf32, #tpu.memory_space<vmem>>
      %dma_wait3A_164 = tpu.memref_squeeze %dma_wait3A_163 : memref<1x64x128xf32, #tpu.memory_space<vmem>> -> memref<64x128xf32, #tpu.memory_space<vmem>>
      tpu.wait_dma2 semaphore(%run_scoped3A_142 : memref<!tpu.dma_semaphore, #tpu.memory_space<semaphore_mem>>) src(%dma_wait3A_164 : memref<64x128xf32, #tpu.memory_space<vmem>>) dst(%dma_wait3A_160 : memref<64x128xf32, #tpu.memory_space<vmem_shared>>)
      tpu.yield
    }) : () -> ()
    %barrier3A = arith.constant 0 : index
    tpu.barrier barrier_id(%barrier3A)
    %gt3A = arith.constant 0 : i32
    %gt3A_58 = arith.cmpi sgt, %select_n3A, %gt3A : i32
    %convert_element_type3A_59 = arith.extui %gt3A_58 : i1 to i32
    %cond3A_60 = arith.constant 0 : i32
    %cond3A_61 = arith.cmpi ne, %convert_element_type3A_59, %cond3A_60 : i32
    scf.if %cond3A_61 {
      %rem3A = arith.constant 0 : i32
      %rem3A_142 = arith.constant 2 : i32
      %rem3A_143 = arith.remsi %rem3A, %rem3A_142 : i32
      %mul3A_144 = arith.constant 64 : i32
      %mul3A_145 = arith.muli %rem3A_143, %mul3A_144 : i32
      %add3A_146 = arith.constant 0 : i32
      %add3A_147 = arith.addi %mul3A_145, %add3A_146 : i32
      %get3A = arith.constant 0 : i32
      %get3A_148 = arith.index_cast %get3A : i32 to index
      %get3A_149 = arith.index_cast %add3A_147 : i32 to index
      %get3A_150 = tpu.vector_load %arg6[%get3A_148, %get3A_149] {strides = array<i32>} : memref<144x128xi32, #tpu.memory_space<vmem>>, vector<1x16xi32>,
      %get3A_151 = vector.shape_cast %get3A_150 : vector<1x16xi32> to vector<16xi32>
      %and3A = arith.constant 65535 : i32
      %and3A_152 = vector.broadcast %and3A : i32 to vector<16xi32>
      %and3A_153 = arith.andi %get3A_151, %and3A_152 : vector<16xi32>
      %swap3A = arith.constant 0 : i32
      %swap3A_154 = arith.index_cast %swap3A : i32 to index
      %swap3A_155 = arith.constant 0 : index
      %swap3A_156 = tpu.vector_load %arg7[%swap3A_154, %swap3A_155] {strides = array<i32>} : memref<3x64xi32, #tpu.memory_space<vmem>>, vector<1x16xi32>,
      %swap3A_157 = vector.shape_cast %swap3A_156 : vector<1x16xi32> to vector<16xi32>
      %swap3A_158 = vector.shape_cast %and3A_153 : vector<16xi32> to vector<1x16xi32>
      tpu.vector_store %arg7[%swap3A_154, %swap3A_155], %swap3A_158 {strides = array<i32>} : memref<3x64xi32, #tpu.memory_space<vmem>>, vector<1x16xi32>,
      %shift_right_logical3A = arith.constant 16 : i32
      %shift_right_logical3A_159 = vector.broadcast %shift_right_logical3A : i32 to vector<16xi32>
      %shift_right_logical3A_160 = arith.shrui %get3A_151, %shift_right_logical3A_159 : vector<16xi32>
      %swap3A_161 = arith.constant 0 : i32
      %swap3A_162 = arith.index_cast %swap3A_161 : i32 to index
      %swap3A_163 = arith.constant 0 : index
      %swap3A_164 = tpu.vector_load %arg8[%swap3A_162, %swap3A_163] {strides = array<i32>} : memref<3x64xi32, #tpu.memory_space<vmem>>, vector<1x16xi32>,
      %swap3A_165 = vector.shape_cast %swap3A_164 : vector<1x16xi32> to vector<16xi32>
      %swap3A_166 = vector.shape_cast %shift_right_logical3A_160 : vector<16xi32> to vector<1x16xi32>
      tpu.vector_store %arg8[%swap3A_162, %swap3A_163], %swap3A_166 {strides = array<i32>} : memref<3x64xi32, #tpu.memory_space<vmem>>, vector<1x16xi32>,
      %add3A_167 = arith.constant 16 : i32
      %add3A_168 = arith.addi %mul3A_145, %add3A_167 : i32
      %get3A_169 = arith.constant 0 : i32
      %get3A_170 = arith.index_cast %get3A_169 : i32 to index
      %get3A_171 = arith.index_cast %add3A_168 : i32 to index
      %get3A_172 = tpu.vector_load %arg6[%get3A_170, %get3A_171] {strides = array<i32>} : memref<144x128xi32, #tpu.memory_space<vmem>>, vector<1x16xi32>,
      %get3A_173 = vector.shape_cast %get3A_172 : vector<1x16xi32> to vector<16xi32>
      %and3A_174 = arith.constant 65535 : i32
      %and3A_175 = vector.broadcast %and3A_174 : i32 to vector<16xi32>
      %and3A_176 = arith.andi %get3A_173, %and3A_175 : vector<16xi32>
      %swap3A_177 = arith.constant 0 : i32
      %swap3A_178 = arith.index_cast %swap3A_177 : i32 to index
      %swap3A_179 = arith.constant 16 : index
      %swap3A_180 = tpu.vector_load %arg7[%swap3A_178, %swap3A_179] {strides = array<i32>} : memref<3x64xi32, #tpu.memory_space<vmem>>, vector<1x16xi32>,
      %swap3A_181 = vector.shape_cast %swap3A_180 : vector<1x16xi32> to vector<16xi32>
      %swap3A_182 = vector.shape_cast %and3A_176 : vector<16xi32> to vector<1x16xi32>
      tpu.vector_store %arg7[%swap3A_178, %swap3A_179], %swap3A_182 {strides = array<i32>} : memref<3x64xi32, #tpu.memory_space<vmem>>, vector<1x16xi32>,
      %shift_right_logical3A_183 = arith.constant 16 : i32
      %shift_right_logical3A_184 = vector.broadcast %shift_right_logical3A_183 : i32 to vector<16xi32>
      %shift_right_logical3A_185 = arith.shrui %get3A_173, %shift_right_logical3A_184 : vector<16xi32>
      %swap3A_186 = arith.constant 0 : i32
      %swap3A_187 = arith.index_cast %swap3A_186 : i32 to index
      %swap3A_188 = arith.constant 16 : index
      %swap3A_189 = tpu.vector_load %arg8[%swap3A_187, %swap3A_188] {strides = array<i32>} : memref<3x64xi32, #tpu.memory_space<vmem>>, vector<1x16xi32>,
      %swap3A_190 = vector.shape_cast %swap3A_189 : vector<1x16xi32> to vector<16xi32>
      %swap3A_191 = vector.shape_cast %shift_right_logical3A_185 : vector<16xi32> to vector<1x16xi32>
      tpu.vector_store %arg8[%swap3A_187, %swap3A_188], %swap3A_191 {strides = array<i32>} : memref<3x64xi32, #tpu.memory_space<vmem>>, vector<1x16xi32>,
      %add3A_192 = arith.constant 32 : i32
      %add3A_193 = arith.addi %mul3A_145, %add3A_192 : i32
      %get3A_194 = arith.constant 0 : i32
      %get3A_195 = arith.index_cast %get3A_194 : i32 to index
      %get3A_196 = arith.index_cast %add3A_193 : i32 to index
      %get3A_197 = tpu.vector_load %arg6[%get3A_195, %get3A_196] {strides = array<i32>} : memref<144x128xi32, #tpu.memory_space<vmem>>, vector<1x16xi32>,
      %get3A_198 = vector.shape_cast %get3A_197 : vector<1x16xi32> to vector<16xi32>
      %and3A_199 = arith.constant 65535 : i32
      %and3A_200 = vector.broadcast %and3A_199 : i32 to vector<16xi32>
      %and3A_201 = arith.andi %get3A_198, %and3A_200 : vector<16xi32>
      %swap3A_202 = arith.constant 0 : i32
      %swap3A_203 = arith.index_cast %swap3A_202 : i32 to index
      %swap3A_204 = arith.constant 32 : index
      %swap3A_205 = tpu.vector_load %arg7[%swap3A_203, %swap3A_204] {strides = array<i32>} : memref<3x64xi32, #tpu.memory_space<vmem>>, vector<1x16xi32>,
      %swap3A_206 = vector.shape_cast %swap3A_205 : vector<1x16xi32> to vector<16xi32>
      %swap3A_207 = vector.shape_cast %and3A_201 : vector<16xi32> to vector<1x16xi32>
      tpu.vector_store %arg7[%swap3A_203, %swap3A_204], %swap3A_207 {strides = array<i32>} : memref<3x64xi32, #tpu.memory_space<vmem>>, vector<1x16xi32>,
      %shift_right_logical3A_208 = arith.constant 16 : i32
      %shift_right_logical3A_209 = vector.broadcast %shift_right_logical3A_208 : i32 to vector<16xi32>
      %shift_right_logical3A_210 = arith.shrui %get3A_198, %shift_right_logical3A_209 : vector<16xi32>
      %swap3A_211 = arith.constant 0 : i32
      %swap3A_212 = arith.index_cast %swap3A_211 : i32 to index
      %swap3A_213 = arith.constant 32 : index
      %swap3A_214 = tpu.vector_load %arg8[%swap3A_212, %swap3A_213] {strides = array<i32>} : memref<3x64xi32, #tpu.memory_space<vmem>>, vector<1x16xi32>,
      %swap3A_215 = vector.shape_cast %swap3A_214 : vector<1x16xi32> to vector<16xi32>
      %swap3A_216 = vector.shape_cast %shift_right_logical3A_210 : vector<16xi32> to vector<1x16xi32>
      tpu.vector_store %arg8[%swap3A_212, %swap3A_213], %swap3A_216 {strides = array<i32>} : memref<3x64xi32, #tpu.memory_space<vmem>>, vector<1x16xi32>,
      %add3A_217 = arith.constant 48 : i32
      %add3A_218 = arith.addi %mul3A_145, %add3A_217 : i32
      %get3A_219 = arith.constant 0 : i32
      %get3A_220 = arith.index_cast %get3A_219 : i32 to index
      %get3A_221 = arith.index_cast %add3A_218 : i32 to index
      %get3A_222 = tpu.vector_load %arg6[%get3A_220, %get3A_221] {strides = array<i32>} : memref<144x128xi32, #tpu.memory_space<vmem>>, vector<1x16xi32>,
      %get3A_223 = vector.shape_cast %get3A_222 : vector<1x16xi32> to vector<16xi32>
      %and3A_224 = arith.constant 65535 : i32
      %and3A_225 = vector.broadcast %and3A_224 : i32 to vector<16xi32>
      %and3A_226 = arith.andi %get3A_223, %and3A_225 : vector<16xi32>
      %swap3A_227 = arith.constant 0 : i32
      %swap3A_228 = arith.index_cast %swap3A_227 : i32 to index
      %swap3A_229 = arith.constant 48 : index
      %swap3A_230 = tpu.vector_load %arg7[%swap3A_228, %swap3A_229] {strides = array<i32>} : memref<3x64xi32, #tpu.memory_space<vmem>>, vector<1x16xi32>,
      %swap3A_231 = vector.shape_cast %swap3A_230 : vector<1x16xi32> to vector<16xi32>
      %swap3A_232 = vector.shape_cast %and3A_226 : vector<16xi32> to vector<1x16xi32>
      tpu.vector_store %arg7[%swap3A_228, %swap3A_229], %swap3A_232 {strides = array<i32>} : memref<3x64xi32, #tpu.memory_space<vmem>>, vector<1x16xi32>,
      %shift_right_logical3A_233 = arith.constant 16 : i32
      %shift_right_logical3A_234 = vector.broadcast %shift_right_logical3A_233 : i32 to vector<16xi32>
      %shift_right_logical3A_235 = arith.shrui %get3A_223, %shift_right_logical3A_234 : vector<16xi32>
      %swap3A_236 = arith.constant 0 : i32
      %swap3A_237 = arith.index_cast %swap3A_236 : i32 to index
      %swap3A_238 = arith.constant 48 : index
      %swap3A_239 = tpu.vector_load %arg8[%swap3A_237, %swap3A_238] {strides = array<i32>} : memref<3x64xi32, #tpu.memory_space<vmem>>, vector<1x16xi32>,
      %swap3A_240 = vector.shape_cast %swap3A_239 : vector<1x16xi32> to vector<16xi32>
      %swap3A_241 = vector.shape_cast %shift_right_logical3A_235 : vector<16xi32> to vector<1x16xi32>
      tpu.vector_store %arg8[%swap3A_237, %swap3A_238], %swap3A_241 {strides = array<i32>} : memref<3x64xi32, #tpu.memory_space<vmem>>, vector<1x16xi32>,
      %dma_start3A = arith.constant 0 : i32
      %dma_start3A_242 = arith.constant 0 : i32
      %dma_start3A_243 = arith.constant 0 : i32
      %dma_start3A_244 = arith.constant 0 : i32
      %dma_start3A_245 = arith.constant 0 : i32
      %dma_start3A_246 = tpu.memref_slice %arg9[%dma_start3A_242, %dma_start3A_244, %dma_start3A_245] : memref<3x64x128xf32, #tpu.memory_space<vmem>> -> memref<1x64x128xf32, #tpu.memory_space<vmem>>
      %dma_start3A_247 = tpu.memref_squeeze %dma_start3A_246 : memref<1x64x128xf32, #tpu.memory_space<vmem>> -> memref<64x128xf32, #tpu.memory_space<vmem>>
      %dma_start3A_248 = arith.constant 0 : i32
      %dma_start3A_249 = tpu.memref_slice %arg7[%dma_start3A, %dma_start3A_248] : memref<3x64xi32, #tpu.memory_space<vmem>> -> memref<1x64xi32, #tpu.memory_space<vmem>>
      %dma_start3A_250 = tpu.memref_squeeze %dma_start3A_249 : memref<1x64xi32, #tpu.memory_space<vmem>> -> memref<64xi32, #tpu.memory_space<vmem>>
      %dma_start3A_251 = arith.constant 0 : i32
      %dma_start3A_252 = arith.constant 0 : i32
      %dma_start3A_253 = tpu.memref_slice %arg2[%dma_start3A_251, %dma_start3A_252] : memref<10240x128xf32, #tpu.memory_space<hbm>> -> memref<10240x128xf32, #tpu.memory_space<hbm>>
      %dma_start3A_254 = tpu.memref_slice %arg11[%dma_start3A_243] : memref<3x!tpu.dma_semaphore, #tpu.memory_space<semaphore_mem>> -> memref<1x!tpu.dma_semaphore, #tpu.memory_space<semaphore_mem>>
      %dma_start3A_255 = tpu.memref_squeeze %dma_start3A_254 : memref<1x!tpu.dma_semaphore, #tpu.memory_space<semaphore_mem>> -> memref<!tpu.dma_semaphore, #tpu.memory_space<semaphore_mem>>
      tpu.enqueue_indirect_dma source(%dma_start3A_253 : memref<10240x128xf32, #tpu.memory_space<hbm>>) target(%dma_start3A_247 : memref<64x128xf32, #tpu.memory_space<vmem>>) offsets(%dma_start3A_250 : memref<64xi32, #tpu.memory_space<vmem>>) semaphore(%dma_start3A_255 : memref<!tpu.dma_semaphore, #tpu.memory_space<semaphore_mem>>)
    } else {
    }
    %gt3A_62 = arith.constant 1 : i32
    %gt3A_63 = arith.cmpi sgt, %select_n3A, %gt3A_62 : i32
    %convert_element_type3A_64 = arith.extui %gt3A_63 : i1 to i32
    %cond3A_65 = arith.constant 0 : i32
    %cond3A_66 = arith.cmpi ne, %convert_element_type3A_64, %cond3A_65 : i32
    scf.if %cond3A_66 {
      %rem3A = arith.constant 1 : i32
      %rem3A_142 = arith.constant 2 : i32
      %rem3A_143 = arith.remsi %rem3A, %rem3A_142 : i32
      %mul3A_144 = arith.constant 64 : i32
      %mul3A_145 = arith.muli %rem3A_143, %mul3A_144 : i32
      %add3A_146 = arith.constant 0 : i32
      %add3A_147 = arith.addi %mul3A_145, %add3A_146 : i32
      %get3A = arith.constant 0 : i32
      %get3A_148 = arith.index_cast %get3A : i32 to index
      %get3A_149 = arith.index_cast %add3A_147 : i32 to index
      %get3A_150 = tpu.vector_load %arg6[%get3A_148, %get3A_149] {strides = array<i32>} : memref<144x128xi32, #tpu.memory_space<vmem>>, vector<1x16xi32>,
      %get3A_151 = vector.shape_cast %get3A_150 : vector<1x16xi32> to vector<16xi32>
      %and3A = arith.constant 65535 : i32
      %and3A_152 = vector.broadcast %and3A : i32 to vector<16xi32>
      %and3A_153 = arith.andi %get3A_151, %and3A_152 : vector<16xi32>
      %swap3A = arith.constant 1 : i32
      %swap3A_154 = arith.index_cast %swap3A : i32 to index
      %swap3A_155 = arith.constant 0 : index
      %swap3A_156 = tpu.vector_load %arg7[%swap3A_154, %swap3A_155] {strides = array<i32>} : memref<3x64xi32, #tpu.memory_space<vmem>>, vector<1x16xi32>,
      %swap3A_157 = vector.shape_cast %swap3A_156 : vector<1x16xi32> to vector<16xi32>
      %swap3A_158 = vector.shape_cast %and3A_153 : vector<16xi32> to vector<1x16xi32>
      tpu.vector_store %arg7[%swap3A_154, %swap3A_155], %swap3A_158 {strides = array<i32>} : memref<3x64xi32, #tpu.memory_space<vmem>>, vector<1x16xi32>,
      %shift_right_logical3A = arith.constant 16 : i32
      %shift_right_logical3A_159 = vector.broadcast %shift_right_logical3A : i32 to vector<16xi32>
      %shift_right_logical3A_160 = arith.shrui %get3A_151, %shift_right_logical3A_159 : vector<16xi32>
      %swap3A_161 = arith.constant 1 : i32
      %swap3A_162 = arith.index_cast %swap3A_161 : i32 to index
      %swap3A_163 = arith.constant 0 : index
      %swap3A_164 = tpu.vector_load %arg8[%swap3A_162, %swap3A_163] {strides = array<i32>} : memref<3x64xi32, #tpu.memory_space<vmem>>, vector<1x16xi32>,
      %swap3A_165 = vector.shape_cast %swap3A_164 : vector<1x16xi32> to vector<16xi32>
      %swap3A_166 = vector.shape_cast %shift_right_logical3A_160 : vector<16xi32> to vector<1x16xi32>
      tpu.vector_store %arg8[%swap3A_162, %swap3A_163], %swap3A_166 {strides = array<i32>} : memref<3x64xi32, #tpu.memory_space<vmem>>, vector<1x16xi32>,
      %add3A_167 = arith.constant 16 : i32
      %add3A_168 = arith.addi %mul3A_145, %add3A_167 : i32
      %get3A_169 = arith.constant 0 : i32
      %get3A_170 = arith.index_cast %get3A_169 : i32 to index
      %get3A_171 = arith.index_cast %add3A_168 : i32 to index
      %get3A_172 = tpu.vector_load %arg6[%get3A_170, %get3A_171] {strides = array<i32>} : memref<144x128xi32, #tpu.memory_space<vmem>>, vector<1x16xi32>,
      %get3A_173 = vector.shape_cast %get3A_172 : vector<1x16xi32> to vector<16xi32>
      %and3A_174 = arith.constant 65535 : i32
      %and3A_175 = vector.broadcast %and3A_174 : i32 to vector<16xi32>
      %and3A_176 = arith.andi %get3A_173, %and3A_175 : vector<16xi32>
      %swap3A_177 = arith.constant 1 : i32
      %swap3A_178 = arith.index_cast %swap3A_177 : i32 to index
      %swap3A_179 = arith.constant 16 : index
      %swap3A_180 = tpu.vector_load %arg7[%swap3A_178, %swap3A_179] {strides = array<i32>} : memref<3x64xi32, #tpu.memory_space<vmem>>, vector<1x16xi32>,
      %swap3A_181 = vector.shape_cast %swap3A_180 : vector<1x16xi32> to vector<16xi32>
      %swap3A_182 = vector.shape_cast %and3A_176 : vector<16xi32> to vector<1x16xi32>
      tpu.vector_store %arg7[%swap3A_178, %swap3A_179], %swap3A_182 {strides = array<i32>} : memref<3x64xi32, #tpu.memory_space<vmem>>, vector<1x16xi32>,
      %shift_right_logical3A_183 = arith.constant 16 : i32
      %shift_right_logical3A_184 = vector.broadcast %shift_right_logical3A_183 : i32 to vector<16xi32>
      %shift_right_logical3A_185 = arith.shrui %get3A_173, %shift_right_logical3A_184 : vector<16xi32>
      %swap3A_186 = arith.constant 1 : i32
      %swap3A_187 = arith.index_cast %swap3A_186 : i32 to index
      %swap3A_188 = arith.constant 16 : index
      %swap3A_189 = tpu.vector_load %arg8[%swap3A_187, %swap3A_188] {strides = array<i32>} : memref<3x64xi32, #tpu.memory_space<vmem>>, vector<1x16xi32>,
      %swap3A_190 = vector.shape_cast %swap3A_189 : vector<1x16xi32> to vector<16xi32>
      %swap3A_191 = vector.shape_cast %shift_right_logical3A_185 : vector<16xi32> to vector<1x16xi32>
      tpu.vector_store %arg8[%swap3A_187, %swap3A_188], %swap3A_191 {strides = array<i32>} : memref<3x64xi32, #tpu.memory_space<vmem>>, vector<1x16xi32>,
      %add3A_192 = arith.constant 32 : i32
      %add3A_193 = arith.addi %mul3A_145, %add3A_192 : i32
      %get3A_194 = arith.constant 0 : i32
      %get3A_195 = arith.index_cast %get3A_194 : i32 to index
      %get3A_196 = arith.index_cast %add3A_193 : i32 to index
      %get3A_197 = tpu.vector_load %arg6[%get3A_195, %get3A_196] {strides = array<i32>} : memref<144x128xi32, #tpu.memory_space<vmem>>, vector<1x16xi32>,
      %get3A_198 = vector.shape_cast %get3A_197 : vector<1x16xi32> to vector<16xi32>
      %and3A_199 = arith.constant 65535 : i32
      %and3A_200 = vector.broadcast %and3A_199 : i32 to vector<16xi32>
      %and3A_201 = arith.andi %get3A_198, %and3A_200 : vector<16xi32>
      %swap3A_202 = arith.constant 1 : i32
      %swap3A_203 = arith.index_cast %swap3A_202 : i32 to index
      %swap3A_204 = arith.constant 32 : index
      %swap3A_205 = tpu.vector_load %arg7[%swap3A_203, %swap3A_204] {strides = array<i32>} : memref<3x64xi32, #tpu.memory_space<vmem>>, vector<1x16xi32>,
      %swap3A_206 = vector.shape_cast %swap3A_205 : vector<1x16xi32> to vector<16xi32>
      %swap3A_207 = vector.shape_cast %and3A_201 : vector<16xi32> to vector<1x16xi32>
      tpu.vector_store %arg7[%swap3A_203, %swap3A_204], %swap3A_207 {strides = array<i32>} : memref<3x64xi32, #tpu.memory_space<vmem>>, vector<1x16xi32>,
      %shift_right_logical3A_208 = arith.constant 16 : i32
      %shift_right_logical3A_209 = vector.broadcast %shift_right_logical3A_208 : i32 to vector<16xi32>
      %shift_right_logical3A_210 = arith.shrui %get3A_198, %shift_right_logical3A_209 : vector<16xi32>
      %swap3A_211 = arith.constant 1 : i32
      %swap3A_212 = arith.index_cast %swap3A_211 : i32 to index
      %swap3A_213 = arith.constant 32 : index
      %swap3A_214 = tpu.vector_load %arg8[%swap3A_212, %swap3A_213] {strides = array<i32>} : memref<3x64xi32, #tpu.memory_space<vmem>>, vector<1x16xi32>,
      %swap3A_215 = vector.shape_cast %swap3A_214 : vector<1x16xi32> to vector<16xi32>
      %swap3A_216 = vector.shape_cast %shift_right_logical3A_210 : vector<16xi32> to vector<1x16xi32>
      tpu.vector_store %arg8[%swap3A_212, %swap3A_213], %swap3A_216 {strides = array<i32>} : memref<3x64xi32, #tpu.memory_space<vmem>>, vector<1x16xi32>,
      %add3A_217 = arith.constant 48 : i32
      %add3A_218 = arith.addi %mul3A_145, %add3A_217 : i32
      %get3A_219 = arith.constant 0 : i32
      %get3A_220 = arith.index_cast %get3A_219 : i32 to index
      %get3A_221 = arith.index_cast %add3A_218 : i32 to index
      %get3A_222 = tpu.vector_load %arg6[%get3A_220, %get3A_221] {strides = array<i32>} : memref<144x128xi32, #tpu.memory_space<vmem>>, vector<1x16xi32>,
      %get3A_223 = vector.shape_cast %get3A_222 : vector<1x16xi32> to vector<16xi32>
      %and3A_224 = arith.constant 65535 : i32
      %and3A_225 = vector.broadcast %and3A_224 : i32 to vector<16xi32>
      %and3A_226 = arith.andi %get3A_223, %and3A_225 : vector<16xi32>
      %swap3A_227 = arith.constant 1 : i32
      %swap3A_228 = arith.index_cast %swap3A_227 : i32 to index
      %swap3A_229 = arith.constant 48 : index
      %swap3A_230 = tpu.vector_load %arg7[%swap3A_228, %swap3A_229] {strides = array<i32>} : memref<3x64xi32, #tpu.memory_space<vmem>>, vector<1x16xi32>,
      %swap3A_231 = vector.shape_cast %swap3A_230 : vector<1x16xi32> to vector<16xi32>
      %swap3A_232 = vector.shape_cast %and3A_226 : vector<16xi32> to vector<1x16xi32>
      tpu.vector_store %arg7[%swap3A_228, %swap3A_229], %swap3A_232 {strides = array<i32>} : memref<3x64xi32, #tpu.memory_space<vmem>>, vector<1x16xi32>,
      %shift_right_logical3A_233 = arith.constant 16 : i32
      %shift_right_logical3A_234 = vector.broadcast %shift_right_logical3A_233 : i32 to vector<16xi32>
      %shift_right_logical3A_235 = arith.shrui %get3A_223, %shift_right_logical3A_234 : vector<16xi32>
      %swap3A_236 = arith.constant 1 : i32
      %swap3A_237 = arith.index_cast %swap3A_236 : i32 to index
      %swap3A_238 = arith.constant 48 : index
      %swap3A_239 = tpu.vector_load %arg8[%swap3A_237, %swap3A_238] {strides = array<i32>} : memref<3x64xi32, #tpu.memory_space<vmem>>, vector<1x16xi32>,
      %swap3A_240 = vector.shape_cast %swap3A_239 : vector<1x16xi32> to vector<16xi32>
      %swap3A_241 = vector.shape_cast %shift_right_logical3A_235 : vector<16xi32> to vector<1x16xi32>
      tpu.vector_store %arg8[%swap3A_237, %swap3A_238], %swap3A_241 {strides = array<i32>} : memref<3x64xi32, #tpu.memory_space<vmem>>, vector<1x16xi32>,
      %dma_start3A = arith.constant 1 : i32
      %dma_start3A_242 = arith.constant 1 : i32
      %dma_start3A_243 = arith.constant 1 : i32
      %dma_start3A_244 = arith.constant 0 : i32
      %dma_start3A_245 = arith.constant 0 : i32
      %dma_start3A_246 = tpu.memref_slice %arg9[%dma_start3A_242, %dma_start3A_244, %dma_start3A_245] : memref<3x64x128xf32, #tpu.memory_space<vmem>> -> memref<1x64x128xf32, #tpu.memory_space<vmem>>
      %dma_start3A_247 = tpu.memref_squeeze %dma_start3A_246 : memref<1x64x128xf32, #tpu.memory_space<vmem>> -> memref<64x128xf32, #tpu.memory_space<vmem>>
      %dma_start3A_248 = arith.constant 0 : i32
      %dma_start3A_249 = tpu.memref_slice %arg7[%dma_start3A, %dma_start3A_248] : memref<3x64xi32, #tpu.memory_space<vmem>> -> memref<1x64xi32, #tpu.memory_space<vmem>>
      %dma_start3A_250 = tpu.memref_squeeze %dma_start3A_249 : memref<1x64xi32, #tpu.memory_space<vmem>> -> memref<64xi32, #tpu.memory_space<vmem>>
      %dma_start3A_251 = arith.constant 0 : i32
      %dma_start3A_252 = arith.constant 0 : i32
      %dma_start3A_253 = tpu.memref_slice %arg2[%dma_start3A_251, %dma_start3A_252] : memref<10240x128xf32, #tpu.memory_space<hbm>> -> memref<10240x128xf32, #tpu.memory_space<hbm>>
      %dma_start3A_254 = tpu.memref_slice %arg11[%dma_start3A_243] : memref<3x!tpu.dma_semaphore, #tpu.memory_space<semaphore_mem>> -> memref<1x!tpu.dma_semaphore, #tpu.memory_space<semaphore_mem>>
      %dma_start3A_255 = tpu.memref_squeeze %dma_start3A_254 : memref<1x!tpu.dma_semaphore, #tpu.memory_space<semaphore_mem>> -> memref<!tpu.dma_semaphore, #tpu.memory_space<semaphore_mem>>
      tpu.enqueue_indirect_dma source(%dma_start3A_253 : memref<10240x128xf32, #tpu.memory_space<hbm>>) target(%dma_start3A_247 : memref<64x128xf32, #tpu.memory_space<vmem>>) offsets(%dma_start3A_250 : memref<64xi32, #tpu.memory_space<vmem>>) semaphore(%dma_start3A_255 : memref<!tpu.dma_semaphore, #tpu.memory_space<semaphore_mem>>)
    } else {
    }
    %while3A = arith.constant 0 : i32
    %while3A_67 = arith.constant 0 : i32
    %while3A_68 = arith.subi %select_n3A, %while3A_67 : i32
    %while3A_69 = arith.addi %while3A_67, %while3A_68 : i32
    %while3A_70 = arith.constant 1 : i32
    %while3A_71 = arith.divsi %while3A_68, %while3A_70 : i32
    %while3A_72 = arith.muli %while3A_71, %while3A_70 : i32
    %while3A_73 = arith.addi %while3A_67, %while3A_72 : i32
    %while3A_74 = arith.constant 1 : i32
    scf.for %while3A_142 = %while3A_67 to %while3A_73 step %while3A_74  : i32 {
      %add3A_143 = arith.constant 2 : i32
      %add3A_144 = arith.addi %while3A_142, %add3A_143 : i32
      %rem3A = arith.constant 3 : i32
      %rem3A_145 = arith.remsi %add3A_144, %rem3A : i32
      %rem3A_146 = arith.constant 3 : i32
      %rem3A_147 = arith.remsi %while3A_142, %rem3A_146 : i32
      %ge3A = arith.constant 1 : i32
      %ge3A_148 = arith.cmpi sge, %while3A_142, %ge3A : i32
      %convert_element_type3A_149 = arith.extui %ge3A_148 : i1 to i32
      %cond3A_150 = arith.constant 0 : i32
      %cond3A_151 = arith.cmpi ne, %convert_element_type3A_149, %cond3A_150 : i32
      scf.if %cond3A_151 {
        %dma_wait3A_179 = arith.constant 0 : i32
        %dma_wait3A_180 = arith.constant 0 : i32
        %dma_wait3A_181 = tpu.memref_slice %arg9[%rem3A_145, %dma_wait3A_179, %dma_wait3A_180] : memref<3x64x128xf32, #tpu.memory_space<vmem>> -> memref<1x64x128xf32, #tpu.memory_space<vmem>>
        %dma_wait3A_182 = tpu.memref_squeeze %dma_wait3A_181 : memref<1x64x128xf32, #tpu.memory_space<vmem>> -> memref<64x128xf32, #tpu.memory_space<vmem>>
        %dma_wait3A_183 = arith.constant 0 : i32
        %dma_wait3A_184 = tpu.memref_slice %arg8[%rem3A_145, %dma_wait3A_183] : memref<3x64xi32, #tpu.memory_space<vmem>> -> memref<1x64xi32, #tpu.memory_space<vmem>>
        %dma_wait3A_185 = tpu.memref_squeeze %dma_wait3A_184 : memref<1x64xi32, #tpu.memory_space<vmem>> -> memref<64xi32, #tpu.memory_space<vmem>>
        %dma_wait3A_186 = arith.constant 0 : i32
        %dma_wait3A_187 = arith.constant 0 : i32
        %dma_wait3A_188 = tpu.memref_slice %arg10[%dma_wait3A_186, %dma_wait3A_187] : memref<10240x128xf32, #tpu.memory_space<vmem_shared>> -> memref<10240x128xf32, #tpu.memory_space<vmem_shared>>
        %dma_wait3A_189 = tpu.memref_slice %arg12[%rem3A_145] : memref<3x!tpu.dma_semaphore, #tpu.memory_space<semaphore_mem>> -> memref<1x!tpu.dma_semaphore, #tpu.memory_space<semaphore_mem>>
        %dma_wait3A_190 = tpu.memref_squeeze %dma_wait3A_189 : memref<1x!tpu.dma_semaphore, #tpu.memory_space<semaphore_mem>> -> memref<!tpu.dma_semaphore, #tpu.memory_space<semaphore_mem>>
        tpu.wait_indirect_dma semaphore(%dma_wait3A_190 : memref<!tpu.dma_semaphore, #tpu.memory_space<semaphore_mem>>) src(%dma_wait3A_182 : memref<64x128xf32, #tpu.memory_space<vmem>>) dst(%dma_wait3A_188 : memref<10240x128xf32, #tpu.memory_space<vmem_shared>>)
      } else {
      }
      %add3A_152 = arith.constant 2 : i32
      %add3A_153 = arith.addi %while3A_142, %add3A_152 : i32
      %lt3A = arith.cmpi slt, %add3A_153, %select_n3A : i32
      %convert_element_type3A_154 = arith.extui %lt3A : i1 to i32
      %cond3A_155 = arith.constant 0 : i32
      %cond3A_156 = arith.cmpi ne, %convert_element_type3A_154, %cond3A_155 : i32
      scf.if %cond3A_156 {
        %add3A_179 = arith.constant 2 : i32
        %add3A_180 = arith.addi %while3A_142, %add3A_179 : i32
        %jit3A_181 = arith.constant 2 : i32
        %div3A = arith.divsi %add3A_180, %jit3A_181 : i32
        %sign3A = arith.constant 0 : i32
        %sign3A_182 = arith.cmpi sgt, %add3A_180, %sign3A : i32
        %sign3A_183 = arith.extui %sign3A_182 : i1 to i32
        %sign3A_184 = arith.constant 0 : i32
        %sign3A_185 = arith.cmpi slt, %add3A_180, %sign3A_184 : i32
        %sign3A_186 = arith.extui %sign3A_185 : i1 to i32
        %sign3A_187 = arith.subi %sign3A_183, %sign3A_186 : i32
        %sign3A_188 = arith.constant 0 : i32
        %sign3A_189 = arith.cmpi sgt, %jit3A_181, %sign3A_188 : i32
        %sign3A_190 = arith.extui %sign3A_189 : i1 to i32
        %sign3A_191 = arith.constant 0 : i32
        %sign3A_192 = arith.cmpi slt, %jit3A_181, %sign3A_191 : i32
        %sign3A_193 = arith.extui %sign3A_192 : i1 to i32
        %sign3A_194 = arith.subi %sign3A_190, %sign3A_193 : i32
        %ne3A = arith.cmpi ne, %sign3A_187, %sign3A_194 : i32
        %rem3A_195 = arith.remsi %add3A_180, %jit3A_181 : i32
        %ne3A_196 = arith.constant 0 : i32
        %ne3A_197 = arith.cmpi ne, %rem3A_195, %ne3A_196 : i32
        %and3A = arith.andi %ne3A, %ne3A_197 : i1
        %sub3A = arith.constant 1 : i32
        %sub3A_198 = arith.subi %div3A, %sub3A : i32
        %select_n3A_199 = arith.select %and3A, %sub3A_198, %div3A : i32
        %rem3A_200 = arith.constant 2 : i32
        %rem3A_201 = arith.remsi %add3A_180, %rem3A_200 : i32
        %mul3A_202 = arith.constant 64 : i32
        %mul3A_203 = arith.muli %rem3A_201, %mul3A_202 : i32
        %add3A_204 = arith.constant 0 : i32
        %add3A_205 = arith.addi %mul3A_203, %add3A_204 : i32
        %get3A = arith.index_cast %select_n3A_199 : i32 to index
        %get3A_206 = arith.index_cast %add3A_205 : i32 to index
        %get3A_207 = tpu.vector_load %arg6[%get3A, %get3A_206] {strides = array<i32>} : memref<144x128xi32, #tpu.memory_space<vmem>>, vector<1x16xi32>,
        %get3A_208 = vector.shape_cast %get3A_207 : vector<1x16xi32> to vector<16xi32>
        %and3A_209 = arith.constant 65535 : i32
        %and3A_210 = vector.broadcast %and3A_209 : i32 to vector<16xi32>
        %and3A_211 = arith.andi %get3A_208, %and3A_210 : vector<16xi32>
        %swap3A = arith.index_cast %rem3A_145 : i32 to index
        %swap3A_212 = arith.constant 0 : index
        %swap3A_213 = tpu.vector_load %arg7[%swap3A, %swap3A_212] {strides = array<i32>} : memref<3x64xi32, #tpu.memory_space<vmem>>, vector<1x16xi32>,
        %swap3A_214 = vector.shape_cast %swap3A_213 : vector<1x16xi32> to vector<16xi32>
        %swap3A_215 = vector.shape_cast %and3A_211 : vector<16xi32> to vector<1x16xi32>
        tpu.vector_store %arg7[%swap3A, %swap3A_212], %swap3A_215 {strides = array<i32>} : memref<3x64xi32, #tpu.memory_space<vmem>>, vector<1x16xi32>,
        %shift_right_logical3A = arith.constant 16 : i32
        %shift_right_logical3A_216 = vector.broadcast %shift_right_logical3A : i32 to vector<16xi32>
        %shift_right_logical3A_217 = arith.shrui %get3A_208, %shift_right_logical3A_216 : vector<16xi32>
        %swap3A_218 = arith.index_cast %rem3A_145 : i32 to index
        %swap3A_219 = arith.constant 0 : index
        %swap3A_220 = tpu.vector_load %arg8[%swap3A_218, %swap3A_219] {strides = array<i32>} : memref<3x64xi32, #tpu.memory_space<vmem>>, vector<1x16xi32>,
        %swap3A_221 = vector.shape_cast %swap3A_220 : vector<1x16xi32> to vector<16xi32>
        %swap3A_222 = vector.shape_cast %shift_right_logical3A_217 : vector<16xi32> to vector<1x16xi32>
        tpu.vector_store %arg8[%swap3A_218, %swap3A_219], %swap3A_222 {strides = array<i32>} : memref<3x64xi32, #tpu.memory_space<vmem>>, vector<1x16xi32>,
        %add3A_223 = arith.constant 16 : i32
        %add3A_224 = arith.addi %mul3A_203, %add3A_223 : i32
        %get3A_225 = arith.index_cast %select_n3A_199 : i32 to index
        %get3A_226 = arith.index_cast %add3A_224 : i32 to index
        %get3A_227 = tpu.vector_load %arg6[%get3A_225, %get3A_226] {strides = array<i32>} : memref<144x128xi32, #tpu.memory_space<vmem>>, vector<1x16xi32>,
        %get3A_228 = vector.shape_cast %get3A_227 : vector<1x16xi32> to vector<16xi32>
        %and3A_229 = arith.constant 65535 : i32
        %and3A_230 = vector.broadcast %and3A_229 : i32 to vector<16xi32>
        %and3A_231 = arith.andi %get3A_228, %and3A_230 : vector<16xi32>
        %swap3A_232 = arith.index_cast %rem3A_145 : i32 to index
        %swap3A_233 = arith.constant 16 : index
        %swap3A_234 = tpu.vector_load %arg7[%swap3A_232, %swap3A_233] {strides = array<i32>} : memref<3x64xi32, #tpu.memory_space<vmem>>, vector<1x16xi32>,
        %swap3A_235 = vector.shape_cast %swap3A_234 : vector<1x16xi32> to vector<16xi32>
        %swap3A_236 = vector.shape_cast %and3A_231 : vector<16xi32> to vector<1x16xi32>
        tpu.vector_store %arg7[%swap3A_232, %swap3A_233], %swap3A_236 {strides = array<i32>} : memref<3x64xi32, #tpu.memory_space<vmem>>, vector<1x16xi32>,
        %shift_right_logical3A_237 = arith.constant 16 : i32
        %shift_right_logical3A_238 = vector.broadcast %shift_right_logical3A_237 : i32 to vector<16xi32>
        %shift_right_logical3A_239 = arith.shrui %get3A_228, %shift_right_logical3A_238 : vector<16xi32>
        %swap3A_240 = arith.index_cast %rem3A_145 : i32 to index
        %swap3A_241 = arith.constant 16 : index
        %swap3A_242 = tpu.vector_load %arg8[%swap3A_240, %swap3A_241] {strides = array<i32>} : memref<3x64xi32, #tpu.memory_space<vmem>>, vector<1x16xi32>,
        %swap3A_243 = vector.shape_cast %swap3A_242 : vector<1x16xi32> to vector<16xi32>
        %swap3A_244 = vector.shape_cast %shift_right_logical3A_239 : vector<16xi32> to vector<1x16xi32>
        tpu.vector_store %arg8[%swap3A_240, %swap3A_241], %swap3A_244 {strides = array<i32>} : memref<3x64xi32, #tpu.memory_space<vmem>>, vector<1x16xi32>,
        %add3A_245 = arith.constant 32 : i32
        %add3A_246 = arith.addi %mul3A_203, %add3A_245 : i32
        %get3A_247 = arith.index_cast %select_n3A_199 : i32 to index
        %get3A_248 = arith.index_cast %add3A_246 : i32 to index
        %get3A_249 = tpu.vector_load %arg6[%get3A_247, %get3A_248] {strides = array<i32>} : memref<144x128xi32, #tpu.memory_space<vmem>>, vector<1x16xi32>,
        %get3A_250 = vector.shape_cast %get3A_249 : vector<1x16xi32> to vector<16xi32>
        %and3A_251 = arith.constant 65535 : i32
        %and3A_252 = vector.broadcast %and3A_251 : i32 to vector<16xi32>
        %and3A_253 = arith.andi %get3A_250, %and3A_252 : vector<16xi32>
        %swap3A_254 = arith.index_cast %rem3A_145 : i32 to index
        %swap3A_255 = arith.constant 32 : index
        %swap3A_256 = tpu.vector_load %arg7[%swap3A_254, %swap3A_255] {strides = array<i32>} : memref<3x64xi32, #tpu.memory_space<vmem>>, vector<1x16xi32>,
        %swap3A_257 = vector.shape_cast %swap3A_256 : vector<1x16xi32> to vector<16xi32>
        %swap3A_258 = vector.shape_cast %and3A_253 : vector<16xi32> to vector<1x16xi32>
        tpu.vector_store %arg7[%swap3A_254, %swap3A_255], %swap3A_258 {strides = array<i32>} : memref<3x64xi32, #tpu.memory_space<vmem>>, vector<1x16xi32>,
        %shift_right_logical3A_259 = arith.constant 16 : i32
        %shift_right_logical3A_260 = vector.broadcast %shift_right_logical3A_259 : i32 to vector<16xi32>
        %shift_right_logical3A_261 = arith.shrui %get3A_250, %shift_right_logical3A_260 : vector<16xi32>
        %swap3A_262 = arith.index_cast %rem3A_145 : i32 to index
        %swap3A_263 = arith.constant 32 : index
        %swap3A_264 = tpu.vector_load %arg8[%swap3A_262, %swap3A_263] {strides = array<i32>} : memref<3x64xi32, #tpu.memory_space<vmem>>, vector<1x16xi32>,
        %swap3A_265 = vector.shape_cast %swap3A_264 : vector<1x16xi32> to vector<16xi32>
        %swap3A_266 = vector.shape_cast %shift_right_logical3A_261 : vector<16xi32> to vector<1x16xi32>
        tpu.vector_store %arg8[%swap3A_262, %swap3A_263], %swap3A_266 {strides = array<i32>} : memref<3x64xi32, #tpu.memory_space<vmem>>, vector<1x16xi32>,
        %add3A_267 = arith.constant 48 : i32
        %add3A_268 = arith.addi %mul3A_203, %add3A_267 : i32
        %get3A_269 = arith.index_cast %select_n3A_199 : i32 to index
        %get3A_270 = arith.index_cast %add3A_268 : i32 to index
        %get3A_271 = tpu.vector_load %arg6[%get3A_269, %get3A_270] {strides = array<i32>} : memref<144x128xi32, #tpu.memory_space<vmem>>, vector<1x16xi32>,
        %get3A_272 = vector.shape_cast %get3A_271 : vector<1x16xi32> to vector<16xi32>
        %and3A_273 = arith.constant 65535 : i32
        %and3A_274 = vector.broadcast %and3A_273 : i32 to vector<16xi32>
        %and3A_275 = arith.andi %get3A_272, %and3A_274 : vector<16xi32>
        %swap3A_276 = arith.index_cast %rem3A_145 : i32 to index
        %swap3A_277 = arith.constant 48 : index
        %swap3A_278 = tpu.vector_load %arg7[%swap3A_276, %swap3A_277] {strides = array<i32>} : memref<3x64xi32, #tpu.memory_space<vmem>>, vector<1x16xi32>,
        %swap3A_279 = vector.shape_cast %swap3A_278 : vector<1x16xi32> to vector<16xi32>
        %swap3A_280 = vector.shape_cast %and3A_275 : vector<16xi32> to vector<1x16xi32>
        tpu.vector_store %arg7[%swap3A_276, %swap3A_277], %swap3A_280 {strides = array<i32>} : memref<3x64xi32, #tpu.memory_space<vmem>>, vector<1x16xi32>,
        %shift_right_logical3A_281 = arith.constant 16 : i32
        %shift_right_logical3A_282 = vector.broadcast %shift_right_logical3A_281 : i32 to vector<16xi32>
        %shift_right_logical3A_283 = arith.shrui %get3A_272, %shift_right_logical3A_282 : vector<16xi32>
        %swap3A_284 = arith.index_cast %rem3A_145 : i32 to index
        %swap3A_285 = arith.constant 48 : index
        %swap3A_286 = tpu.vector_load %arg8[%swap3A_284, %swap3A_285] {strides = array<i32>} : memref<3x64xi32, #tpu.memory_space<vmem>>, vector<1x16xi32>,
        %swap3A_287 = vector.shape_cast %swap3A_286 : vector<1x16xi32> to vector<16xi32>
        %swap3A_288 = vector.shape_cast %shift_right_logical3A_283 : vector<16xi32> to vector<1x16xi32>
        tpu.vector_store %arg8[%swap3A_284, %swap3A_285], %swap3A_288 {strides = array<i32>} : memref<3x64xi32, #tpu.memory_space<vmem>>, vector<1x16xi32>,
        %add3A_289 = arith.constant 2 : i32
        %add3A_290 = arith.addi %while3A_142, %add3A_289 : i32
        %dma_start3A_291 = arith.constant 0 : i32
        %dma_start3A_292 = arith.constant 0 : i32
        %dma_start3A_293 = tpu.memref_slice %arg9[%rem3A_145, %dma_start3A_291, %dma_start3A_292] : memref<3x64x128xf32, #tpu.memory_space<vmem>> -> memref<1x64x128xf32, #tpu.memory_space<vmem>>
        %dma_start3A_294 = tpu.memref_squeeze %dma_start3A_293 : memref<1x64x128xf32, #tpu.memory_space<vmem>> -> memref<64x128xf32, #tpu.memory_space<vmem>>
        %dma_start3A_295 = arith.constant 0 : i32
        %dma_start3A_296 = tpu.memref_slice %arg7[%rem3A_145, %dma_start3A_295] : memref<3x64xi32, #tpu.memory_space<vmem>> -> memref<1x64xi32, #tpu.memory_space<vmem>>
        %dma_start3A_297 = tpu.memref_squeeze %dma_start3A_296 : memref<1x64xi32, #tpu.memory_space<vmem>> -> memref<64xi32, #tpu.memory_space<vmem>>
        %dma_start3A_298 = arith.constant 0 : i32
        %dma_start3A_299 = arith.constant 0 : i32
        %dma_start3A_300 = tpu.memref_slice %arg2[%dma_start3A_298, %dma_start3A_299] : memref<10240x128xf32, #tpu.memory_space<hbm>> -> memref<10240x128xf32, #tpu.memory_space<hbm>>
        %dma_start3A_301 = tpu.memref_slice %arg11[%rem3A_145] : memref<3x!tpu.dma_semaphore, #tpu.memory_space<semaphore_mem>> -> memref<1x!tpu.dma_semaphore, #tpu.memory_space<semaphore_mem>>
        %dma_start3A_302 = tpu.memref_squeeze %dma_start3A_301 : memref<1x!tpu.dma_semaphore, #tpu.memory_space<semaphore_mem>> -> memref<!tpu.dma_semaphore, #tpu.memory_space<semaphore_mem>>
        tpu.enqueue_indirect_dma source(%dma_start3A_300 : memref<10240x128xf32, #tpu.memory_space<hbm>>) target(%dma_start3A_294 : memref<64x128xf32, #tpu.memory_space<vmem>>) offsets(%dma_start3A_297 : memref<64xi32, #tpu.memory_space<vmem>>) semaphore(%dma_start3A_302 : memref<!tpu.dma_semaphore, #tpu.memory_space<semaphore_mem>>)
      } else {
      }
      %dma_wait3A = arith.constant 0 : i32
      %dma_wait3A_157 = arith.constant 0 : i32
      %dma_wait3A_158 = tpu.memref_slice %arg9[%rem3A_147, %dma_wait3A, %dma_wait3A_157] : memref<3x64x128xf32, #tpu.memory_space<vmem>> -> memref<1x64x128xf32, #tpu.memory_space<vmem>>
      %dma_wait3A_159 = tpu.memref_squeeze %dma_wait3A_158 : memref<1x64x128xf32, #tpu.memory_space<vmem>> -> memref<64x128xf32, #tpu.memory_space<vmem>>
      %dma_wait3A_160 = arith.constant 0 : i32
      %dma_wait3A_161 = tpu.memref_slice %arg7[%rem3A_147, %dma_wait3A_160] : memref<3x64xi32, #tpu.memory_space<vmem>> -> memref<1x64xi32, #tpu.memory_space<vmem>>
      %dma_wait3A_162 = tpu.memref_squeeze %dma_wait3A_161 : memref<1x64xi32, #tpu.memory_space<vmem>> -> memref<64xi32, #tpu.memory_space<vmem>>
      %dma_wait3A_163 = arith.constant 0 : i32
      %dma_wait3A_164 = arith.constant 0 : i32
      %dma_wait3A_165 = tpu.memref_slice %arg2[%dma_wait3A_163, %dma_wait3A_164] : memref<10240x128xf32, #tpu.memory_space<hbm>> -> memref<10240x128xf32, #tpu.memory_space<hbm>>
      %dma_wait3A_166 = tpu.memref_slice %arg11[%rem3A_147] : memref<3x!tpu.dma_semaphore, #tpu.memory_space<semaphore_mem>> -> memref<1x!tpu.dma_semaphore, #tpu.memory_space<semaphore_mem>>
      %dma_wait3A_167 = tpu.memref_squeeze %dma_wait3A_166 : memref<1x!tpu.dma_semaphore, #tpu.memory_space<semaphore_mem>> -> memref<!tpu.dma_semaphore, #tpu.memory_space<semaphore_mem>>
      tpu.wait_indirect_dma semaphore(%dma_wait3A_167 : memref<!tpu.dma_semaphore, #tpu.memory_space<semaphore_mem>>) src(%dma_wait3A_165 : memref<10240x128xf32, #tpu.memory_space<hbm>>) dst(%dma_wait3A_159 : memref<64x128xf32, #tpu.memory_space<vmem>>)
      %dma_start3A = arith.constant 0 : i32
      %dma_start3A_168 = arith.constant 0 : i32
      %dma_start3A_169 = tpu.memref_slice %arg9[%rem3A_147, %dma_start3A, %dma_start3A_168] : memref<3x64x128xf32, #tpu.memory_space<vmem>> -> memref<1x64x128xf32, #tpu.memory_space<vmem>>
      %dma_start3A_170 = tpu.memref_squeeze %dma_start3A_169 : memref<1x64x128xf32, #tpu.memory_space<vmem>> -> memref<64x128xf32, #tpu.memory_space<vmem>>
      %dma_start3A_171 = arith.constant 0 : i32
      %dma_start3A_172 = tpu.memref_slice %arg8[%rem3A_147, %dma_start3A_171] : memref<3x64xi32, #tpu.memory_space<vmem>> -> memref<1x64xi32, #tpu.memory_space<vmem>>
      %dma_start3A_173 = tpu.memref_squeeze %dma_start3A_172 : memref<1x64xi32, #tpu.memory_space<vmem>> -> memref<64xi32, #tpu.memory_space<vmem>>
      %dma_start3A_174 = arith.constant 0 : i32
      %dma_start3A_175 = arith.constant 0 : i32
      %dma_start3A_176 = tpu.memref_slice %arg10[%dma_start3A_174, %dma_start3A_175] : memref<10240x128xf32, #tpu.memory_space<vmem_shared>> -> memref<10240x128xf32, #tpu.memory_space<vmem_shared>>
      %dma_start3A_177 = tpu.memref_slice %arg12[%rem3A_147] : memref<3x!tpu.dma_semaphore, #tpu.memory_space<semaphore_mem>> -> memref<1x!tpu.dma_semaphore, #tpu.memory_space<semaphore_mem>>
      %dma_start3A_178 = tpu.memref_squeeze %dma_start3A_177 : memref<1x!tpu.dma_semaphore, #tpu.memory_space<semaphore_mem>> -> memref<!tpu.dma_semaphore, #tpu.memory_space<semaphore_mem>>
      tpu.enqueue_indirect_dma source(%dma_start3A_170 : memref<64x128xf32, #tpu.memory_space<vmem>>) target(%dma_start3A_176 : memref<10240x128xf32, #tpu.memory_space<vmem_shared>>) offsets(%dma_start3A_173 : memref<64xi32, #tpu.memory_space<vmem>>) semaphore(%dma_start3A_178 : memref<!tpu.dma_semaphore, #tpu.memory_space<semaphore_mem>>) {add = true}
    }
    %while3A_75 = arith.constant 1 : i32
    scf.for %while3A_142 = %while3A_73 to %while3A_69 step %while3A_75  : i32 {
      %add3A_143 = arith.constant 2 : i32
      %add3A_144 = arith.addi %while3A_142, %add3A_143 : i32
      %rem3A = arith.constant 3 : i32
      %rem3A_145 = arith.remsi %add3A_144, %rem3A : i32
      %rem3A_146 = arith.constant 3 : i32
      %rem3A_147 = arith.remsi %while3A_142, %rem3A_146 : i32
      %ge3A = arith.constant 1 : i32
      %ge3A_148 = arith.cmpi sge, %while3A_142, %ge3A : i32
      %convert_element_type3A_149 = arith.extui %ge3A_148 : i1 to i32
      %cond3A_150 = arith.constant 0 : i32
      %cond3A_151 = arith.cmpi ne, %convert_element_type3A_149, %cond3A_150 : i32
      scf.if %cond3A_151 {
        %dma_wait3A_179 = arith.constant 0 : i32
        %dma_wait3A_180 = arith.constant 0 : i32
        %dma_wait3A_181 = tpu.memref_slice %arg9[%rem3A_145, %dma_wait3A_179, %dma_wait3A_180] : memref<3x64x128xf32, #tpu.memory_space<vmem>> -> memref<1x64x128xf32, #tpu.memory_space<vmem>>
        %dma_wait3A_182 = tpu.memref_squeeze %dma_wait3A_181 : memref<1x64x128xf32, #tpu.memory_space<vmem>> -> memref<64x128xf32, #tpu.memory_space<vmem>>
        %dma_wait3A_183 = arith.constant 0 : i32
        %dma_wait3A_184 = tpu.memref_slice %arg8[%rem3A_145, %dma_wait3A_183] : memref<3x64xi32, #tpu.memory_space<vmem>> -> memref<1x64xi32, #tpu.memory_space<vmem>>
        %dma_wait3A_185 = tpu.memref_squeeze %dma_wait3A_184 : memref<1x64xi32, #tpu.memory_space<vmem>> -> memref<64xi32, #tpu.memory_space<vmem>>
        %dma_wait3A_186 = arith.constant 0 : i32
        %dma_wait3A_187 = arith.constant 0 : i32
        %dma_wait3A_188 = tpu.memref_slice %arg10[%dma_wait3A_186, %dma_wait3A_187] : memref<10240x128xf32, #tpu.memory_space<vmem_shared>> -> memref<10240x128xf32, #tpu.memory_space<vmem_shared>>
        %dma_wait3A_189 = tpu.memref_slice %arg12[%rem3A_145] : memref<3x!tpu.dma_semaphore, #tpu.memory_space<semaphore_mem>> -> memref<1x!tpu.dma_semaphore, #tpu.memory_space<semaphore_mem>>
        %dma_wait3A_190 = tpu.memref_squeeze %dma_wait3A_189 : memref<1x!tpu.dma_semaphore, #tpu.memory_space<semaphore_mem>> -> memref<!tpu.dma_semaphore, #tpu.memory_space<semaphore_mem>>
        tpu.wait_indirect_dma semaphore(%dma_wait3A_190 : memref<!tpu.dma_semaphore, #tpu.memory_space<semaphore_mem>>) src(%dma_wait3A_182 : memref<64x128xf32, #tpu.memory_space<vmem>>) dst(%dma_wait3A_188 : memref<10240x128xf32, #tpu.memory_space<vmem_shared>>)
      } else {
      }
      %add3A_152 = arith.constant 2 : i32
      %add3A_153 = arith.addi %while3A_142, %add3A_152 : i32
      %lt3A = arith.cmpi slt, %add3A_153, %select_n3A : i32
      %convert_element_type3A_154 = arith.extui %lt3A : i1 to i32
      %cond3A_155 = arith.constant 0 : i32
      %cond3A_156 = arith.cmpi ne, %convert_element_type3A_154, %cond3A_155 : i32
      scf.if %cond3A_156 {
        %add3A_179 = arith.constant 2 : i32
        %add3A_180 = arith.addi %while3A_142, %add3A_179 : i32
        %jit3A_181 = arith.constant 2 : i32
        %div3A = arith.divsi %add3A_180, %jit3A_181 : i32
        %sign3A = arith.constant 0 : i32
        %sign3A_182 = arith.cmpi sgt, %add3A_180, %sign3A : i32
        %sign3A_183 = arith.extui %sign3A_182 : i1 to i32
        %sign3A_184 = arith.constant 0 : i32
        %sign3A_185 = arith.cmpi slt, %add3A_180, %sign3A_184 : i32
        %sign3A_186 = arith.extui %sign3A_185 : i1 to i32
        %sign3A_187 = arith.subi %sign3A_183, %sign3A_186 : i32
        %sign3A_188 = arith.constant 0 : i32
        %sign3A_189 = arith.cmpi sgt, %jit3A_181, %sign3A_188 : i32
        %sign3A_190 = arith.extui %sign3A_189 : i1 to i32
        %sign3A_191 = arith.constant 0 : i32
        %sign3A_192 = arith.cmpi slt, %jit3A_181, %sign3A_191 : i32
        %sign3A_193 = arith.extui %sign3A_192 : i1 to i32
        %sign3A_194 = arith.subi %sign3A_190, %sign3A_193 : i32
        %ne3A = arith.cmpi ne, %sign3A_187, %sign3A_194 : i32
        %rem3A_195 = arith.remsi %add3A_180, %jit3A_181 : i32
        %ne3A_196 = arith.constant 0 : i32
        %ne3A_197 = arith.cmpi ne, %rem3A_195, %ne3A_196 : i32
        %and3A = arith.andi %ne3A, %ne3A_197 : i1
        %sub3A = arith.constant 1 : i32
        %sub3A_198 = arith.subi %div3A, %sub3A : i32
        %select_n3A_199 = arith.select %and3A, %sub3A_198, %div3A : i32
        %rem3A_200 = arith.constant 2 : i32
        %rem3A_201 = arith.remsi %add3A_180, %rem3A_200 : i32
        %mul3A_202 = arith.constant 64 : i32
        %mul3A_203 = arith.muli %rem3A_201, %mul3A_202 : i32
        %add3A_204 = arith.constant 0 : i32
        %add3A_205 = arith.addi %mul3A_203, %add3A_204 : i32
        %get3A = arith.index_cast %select_n3A_199 : i32 to index
        %get3A_206 = arith.index_cast %add3A_205 : i32 to index
        %get3A_207 = tpu.vector_load %arg6[%get3A, %get3A_206] {strides = array<i32>} : memref<144x128xi32, #tpu.memory_space<vmem>>, vector<1x16xi32>,
        %get3A_208 = vector.shape_cast %get3A_207 : vector<1x16xi32> to vector<16xi32>
        %and3A_209 = arith.constant 65535 : i32
        %and3A_210 = vector.broadcast %and3A_209 : i32 to vector<16xi32>
        %and3A_211 = arith.andi %get3A_208, %and3A_210 : vector<16xi32>
        %swap3A = arith.index_cast %rem3A_145 : i32 to index
        %swap3A_212 = arith.constant 0 : index
        %swap3A_213 = tpu.vector_load %arg7[%swap3A, %swap3A_212] {strides = array<i32>} : memref<3x64xi32, #tpu.memory_space<vmem>>, vector<1x16xi32>,
        %swap3A_214 = vector.shape_cast %swap3A_213 : vector<1x16xi32> to vector<16xi32>
        %swap3A_215 = vector.shape_cast %and3A_211 : vector<16xi32> to vector<1x16xi32>
        tpu.vector_store %arg7[%swap3A, %swap3A_212], %swap3A_215 {strides = array<i32>} : memref<3x64xi32, #tpu.memory_space<vmem>>, vector<1x16xi32>,
        %shift_right_logical3A = arith.constant 16 : i32
        %shift_right_logical3A_216 = vector.broadcast %shift_right_logical3A : i32 to vector<16xi32>
        %shift_right_logical3A_217 = arith.shrui %get3A_208, %shift_right_logical3A_216 : vector<16xi32>
        %swap3A_218 = arith.index_cast %rem3A_145 : i32 to index
        %swap3A_219 = arith.constant 0 : index
        %swap3A_220 = tpu.vector_load %arg8[%swap3A_218, %swap3A_219] {strides = array<i32>} : memref<3x64xi32, #tpu.memory_space<vmem>>, vector<1x16xi32>,
        %swap3A_221 = vector.shape_cast %swap3A_220 : vector<1x16xi32> to vector<16xi32>
        %swap3A_222 = vector.shape_cast %shift_right_logical3A_217 : vector<16xi32> to vector<1x16xi32>
        tpu.vector_store %arg8[%swap3A_218, %swap3A_219], %swap3A_222 {strides = array<i32>} : memref<3x64xi32, #tpu.memory_space<vmem>>, vector<1x16xi32>,
        %add3A_223 = arith.constant 16 : i32
        %add3A_224 = arith.addi %mul3A_203, %add3A_223 : i32
        %get3A_225 = arith.index_cast %select_n3A_199 : i32 to index
        %get3A_226 = arith.index_cast %add3A_224 : i32 to index
        %get3A_227 = tpu.vector_load %arg6[%get3A_225, %get3A_226] {strides = array<i32>} : memref<144x128xi32, #tpu.memory_space<vmem>>, vector<1x16xi32>,
        %get3A_228 = vector.shape_cast %get3A_227 : vector<1x16xi32> to vector<16xi32>
        %and3A_229 = arith.constant 65535 : i32
        %and3A_230 = vector.broadcast %and3A_229 : i32 to vector<16xi32>
        %and3A_231 = arith.andi %get3A_228, %and3A_230 : vector<16xi32>
        %swap3A_232 = arith.index_cast %rem3A_145 : i32 to index
        %swap3A_233 = arith.constant 16 : index
        %swap3A_234 = tpu.vector_load %arg7[%swap3A_232, %swap3A_233] {strides = array<i32>} : memref<3x64xi32, #tpu.memory_space<vmem>>, vector<1x16xi32>,
        %swap3A_235 = vector.shape_cast %swap3A_234 : vector<1x16xi32> to vector<16xi32>
        %swap3A_236 = vector.shape_cast %and3A_231 : vector<16xi32> to vector<1x16xi32>
        tpu.vector_store %arg7[%swap3A_232, %swap3A_233], %swap3A_236 {strides = array<i32>} : memref<3x64xi32, #tpu.memory_space<vmem>>, vector<1x16xi32>,
        %shift_right_logical3A_237 = arith.constant 16 : i32
        %shift_right_logical3A_238 = vector.broadcast %shift_right_logical3A_237 : i32 to vector<16xi32>
        %shift_right_logical3A_239 = arith.shrui %get3A_228, %shift_right_logical3A_238 : vector<16xi32>
        %swap3A_240 = arith.index_cast %rem3A_145 : i32 to index
        %swap3A_241 = arith.constant 16 : index
        %swap3A_242 = tpu.vector_load %arg8[%swap3A_240, %swap3A_241] {strides = array<i32>} : memref<3x64xi32, #tpu.memory_space<vmem>>, vector<1x16xi32>,
        %swap3A_243 = vector.shape_cast %swap3A_242 : vector<1x16xi32> to vector<16xi32>
        %swap3A_244 = vector.shape_cast %shift_right_logical3A_239 : vector<16xi32> to vector<1x16xi32>
        tpu.vector_store %arg8[%swap3A_240, %swap3A_241], %swap3A_244 {strides = array<i32>} : memref<3x64xi32, #tpu.memory_space<vmem>>, vector<1x16xi32>,
        %add3A_245 = arith.constant 32 : i32
        %add3A_246 = arith.addi %mul3A_203, %add3A_245 : i32
        %get3A_247 = arith.index_cast %select_n3A_199 : i32 to index
        %get3A_248 = arith.index_cast %add3A_246 : i32 to index
        %get3A_249 = tpu.vector_load %arg6[%get3A_247, %get3A_248] {strides = array<i32>} : memref<144x128xi32, #tpu.memory_space<vmem>>, vector<1x16xi32>,
        %get3A_250 = vector.shape_cast %get3A_249 : vector<1x16xi32> to vector<16xi32>
        %and3A_251 = arith.constant 65535 : i32
        %and3A_252 = vector.broadcast %and3A_251 : i32 to vector<16xi32>
        %and3A_253 = arith.andi %get3A_250, %and3A_252 : vector<16xi32>
        %swap3A_254 = arith.index_cast %rem3A_145 : i32 to index
        %swap3A_255 = arith.constant 32 : index
        %swap3A_256 = tpu.vector_load %arg7[%swap3A_254, %swap3A_255] {strides = array<i32>} : memref<3x64xi32, #tpu.memory_space<vmem>>, vector<1x16xi32>,
        %swap3A_257 = vector.shape_cast %swap3A_256 : vector<1x16xi32> to vector<16xi32>
        %swap3A_258 = vector.shape_cast %and3A_253 : vector<16xi32> to vector<1x16xi32>
        tpu.vector_store %arg7[%swap3A_254, %swap3A_255], %swap3A_258 {strides = array<i32>} : memref<3x64xi32, #tpu.memory_space<vmem>>, vector<1x16xi32>,
        %shift_right_logical3A_259 = arith.constant 16 : i32
        %shift_right_logical3A_260 = vector.broadcast %shift_right_logical3A_259 : i32 to vector<16xi32>
        %shift_right_logical3A_261 = arith.shrui %get3A_250, %shift_right_logical3A_260 : vector<16xi32>
        %swap3A_262 = arith.index_cast %rem3A_145 : i32 to index
        %swap3A_263 = arith.constant 32 : index
        %swap3A_264 = tpu.vector_load %arg8[%swap3A_262, %swap3A_263] {strides = array<i32>} : memref<3x64xi32, #tpu.memory_space<vmem>>, vector<1x16xi32>,
        %swap3A_265 = vector.shape_cast %swap3A_264 : vector<1x16xi32> to vector<16xi32>
        %swap3A_266 = vector.shape_cast %shift_right_logical3A_261 : vector<16xi32> to vector<1x16xi32>
        tpu.vector_store %arg8[%swap3A_262, %swap3A_263], %swap3A_266 {strides = array<i32>} : memref<3x64xi32, #tpu.memory_space<vmem>>, vector<1x16xi32>,
        %add3A_267 = arith.constant 48 : i32
        %add3A_268 = arith.addi %mul3A_203, %add3A_267 : i32
        %get3A_269 = arith.index_cast %select_n3A_199 : i32 to index
        %get3A_270 = arith.index_cast %add3A_268 : i32 to index
        %get3A_271 = tpu.vector_load %arg6[%get3A_269, %get3A_270] {strides = array<i32>} : memref<144x128xi32, #tpu.memory_space<vmem>>, vector<1x16xi32>,
        %get3A_272 = vector.shape_cast %get3A_271 : vector<1x16xi32> to vector<16xi32>
        %and3A_273 = arith.constant 65535 : i32
        %and3A_274 = vector.broadcast %and3A_273 : i32 to vector<16xi32>
        %and3A_275 = arith.andi %get3A_272, %and3A_274 : vector<16xi32>
        %swap3A_276 = arith.index_cast %rem3A_145 : i32 to index
        %swap3A_277 = arith.constant 48 : index
        %swap3A_278 = tpu.vector_load %arg7[%swap3A_276, %swap3A_277] {strides = array<i32>} : memref<3x64xi32, #tpu.memory_space<vmem>>, vector<1x16xi32>,
        %swap3A_279 = vector.shape_cast %swap3A_278 : vector<1x16xi32> to vector<16xi32>
        %swap3A_280 = vector.shape_cast %and3A_275 : vector<16xi32> to vector<1x16xi32>
        tpu.vector_store %arg7[%swap3A_276, %swap3A_277], %swap3A_280 {strides = array<i32>} : memref<3x64xi32, #tpu.memory_space<vmem>>, vector<1x16xi32>,
        %shift_right_logical3A_281 = arith.constant 16 : i32
        %shift_right_logical3A_282 = vector.broadcast %shift_right_logical3A_281 : i32 to vector<16xi32>
        %shift_right_logical3A_283 = arith.shrui %get3A_272, %shift_right_logical3A_282 : vector<16xi32>
        %swap3A_284 = arith.index_cast %rem3A_145 : i32 to index
        %swap3A_285 = arith.constant 48 : index
        %swap3A_286 = tpu.vector_load %arg8[%swap3A_284, %swap3A_285] {strides = array<i32>} : memref<3x64xi32, #tpu.memory_space<vmem>>, vector<1x16xi32>,
        %swap3A_287 = vector.shape_cast %swap3A_286 : vector<1x16xi32> to vector<16xi32>
        %swap3A_288 = vector.shape_cast %shift_right_logical3A_283 : vector<16xi32> to vector<1x16xi32>
        tpu.vector_store %arg8[%swap3A_284, %swap3A_285], %swap3A_288 {strides = array<i32>} : memref<3x64xi32, #tpu.memory_space<vmem>>, vector<1x16xi32>,
        %add3A_289 = arith.constant 2 : i32
        %add3A_290 = arith.addi %while3A_142, %add3A_289 : i32
        %dma_start3A_291 = arith.constant 0 : i32
        %dma_start3A_292 = arith.constant 0 : i32
        %dma_start3A_293 = tpu.memref_slice %arg9[%rem3A_145, %dma_start3A_291, %dma_start3A_292] : memref<3x64x128xf32, #tpu.memory_space<vmem>> -> memref<1x64x128xf32, #tpu.memory_space<vmem>>
        %dma_start3A_294 = tpu.memref_squeeze %dma_start3A_293 : memref<1x64x128xf32, #tpu.memory_space<vmem>> -> memref<64x128xf32, #tpu.memory_space<vmem>>
        %dma_start3A_295 = arith.constant 0 : i32
        %dma_start3A_296 = tpu.memref_slice %arg7[%rem3A_145, %dma_start3A_295] : memref<3x64xi32, #tpu.memory_space<vmem>> -> memref<1x64xi32, #tpu.memory_space<vmem>>
        %dma_start3A_297 = tpu.memref_squeeze %dma_start3A_296 : memref<1x64xi32, #tpu.memory_space<vmem>> -> memref<64xi32, #tpu.memory_space<vmem>>
        %dma_start3A_298 = arith.constant 0 : i32
        %dma_start3A_299 = arith.constant 0 : i32
        %dma_start3A_300 = tpu.memref_slice %arg2[%dma_start3A_298, %dma_start3A_299] : memref<10240x128xf32, #tpu.memory_space<hbm>> -> memref<10240x128xf32, #tpu.memory_space<hbm>>
        %dma_start3A_301 = tpu.memref_slice %arg11[%rem3A_145] : memref<3x!tpu.dma_semaphore, #tpu.memory_space<semaphore_mem>> -> memref<1x!tpu.dma_semaphore, #tpu.memory_space<semaphore_mem>>
        %dma_start3A_302 = tpu.memref_squeeze %dma_start3A_301 : memref<1x!tpu.dma_semaphore, #tpu.memory_space<semaphore_mem>> -> memref<!tpu.dma_semaphore, #tpu.memory_space<semaphore_mem>>
        tpu.enqueue_indirect_dma source(%dma_start3A_300 : memref<10240x128xf32, #tpu.memory_space<hbm>>) target(%dma_start3A_294 : memref<64x128xf32, #tpu.memory_space<vmem>>) offsets(%dma_start3A_297 : memref<64xi32, #tpu.memory_space<vmem>>) semaphore(%dma_start3A_302 : memref<!tpu.dma_semaphore, #tpu.memory_space<semaphore_mem>>)
      } else {
      }
      %dma_wait3A = arith.constant 0 : i32
      %dma_wait3A_157 = arith.constant 0 : i32
      %dma_wait3A_158 = tpu.memref_slice %arg9[%rem3A_147, %dma_wait3A, %dma_wait3A_157] : memref<3x64x128xf32, #tpu.memory_space<vmem>> -> memref<1x64x128xf32, #tpu.memory_space<vmem>>
      %dma_wait3A_159 = tpu.memref_squeeze %dma_wait3A_158 : memref<1x64x128xf32, #tpu.memory_space<vmem>> -> memref<64x128xf32, #tpu.memory_space<vmem>>
      %dma_wait3A_160 = arith.constant 0 : i32
      %dma_wait3A_161 = tpu.memref_slice %arg7[%rem3A_147, %dma_wait3A_160] : memref<3x64xi32, #tpu.memory_space<vmem>> -> memref<1x64xi32, #tpu.memory_space<vmem>>
      %dma_wait3A_162 = tpu.memref_squeeze %dma_wait3A_161 : memref<1x64xi32, #tpu.memory_space<vmem>> -> memref<64xi32, #tpu.memory_space<vmem>>
      %dma_wait3A_163 = arith.constant 0 : i32
      %dma_wait3A_164 = arith.constant 0 : i32
      %dma_wait3A_165 = tpu.memref_slice %arg2[%dma_wait3A_163, %dma_wait3A_164] : memref<10240x128xf32, #tpu.memory_space<hbm>> -> memref<10240x128xf32, #tpu.memory_space<hbm>>
      %dma_wait3A_166 = tpu.memref_slice %arg11[%rem3A_147] : memref<3x!tpu.dma_semaphore, #tpu.memory_space<semaphore_mem>> -> memref<1x!tpu.dma_semaphore, #tpu.memory_space<semaphore_mem>>
      %dma_wait3A_167 = tpu.memref_squeeze %dma_wait3A_166 : memref<1x!tpu.dma_semaphore, #tpu.memory_space<semaphore_mem>> -> memref<!tpu.dma_semaphore, #tpu.memory_space<semaphore_mem>>
      tpu.wait_indirect_dma semaphore(%dma_wait3A_167 : memref<!tpu.dma_semaphore, #tpu.memory_space<semaphore_mem>>) src(%dma_wait3A_165 : memref<10240x128xf32, #tpu.memory_space<hbm>>) dst(%dma_wait3A_159 : memref<64x128xf32, #tpu.memory_space<vmem>>)
      %dma_start3A = arith.constant 0 : i32
      %dma_start3A_168 = arith.constant 0 : i32
      %dma_start3A_169 = tpu.memref_slice %arg9[%rem3A_147, %dma_start3A, %dma_start3A_168] : memref<3x64x128xf32, #tpu.memory_space<vmem>> -> memref<1x64x128xf32, #tpu.memory_space<vmem>>
      %dma_start3A_170 = tpu.memref_squeeze %dma_start3A_169 : memref<1x64x128xf32, #tpu.memory_space<vmem>> -> memref<64x128xf32, #tpu.memory_space<vmem>>
      %dma_start3A_171 = arith.constant 0 : i32
      %dma_start3A_172 = tpu.memref_slice %arg8[%rem3A_147, %dma_start3A_171] : memref<3x64xi32, #tpu.memory_space<vmem>> -> memref<1x64xi32, #tpu.memory_space<vmem>>
      %dma_start3A_173 = tpu.memref_squeeze %dma_start3A_172 : memref<1x64xi32, #tpu.memory_space<vmem>> -> memref<64xi32, #tpu.memory_space<vmem>>
      %dma_start3A_174 = arith.constant 0 : i32
      %dma_start3A_175 = arith.constant 0 : i32
      %dma_start3A_176 = tpu.memref_slice %arg10[%dma_start3A_174, %dma_start3A_175] : memref<10240x128xf32, #tpu.memory_space<vmem_shared>> -> memref<10240x128xf32, #tpu.memory_space<vmem_shared>>
      %dma_start3A_177 = tpu.memref_slice %arg12[%rem3A_147] : memref<3x!tpu.dma_semaphore, #tpu.memory_space<semaphore_mem>> -> memref<1x!tpu.dma_semaphore, #tpu.memory_space<semaphore_mem>>
      %dma_start3A_178 = tpu.memref_squeeze %dma_start3A_177 : memref<1x!tpu.dma_semaphore, #tpu.memory_space<semaphore_mem>> -> memref<!tpu.dma_semaphore, #tpu.memory_space<semaphore_mem>>
      tpu.enqueue_indirect_dma source(%dma_start3A_170 : memref<64x128xf32, #tpu.memory_space<vmem>>) target(%dma_start3A_176 : memref<10240x128xf32, #tpu.memory_space<vmem_shared>>) offsets(%dma_start3A_173 : memref<64xi32, #tpu.memory_space<vmem>>) semaphore(%dma_start3A_178 : memref<!tpu.dma_semaphore, #tpu.memory_space<semaphore_mem>>) {add = true}
    }
    %gt3A_76 = arith.constant 0 : i32
    %gt3A_77 = arith.cmpi sgt, %select_n3A, %gt3A_76 : i32
    %convert_element_type3A_78 = arith.extui %gt3A_77 : i1 to i32
    %cond3A_79 = arith.constant 0 : i32
    %cond3A_80 = arith.cmpi ne, %convert_element_type3A_78, %cond3A_79 : i32
    scf.if %cond3A_80 {
      %sub3A = arith.constant 1 : i32
      %sub3A_142 = arith.subi %select_n3A, %sub3A : i32
      %add3A_143 = arith.constant 0 : i32
      %add3A_144 = arith.addi %sub3A_142, %add3A_143 : i32
      %rem3A = arith.constant 3 : i32
      %rem3A_145 = arith.remsi %add3A_144, %rem3A : i32
      %dma_wait3A = arith.constant 0 : i32
      %dma_wait3A_146 = arith.constant 0 : i32
      %dma_wait3A_147 = tpu.memref_slice %arg9[%rem3A_145, %dma_wait3A, %dma_wait3A_146] : memref<3x64x128xf32, #tpu.memory_space<vmem>> -> memref<1x64x128xf32, #tpu.memory_space<vmem>>
      %dma_wait3A_148 = tpu.memref_squeeze %dma_wait3A_147 : memref<1x64x128xf32, #tpu.memory_space<vmem>> -> memref<64x128xf32, #tpu.memory_space<vmem>>
      %dma_wait3A_149 = arith.constant 0 : i32
      %dma_wait3A_150 = tpu.memref_slice %arg8[%rem3A_145, %dma_wait3A_149] : memref<3x64xi32, #tpu.memory_space<vmem>> -> memref<1x64xi32, #tpu.memory_space<vmem>>
      %dma_wait3A_151 = tpu.memref_squeeze %dma_wait3A_150 : memref<1x64xi32, #tpu.memory_space<vmem>> -> memref<64xi32, #tpu.memory_space<vmem>>
      %dma_wait3A_152 = arith.constant 0 : i32
      %dma_wait3A_153 = arith.constant 0 : i32
      %dma_wait3A_154 = tpu.memref_slice %arg10[%dma_wait3A_152, %dma_wait3A_153] : memref<10240x128xf32, #tpu.memory_space<vmem_shared>> -> memref<10240x128xf32, #tpu.memory_space<vmem_shared>>
      %dma_wait3A_155 = tpu.memref_slice %arg12[%rem3A_145] : memref<3x!tpu.dma_semaphore, #tpu.memory_space<semaphore_mem>> -> memref<1x!tpu.dma_semaphore, #tpu.memory_space<semaphore_mem>>
      %dma_wait3A_156 = tpu.memref_squeeze %dma_wait3A_155 : memref<1x!tpu.dma_semaphore, #tpu.memory_space<semaphore_mem>> -> memref<!tpu.dma_semaphore, #tpu.memory_space<semaphore_mem>>
      tpu.wait_indirect_dma semaphore(%dma_wait3A_156 : memref<!tpu.dma_semaphore, #tpu.memory_space<semaphore_mem>>) src(%dma_wait3A_148 : memref<64x128xf32, #tpu.memory_space<vmem>>) dst(%dma_wait3A_154 : memref<10240x128xf32, #tpu.memory_space<vmem_shared>>)
    } else {
    }
    %barrier3A_81 = arith.constant 0 : index
    tpu.barrier barrier_id(%barrier3A_81)
    %mul3A_82 = arith.constant 640 : i32
    %mul3A_83 = arith.muli %arg1, %mul3A_82 : i32
    %add3A_84 = arith.constant 0 : i32
    %add3A_85 = arith.addi %mul3A_83, %add3A_84 : i32
    %run_scoped3A_86 = arith.constant 0 : i32
    "tpu.region"() ({
      %run_scoped3A_142 = tpu.sem_alloc : memref<!tpu.dma_semaphore, #tpu.memory_space<semaphore_mem>>
      %dma_start3A = arith.constant 0 : i32
      %dma_start3A_143 = arith.constant 0 : i32
      %dma_start3A_144 = tpu.memref_slice %arg9[%run_scoped3A_86, %dma_start3A, %dma_start3A_143] : memref<3x64x128xf32, #tpu.memory_space<vmem>> -> memref<1x64x128xf32, #tpu.memory_space<vmem>>
      %dma_start3A_145 = tpu.memref_squeeze %dma_start3A_144 : memref<1x64x128xf32, #tpu.memory_space<vmem>> -> memref<64x128xf32, #tpu.memory_space<vmem>>
      %dma_start3A_146 = arith.constant 0 : i32
      %dma_start3A_147 = tpu.memref_slice %arg10[%add3A_85, %dma_start3A_146] : memref<10240x128xf32, #tpu.memory_space<vmem_shared>> -> memref<64x128xf32, #tpu.memory_space<vmem_shared>>
      %dma_start3A_148 = arith.constant 0 : i32
      %dma_start3A_149 = arith.constant 0 : i32
      %dma_start3A_150 = tpu.memref_slice %arg9[%run_scoped3A_86, %dma_start3A_148, %dma_start3A_149] : memref<3x64x128xf32, #tpu.memory_space<vmem>> -> memref<1x64x128xf32, #tpu.memory_space<vmem>>
      %dma_start3A_151 = tpu.memref_squeeze %dma_start3A_150 : memref<1x64x128xf32, #tpu.memory_space<vmem>> -> memref<64x128xf32, #tpu.memory_space<vmem>>
      %dma_start3A_152 = arith.constant 0 : i32
      %dma_start3A_153 = tpu.memref_slice %arg10[%add3A_85, %dma_start3A_152] : memref<10240x128xf32, #tpu.memory_space<vmem_shared>> -> memref<64x128xf32, #tpu.memory_space<vmem_shared>>
      tpu.enqueue_dma source(%dma_start3A_153 : memref<64x128xf32, #tpu.memory_space<vmem_shared>>) target(%dma_start3A_151 : memref<64x128xf32, #tpu.memory_space<vmem>>) target_semaphore(%run_scoped3A_142 : memref<!tpu.dma_semaphore, #tpu.memory_space<semaphore_mem>>)
      %dma_wait3A = arith.constant 0 : i32
      %dma_wait3A_154 = arith.constant 0 : i32
      %dma_wait3A_155 = tpu.memref_slice %arg9[%run_scoped3A_86, %dma_wait3A, %dma_wait3A_154] : memref<3x64x128xf32, #tpu.memory_space<vmem>> -> memref<1x64x128xf32, #tpu.memory_space<vmem>>
      %dma_wait3A_156 = tpu.memref_squeeze %dma_wait3A_155 : memref<1x64x128xf32, #tpu.memory_space<vmem>> -> memref<64x128xf32, #tpu.memory_space<vmem>>
      %dma_wait3A_157 = arith.constant 0 : i32
      %dma_wait3A_158 = tpu.memref_slice %arg10[%add3A_85, %dma_wait3A_157] : memref<10240x128xf32, #tpu.memory_space<vmem_shared>> -> memref<64x128xf32, #tpu.memory_space<vmem_shared>>
      %dma_wait3A_159 = arith.constant 0 : i32
      %dma_wait3A_160 = arith.constant 0 : i32
      %dma_wait3A_161 = tpu.memref_slice %arg9[%run_scoped3A_86, %dma_wait3A_159, %dma_wait3A_160] : memref<3x64x128xf32, #tpu.memory_space<vmem>> -> memref<1x64x128xf32, #tpu.memory_space<vmem>>
      %dma_wait3A_162 = tpu.memref_squeeze %dma_wait3A_161 : memref<1x64x128xf32, #tpu.memory_space<vmem>> -> memref<64x128xf32, #tpu.memory_space<vmem>>
      %dma_wait3A_163 = arith.constant 0 : i32
      %dma_wait3A_164 = tpu.memref_slice %arg10[%add3A_85, %dma_wait3A_163] : memref<10240x128xf32, #tpu.memory_space<vmem_shared>> -> memref<64x128xf32, #tpu.memory_space<vmem_shared>>
      tpu.wait_dma2 semaphore(%run_scoped3A_142 : memref<!tpu.dma_semaphore, #tpu.memory_space<semaphore_mem>>) src(%dma_wait3A_164 : memref<64x128xf32, #tpu.memory_space<vmem_shared>>) dst(%dma_wait3A_162 : memref<64x128xf32, #tpu.memory_space<vmem>>)
      tpu.yield
    }) : () -> ()
    %run_scoped3A_87 = arith.constant 0 : i32
    "tpu.region"() ({
      %run_scoped3A_142 = tpu.sem_alloc : memref<!tpu.dma_semaphore, #tpu.memory_space<semaphore_mem>>
      %dma_start3A = arith.constant 0 : i32
      %dma_start3A_143 = arith.constant 0 : i32
      %dma_start3A_144 = tpu.memref_slice %arg9[%run_scoped3A_87, %dma_start3A, %dma_start3A_143] : memref<3x64x128xf32, #tpu.memory_space<vmem>> -> memref<1x64x128xf32, #tpu.memory_space<vmem>>
      %dma_start3A_145 = tpu.memref_squeeze %dma_start3A_144 : memref<1x64x128xf32, #tpu.memory_space<vmem>> -> memref<64x128xf32, #tpu.memory_space<vmem>>
      %dma_start3A_146 = arith.constant 0 : i32
      %dma_start3A_147 = tpu.memref_slice %arg5[%arg0, %add3A_85, %dma_start3A_146] : memref<2x10240x128xf32, #tpu.memory_space<hbm>> -> memref<1x64x128xf32, #tpu.memory_space<hbm>>
      %dma_start3A_148 = tpu.memref_squeeze %dma_start3A_147 : memref<1x64x128xf32, #tpu.memory_space<hbm>> -> memref<64x128xf32, #tpu.memory_space<hbm>>
      %dma_start3A_149 = arith.constant 0 : i32
      %dma_start3A_150 = tpu.memref_slice %arg5[%arg0, %add3A_85, %dma_start3A_149] : memref<2x10240x128xf32, #tpu.memory_space<hbm>> -> memref<1x64x128xf32, #tpu.memory_space<hbm>>
      %dma_start3A_151 = tpu.memref_squeeze %dma_start3A_150 : memref<1x64x128xf32, #tpu.memory_space<hbm>> -> memref<64x128xf32, #tpu.memory_space<hbm>>
      %dma_start3A_152 = arith.constant 0 : i32
      %dma_start3A_153 = arith.constant 0 : i32
      %dma_start3A_154 = tpu.memref_slice %arg9[%run_scoped3A_87, %dma_start3A_152, %dma_start3A_153] : memref<3x64x128xf32, #tpu.memory_space<vmem>> -> memref<1x64x128xf32, #tpu.memory_space<vmem>>
      %dma_start3A_155 = tpu.memref_squeeze %dma_start3A_154 : memref<1x64x128xf32, #tpu.memory_space<vmem>> -> memref<64x128xf32, #tpu.memory_space<vmem>>
      tpu.enqueue_dma source(%dma_start3A_155 : memref<64x128xf32, #tpu.memory_space<vmem>>) target(%dma_start3A_151 : memref<64x128xf32, #tpu.memory_space<hbm>>) target_semaphore(%run_scoped3A_142 : memref<!tpu.dma_semaphore, #tpu.memory_space<semaphore_mem>>)
      %dma_wait3A = arith.constant 0 : i32
      %dma_wait3A_156 = arith.constant 0 : i32
      %dma_wait3A_157 = tpu.memref_slice %arg9[%run_scoped3A_87, %dma_wait3A, %dma_wait3A_156] : memref<3x64x128xf32, #tpu.memory_space<vmem>> -> memref<1x64x128xf32, #tpu.memory_space<vmem>>
      %dma_wait3A_158 = tpu.memref_squeeze %dma_wait3A_157 : memref<1x64x128xf32, #tpu.memory_space<vmem>> -> memref<64x128xf32, #tpu.memory_space<vmem>>
      %dma_wait3A_159 = arith.constant 0 : i32
      %dma_wait3A_160 = tpu.memref_slice %arg5[%arg0, %add3A_85, %dma_wait3A_159] : memref<2x10240x128xf32, #tpu.memory_space<hbm>> -> memref<1x64x128xf32, #tpu.memory_space<hbm>>
      %dma_wait3A_161 = tpu.memref_squeeze %dma_wait3A_160 : memref<1x64x128xf32, #tpu.memory_space<hbm>> -> memref<64x128xf32, #tpu.memory_space<hbm>>
      %dma_wait3A_162 = arith.constant 0 : i32
      %dma_wait3A_163 = tpu.memref_slice %arg5[%arg0, %add3A_85, %dma_wait3A_162] : memref<2x10240x128xf32, #tpu.memory_space<hbm>> -> memref<1x64x128xf32, #tpu.memory_space<hbm>>
      %dma_wait3A_164 = tpu.memref_squeeze %dma_wait3A_163 : memref<1x64x128xf32, #tpu.memory_space<hbm>> -> memref<64x128xf32, #tpu.memory_space<hbm>>
      %dma_wait3A_165 = arith.constant 0 : i32
      %dma_wait3A_166 = arith.constant 0 : i32
      %dma_wait3A_167 = tpu.memref_slice %arg9[%run_scoped3A_87, %dma_wait3A_165, %dma_wait3A_166] : memref<3x64x128xf32, #tpu.memory_space<vmem>> -> memref<1x64x128xf32, #tpu.memory_space<vmem>>
      %dma_wait3A_168 = tpu.memref_squeeze %dma_wait3A_167 : memref<1x64x128xf32, #tpu.memory_space<vmem>> -> memref<64x128xf32, #tpu.memory_space<vmem>>
      tpu.wait_dma2 semaphore(%run_scoped3A_142 : memref<!tpu.dma_semaphore, #tpu.memory_space<semaphore_mem>>) src(%dma_wait3A_168 : memref<64x128xf32, #tpu.memory_space<vmem>>) dst(%dma_wait3A_164 : memref<64x128xf32, #tpu.memory_space<hbm>>)
      tpu.yield
    }) : () -> ()
    %mul3A_88 = arith.constant 640 : i32
    %mul3A_89 = arith.muli %arg1, %mul3A_88 : i32
    %add3A_90 = arith.constant 64 : i32
    %add3A_91 = arith.addi %mul3A_89, %add3A_90 : i32
    %run_scoped3A_92 = arith.constant 0 : i32
    "tpu.region"() ({
      %run_scoped3A_142 = tpu.sem_alloc : memref<!tpu.dma_semaphore, #tpu.memory_space<semaphore_mem>>
      %dma_start3A = arith.constant 0 : i32
      %dma_start3A_143 = arith.constant 0 : i32
      %dma_start3A_144 = tpu.memref_slice %arg9[%run_scoped3A_92, %dma_start3A, %dma_start3A_143] : memref<3x64x128xf32, #tpu.memory_space<vmem>> -> memref<1x64x128xf32, #tpu.memory_space<vmem>>
      %dma_start3A_145 = tpu.memref_squeeze %dma_start3A_144 : memref<1x64x128xf32, #tpu.memory_space<vmem>> -> memref<64x128xf32, #tpu.memory_space<vmem>>
      %dma_start3A_146 = arith.constant 0 : i32
      %dma_start3A_147 = tpu.memref_slice %arg10[%add3A_91, %dma_start3A_146] : memref<10240x128xf32, #tpu.memory_space<vmem_shared>> -> memref<64x128xf32, #tpu.memory_space<vmem_shared>>
      %dma_start3A_148 = arith.constant 0 : i32
      %dma_start3A_149 = arith.constant 0 : i32
      %dma_start3A_150 = tpu.memref_slice %arg9[%run_scoped3A_92, %dma_start3A_148, %dma_start3A_149] : memref<3x64x128xf32, #tpu.memory_space<vmem>> -> memref<1x64x128xf32, #tpu.memory_space<vmem>>
      %dma_start3A_151 = tpu.memref_squeeze %dma_start3A_150 : memref<1x64x128xf32, #tpu.memory_space<vmem>> -> memref<64x128xf32, #tpu.memory_space<vmem>>
      %dma_start3A_152 = arith.constant 0 : i32
      %dma_start3A_153 = tpu.memref_slice %arg10[%add3A_91, %dma_start3A_152] : memref<10240x128xf32, #tpu.memory_space<vmem_shared>> -> memref<64x128xf32, #tpu.memory_space<vmem_shared>>
      tpu.enqueue_dma source(%dma_start3A_153 : memref<64x128xf32, #tpu.memory_space<vmem_shared>>) target(%dma_start3A_151 : memref<64x128xf32, #tpu.memory_space<vmem>>) target_semaphore(%run_scoped3A_142 : memref<!tpu.dma_semaphore, #tpu.memory_space<semaphore_mem>>)
      %dma_wait3A = arith.constant 0 : i32
      %dma_wait3A_154 = arith.constant 0 : i32
      %dma_wait3A_155 = tpu.memref_slice %arg9[%run_scoped3A_92, %dma_wait3A, %dma_wait3A_154] : memref<3x64x128xf32, #tpu.memory_space<vmem>> -> memref<1x64x128xf32, #tpu.memory_space<vmem>>
      %dma_wait3A_156 = tpu.memref_squeeze %dma_wait3A_155 : memref<1x64x128xf32, #tpu.memory_space<vmem>> -> memref<64x128xf32, #tpu.memory_space<vmem>>
      %dma_wait3A_157 = arith.constant 0 : i32
      %dma_wait3A_158 = tpu.memref_slice %arg10[%add3A_91, %dma_wait3A_157] : memref<10240x128xf32, #tpu.memory_space<vmem_shared>> -> memref<64x128xf32, #tpu.memory_space<vmem_shared>>
      %dma_wait3A_159 = arith.constant 0 : i32
      %dma_wait3A_160 = arith.constant 0 : i32
      %dma_wait3A_161 = tpu.memref_slice %arg9[%run_scoped3A_92, %dma_wait3A_159, %dma_wait3A_160] : memref<3x64x128xf32, #tpu.memory_space<vmem>> -> memref<1x64x128xf32, #tpu.memory_space<vmem>>
      %dma_wait3A_162 = tpu.memref_squeeze %dma_wait3A_161 : memref<1x64x128xf32, #tpu.memory_space<vmem>> -> memref<64x128xf32, #tpu.memory_space<vmem>>
      %dma_wait3A_163 = arith.constant 0 : i32
      %dma_wait3A_164 = tpu.memref_slice %arg10[%add3A_91, %dma_wait3A_163] : memref<10240x128xf32, #tpu.memory_space<vmem_shared>> -> memref<64x128xf32, #tpu.memory_space<vmem_shared>>
      tpu.wait_dma2 semaphore(%run_scoped3A_142 : memref<!tpu.dma_semaphore, #tpu.memory_space<semaphore_mem>>) src(%dma_wait3A_164 : memref<64x128xf32, #tpu.memory_space<vmem_shared>>) dst(%dma_wait3A_162 : memref<64x128xf32, #tpu.memory_space<vmem>>)
      tpu.yield
    }) : () -> ()
    %run_scoped3A_93 = arith.constant 0 : i32
    "tpu.region"() ({
      %run_scoped3A_142 = tpu.sem_alloc : memref<!tpu.dma_semaphore, #tpu.memory_space<semaphore_mem>>
      %dma_start3A = arith.constant 0 : i32
      %dma_start3A_143 = arith.constant 0 : i32
      %dma_start3A_144 = tpu.memref_slice %arg9[%run_scoped3A_93, %dma_start3A, %dma_start3A_143] : memref<3x64x128xf32, #tpu.memory_space<vmem>> -> memref<1x64x128xf32, #tpu.memory_space<vmem>>
      %dma_start3A_145 = tpu.memref_squeeze %dma_start3A_144 : memref<1x64x128xf32, #tpu.memory_space<vmem>> -> memref<64x128xf32, #tpu.memory_space<vmem>>
      %dma_start3A_146 = arith.constant 0 : i32
      %dma_start3A_147 = tpu.memref_slice %arg5[%arg0, %add3A_91, %dma_start3A_146] : memref<2x10240x128xf32, #tpu.memory_space<hbm>> -> memref<1x64x128xf32, #tpu.memory_space<hbm>>
      %dma_start3A_148 = tpu.memref_squeeze %dma_start3A_147 : memref<1x64x128xf32, #tpu.memory_space<hbm>> -> memref<64x128xf32, #tpu.memory_space<hbm>>
      %dma_start3A_149 = arith.constant 0 : i32
      %dma_start3A_150 = tpu.memref_slice %arg5[%arg0, %add3A_91, %dma_start3A_149] : memref<2x10240x128xf32, #tpu.memory_space<hbm>> -> memref<1x64x128xf32, #tpu.memory_space<hbm>>
      %dma_start3A_151 = tpu.memref_squeeze %dma_start3A_150 : memref<1x64x128xf32, #tpu.memory_space<hbm>> -> memref<64x128xf32, #tpu.memory_space<hbm>>
      %dma_start3A_152 = arith.constant 0 : i32
      %dma_start3A_153 = arith.constant 0 : i32
      %dma_start3A_154 = tpu.memref_slice %arg9[%run_scoped3A_93, %dma_start3A_152, %dma_start3A_153] : memref<3x64x128xf32, #tpu.memory_space<vmem>> -> memref<1x64x128xf32, #tpu.memory_space<vmem>>
      %dma_start3A_155 = tpu.memref_squeeze %dma_start3A_154 : memref<1x64x128xf32, #tpu.memory_space<vmem>> -> memref<64x128xf32, #tpu.memory_space<vmem>>
      tpu.enqueue_dma source(%dma_start3A_155 : memref<64x128xf32, #tpu.memory_space<vmem>>) target(%dma_start3A_151 : memref<64x128xf32, #tpu.memory_space<hbm>>) target_semaphore(%run_scoped3A_142 : memref<!tpu.dma_semaphore, #tpu.memory_space<semaphore_mem>>)
      %dma_wait3A = arith.constant 0 : i32
      %dma_wait3A_156 = arith.constant 0 : i32
      %dma_wait3A_157 = tpu.memref_slice %arg9[%run_scoped3A_93, %dma_wait3A, %dma_wait3A_156] : memref<3x64x128xf32, #tpu.memory_space<vmem>> -> memref<1x64x128xf32, #tpu.memory_space<vmem>>
      %dma_wait3A_158 = tpu.memref_squeeze %dma_wait3A_157 : memref<1x64x128xf32, #tpu.memory_space<vmem>> -> memref<64x128xf32, #tpu.memory_space<vmem>>
      %dma_wait3A_159 = arith.constant 0 : i32
      %dma_wait3A_160 = tpu.memref_slice %arg5[%arg0, %add3A_91, %dma_wait3A_159] : memref<2x10240x128xf32, #tpu.memory_space<hbm>> -> memref<1x64x128xf32, #tpu.memory_space<hbm>>
      %dma_wait3A_161 = tpu.memref_squeeze %dma_wait3A_160 : memref<1x64x128xf32, #tpu.memory_space<hbm>> -> memref<64x128xf32, #tpu.memory_space<hbm>>
      %dma_wait3A_162 = arith.constant 0 : i32
      %dma_wait3A_163 = tpu.memref_slice %arg5[%arg0, %add3A_91, %dma_wait3A_162] : memref<2x10240x128xf32, #tpu.memory_space<hbm>> -> memref<1x64x128xf32, #tpu.memory_space<hbm>>
      %dma_wait3A_164 = tpu.memref_squeeze %dma_wait3A_163 : memref<1x64x128xf32, #tpu.memory_space<hbm>> -> memref<64x128xf32, #tpu.memory_space<hbm>>
      %dma_wait3A_165 = arith.constant 0 : i32
      %dma_wait3A_166 = arith.constant 0 : i32
      %dma_wait3A_167 = tpu.memref_slice %arg9[%run_scoped3A_93, %dma_wait3A_165, %dma_wait3A_166] : memref<3x64x128xf32, #tpu.memory_space<vmem>> -> memref<1x64x128xf32, #tpu.memory_space<vmem>>
      %dma_wait3A_168 = tpu.memref_squeeze %dma_wait3A_167 : memref<1x64x128xf32, #tpu.memory_space<vmem>> -> memref<64x128xf32, #tpu.memory_space<vmem>>
      tpu.wait_dma2 semaphore(%run_scoped3A_142 : memref<!tpu.dma_semaphore, #tpu.memory_space<semaphore_mem>>) src(%dma_wait3A_168 : memref<64x128xf32, #tpu.memory_space<vmem>>) dst(%dma_wait3A_164 : memref<64x128xf32, #tpu.memory_space<hbm>>)
      tpu.yield
    }) : () -> ()
    %mul3A_94 = arith.constant 640 : i32
    %mul3A_95 = arith.muli %arg1, %mul3A_94 : i32
    %add3A_96 = arith.constant 128 : i32
    %add3A_97 = arith.addi %mul3A_95, %add3A_96 : i32
    %run_scoped3A_98 = arith.constant 0 : i32
    "tpu.region"() ({
      %run_scoped3A_142 = tpu.sem_alloc : memref<!tpu.dma_semaphore, #tpu.memory_space<semaphore_mem>>
      %dma_start3A = arith.constant 0 : i32
      %dma_start3A_143 = arith.constant 0 : i32
      %dma_start3A_144 = tpu.memref_slice %arg9[%run_scoped3A_98, %dma_start3A, %dma_start3A_143] : memref<3x64x128xf32, #tpu.memory_space<vmem>> -> memref<1x64x128xf32, #tpu.memory_space<vmem>>
      %dma_start3A_145 = tpu.memref_squeeze %dma_start3A_144 : memref<1x64x128xf32, #tpu.memory_space<vmem>> -> memref<64x128xf32, #tpu.memory_space<vmem>>
      %dma_start3A_146 = arith.constant 0 : i32
      %dma_start3A_147 = tpu.memref_slice %arg10[%add3A_97, %dma_start3A_146] : memref<10240x128xf32, #tpu.memory_space<vmem_shared>> -> memref<64x128xf32, #tpu.memory_space<vmem_shared>>
      %dma_start3A_148 = arith.constant 0 : i32
      %dma_start3A_149 = arith.constant 0 : i32
      %dma_start3A_150 = tpu.memref_slice %arg9[%run_scoped3A_98, %dma_start3A_148, %dma_start3A_149] : memref<3x64x128xf32, #tpu.memory_space<vmem>> -> memref<1x64x128xf32, #tpu.memory_space<vmem>>
      %dma_start3A_151 = tpu.memref_squeeze %dma_start3A_150 : memref<1x64x128xf32, #tpu.memory_space<vmem>> -> memref<64x128xf32, #tpu.memory_space<vmem>>
      %dma_start3A_152 = arith.constant 0 : i32
      %dma_start3A_153 = tpu.memref_slice %arg10[%add3A_97, %dma_start3A_152] : memref<10240x128xf32, #tpu.memory_space<vmem_shared>> -> memref<64x128xf32, #tpu.memory_space<vmem_shared>>
      tpu.enqueue_dma source(%dma_start3A_153 : memref<64x128xf32, #tpu.memory_space<vmem_shared>>) target(%dma_start3A_151 : memref<64x128xf32, #tpu.memory_space<vmem>>) target_semaphore(%run_scoped3A_142 : memref<!tpu.dma_semaphore, #tpu.memory_space<semaphore_mem>>)
      %dma_wait3A = arith.constant 0 : i32
      %dma_wait3A_154 = arith.constant 0 : i32
      %dma_wait3A_155 = tpu.memref_slice %arg9[%run_scoped3A_98, %dma_wait3A, %dma_wait3A_154] : memref<3x64x128xf32, #tpu.memory_space<vmem>> -> memref<1x64x128xf32, #tpu.memory_space<vmem>>
      %dma_wait3A_156 = tpu.memref_squeeze %dma_wait3A_155 : memref<1x64x128xf32, #tpu.memory_space<vmem>> -> memref<64x128xf32, #tpu.memory_space<vmem>>
      %dma_wait3A_157 = arith.constant 0 : i32
      %dma_wait3A_158 = tpu.memref_slice %arg10[%add3A_97, %dma_wait3A_157] : memref<10240x128xf32, #tpu.memory_space<vmem_shared>> -> memref<64x128xf32, #tpu.memory_space<vmem_shared>>
      %dma_wait3A_159 = arith.constant 0 : i32
      %dma_wait3A_160 = arith.constant 0 : i32
      %dma_wait3A_161 = tpu.memref_slice %arg9[%run_scoped3A_98, %dma_wait3A_159, %dma_wait3A_160] : memref<3x64x128xf32, #tpu.memory_space<vmem>> -> memref<1x64x128xf32, #tpu.memory_space<vmem>>
      %dma_wait3A_162 = tpu.memref_squeeze %dma_wait3A_161 : memref<1x64x128xf32, #tpu.memory_space<vmem>> -> memref<64x128xf32, #tpu.memory_space<vmem>>
      %dma_wait3A_163 = arith.constant 0 : i32
      %dma_wait3A_164 = tpu.memref_slice %arg10[%add3A_97, %dma_wait3A_163] : memref<10240x128xf32, #tpu.memory_space<vmem_shared>> -> memref<64x128xf32, #tpu.memory_space<vmem_shared>>
      tpu.wait_dma2 semaphore(%run_scoped3A_142 : memref<!tpu.dma_semaphore, #tpu.memory_space<semaphore_mem>>) src(%dma_wait3A_164 : memref<64x128xf32, #tpu.memory_space<vmem_shared>>) dst(%dma_wait3A_162 : memref<64x128xf32, #tpu.memory_space<vmem>>)
      tpu.yield
    }) : () -> ()
    %run_scoped3A_99 = arith.constant 0 : i32
    "tpu.region"() ({
      %run_scoped3A_142 = tpu.sem_alloc : memref<!tpu.dma_semaphore, #tpu.memory_space<semaphore_mem>>
      %dma_start3A = arith.constant 0 : i32
      %dma_start3A_143 = arith.constant 0 : i32
      %dma_start3A_144 = tpu.memref_slice %arg9[%run_scoped3A_99, %dma_start3A, %dma_start3A_143] : memref<3x64x128xf32, #tpu.memory_space<vmem>> -> memref<1x64x128xf32, #tpu.memory_space<vmem>>
      %dma_start3A_145 = tpu.memref_squeeze %dma_start3A_144 : memref<1x64x128xf32, #tpu.memory_space<vmem>> -> memref<64x128xf32, #tpu.memory_space<vmem>>
      %dma_start3A_146 = arith.constant 0 : i32
      %dma_start3A_147 = tpu.memref_slice %arg5[%arg0, %add3A_97, %dma_start3A_146] : memref<2x10240x128xf32, #tpu.memory_space<hbm>> -> memref<1x64x128xf32, #tpu.memory_space<hbm>>
      %dma_start3A_148 = tpu.memref_squeeze %dma_start3A_147 : memref<1x64x128xf32, #tpu.memory_space<hbm>> -> memref<64x128xf32, #tpu.memory_space<hbm>>
      %dma_start3A_149 = arith.constant 0 : i32
      %dma_start3A_150 = tpu.memref_slice %arg5[%arg0, %add3A_97, %dma_start3A_149] : memref<2x10240x128xf32, #tpu.memory_space<hbm>> -> memref<1x64x128xf32, #tpu.memory_space<hbm>>
      %dma_start3A_151 = tpu.memref_squeeze %dma_start3A_150 : memref<1x64x128xf32, #tpu.memory_space<hbm>> -> memref<64x128xf32, #tpu.memory_space<hbm>>
      %dma_start3A_152 = arith.constant 0 : i32
      %dma_start3A_153 = arith.constant 0 : i32
      %dma_start3A_154 = tpu.memref_slice %arg9[%run_scoped3A_99, %dma_start3A_152, %dma_start3A_153] : memref<3x64x128xf32, #tpu.memory_space<vmem>> -> memref<1x64x128xf32, #tpu.memory_space<vmem>>
      %dma_start3A_155 = tpu.memref_squeeze %dma_start3A_154 : memref<1x64x128xf32, #tpu.memory_space<vmem>> -> memref<64x128xf32, #tpu.memory_space<vmem>>
      tpu.enqueue_dma source(%dma_start3A_155 : memref<64x128xf32, #tpu.memory_space<vmem>>) target(%dma_start3A_151 : memref<64x128xf32, #tpu.memory_space<hbm>>) target_semaphore(%run_scoped3A_142 : memref<!tpu.dma_semaphore, #tpu.memory_space<semaphore_mem>>)
      %dma_wait3A = arith.constant 0 : i32
      %dma_wait3A_156 = arith.constant 0 : i32
      %dma_wait3A_157 = tpu.memref_slice %arg9[%run_scoped3A_99, %dma_wait3A, %dma_wait3A_156] : memref<3x64x128xf32, #tpu.memory_space<vmem>> -> memref<1x64x128xf32, #tpu.memory_space<vmem>>
      %dma_wait3A_158 = tpu.memref_squeeze %dma_wait3A_157 : memref<1x64x128xf32, #tpu.memory_space<vmem>> -> memref<64x128xf32, #tpu.memory_space<vmem>>
      %dma_wait3A_159 = arith.constant 0 : i32
      %dma_wait3A_160 = tpu.memref_slice %arg5[%arg0, %add3A_97, %dma_wait3A_159] : memref<2x10240x128xf32, #tpu.memory_space<hbm>> -> memref<1x64x128xf32, #tpu.memory_space<hbm>>
      %dma_wait3A_161 = tpu.memref_squeeze %dma_wait3A_160 : memref<1x64x128xf32, #tpu.memory_space<hbm>> -> memref<64x128xf32, #tpu.memory_space<hbm>>
      %dma_wait3A_162 = arith.constant 0 : i32
      %dma_wait3A_163 = tpu.memref_slice %arg5[%arg0, %add3A_97, %dma_wait3A_162] : memref<2x10240x128xf32, #tpu.memory_space<hbm>> -> memref<1x64x128xf32, #tpu.memory_space<hbm>>
      %dma_wait3A_164 = tpu.memref_squeeze %dma_wait3A_163 : memref<1x64x128xf32, #tpu.memory_space<hbm>> -> memref<64x128xf32, #tpu.memory_space<hbm>>
      %dma_wait3A_165 = arith.constant 0 : i32
      %dma_wait3A_166 = arith.constant 0 : i32
      %dma_wait3A_167 = tpu.memref_slice %arg9[%run_scoped3A_99, %dma_wait3A_165, %dma_wait3A_166] : memref<3x64x128xf32, #tpu.memory_space<vmem>> -> memref<1x64x128xf32, #tpu.memory_space<vmem>>
      %dma_wait3A_168 = tpu.memref_squeeze %dma_wait3A_167 : memref<1x64x128xf32, #tpu.memory_space<vmem>> -> memref<64x128xf32, #tpu.memory_space<vmem>>
      tpu.wait_dma2 semaphore(%run_scoped3A_142 : memref<!tpu.dma_semaphore, #tpu.memory_space<semaphore_mem>>) src(%dma_wait3A_168 : memref<64x128xf32, #tpu.memory_space<vmem>>) dst(%dma_wait3A_164 : memref<64x128xf32, #tpu.memory_space<hbm>>)
      tpu.yield
    }) : () -> ()
    %mul3A_100 = arith.constant 640 : i32
    %mul3A_101 = arith.muli %arg1, %mul3A_100 : i32
    %add3A_102 = arith.constant 192 : i32
    %add3A_103 = arith.addi %mul3A_101, %add3A_102 : i32
    %run_scoped3A_104 = arith.constant 0 : i32
    "tpu.region"() ({
      %run_scoped3A_142 = tpu.sem_alloc : memref<!tpu.dma_semaphore, #tpu.memory_space<semaphore_mem>>
      %dma_start3A = arith.constant 0 : i32
      %dma_start3A_143 = arith.constant 0 : i32
      %dma_start3A_144 = tpu.memref_slice %arg9[%run_scoped3A_104, %dma_start3A, %dma_start3A_143] : memref<3x64x128xf32, #tpu.memory_space<vmem>> -> memref<1x64x128xf32, #tpu.memory_space<vmem>>
      %dma_start3A_145 = tpu.memref_squeeze %dma_start3A_144 : memref<1x64x128xf32, #tpu.memory_space<vmem>> -> memref<64x128xf32, #tpu.memory_space<vmem>>
      %dma_start3A_146 = arith.constant 0 : i32
      %dma_start3A_147 = tpu.memref_slice %arg10[%add3A_103, %dma_start3A_146] : memref<10240x128xf32, #tpu.memory_space<vmem_shared>> -> memref<64x128xf32, #tpu.memory_space<vmem_shared>>
      %dma_start3A_148 = arith.constant 0 : i32
      %dma_start3A_149 = arith.constant 0 : i32
      %dma_start3A_150 = tpu.memref_slice %arg9[%run_scoped3A_104, %dma_start3A_148, %dma_start3A_149] : memref<3x64x128xf32, #tpu.memory_space<vmem>> -> memref<1x64x128xf32, #tpu.memory_space<vmem>>
      %dma_start3A_151 = tpu.memref_squeeze %dma_start3A_150 : memref<1x64x128xf32, #tpu.memory_space<vmem>> -> memref<64x128xf32, #tpu.memory_space<vmem>>
      %dma_start3A_152 = arith.constant 0 : i32
      %dma_start3A_153 = tpu.memref_slice %arg10[%add3A_103, %dma_start3A_152] : memref<10240x128xf32, #tpu.memory_space<vmem_shared>> -> memref<64x128xf32, #tpu.memory_space<vmem_shared>>
      tpu.enqueue_dma source(%dma_start3A_153 : memref<64x128xf32, #tpu.memory_space<vmem_shared>>) target(%dma_start3A_151 : memref<64x128xf32, #tpu.memory_space<vmem>>) target_semaphore(%run_scoped3A_142 : memref<!tpu.dma_semaphore, #tpu.memory_space<semaphore_mem>>)
      %dma_wait3A = arith.constant 0 : i32
      %dma_wait3A_154 = arith.constant 0 : i32
      %dma_wait3A_155 = tpu.memref_slice %arg9[%run_scoped3A_104, %dma_wait3A, %dma_wait3A_154] : memref<3x64x128xf32, #tpu.memory_space<vmem>> -> memref<1x64x128xf32, #tpu.memory_space<vmem>>
      %dma_wait3A_156 = tpu.memref_squeeze %dma_wait3A_155 : memref<1x64x128xf32, #tpu.memory_space<vmem>> -> memref<64x128xf32, #tpu.memory_space<vmem>>
      %dma_wait3A_157 = arith.constant 0 : i32
      %dma_wait3A_158 = tpu.memref_slice %arg10[%add3A_103, %dma_wait3A_157] : memref<10240x128xf32, #tpu.memory_space<vmem_shared>> -> memref<64x128xf32, #tpu.memory_space<vmem_shared>>
      %dma_wait3A_159 = arith.constant 0 : i32
      %dma_wait3A_160 = arith.constant 0 : i32
      %dma_wait3A_161 = tpu.memref_slice %arg9[%run_scoped3A_104, %dma_wait3A_159, %dma_wait3A_160] : memref<3x64x128xf32, #tpu.memory_space<vmem>> -> memref<1x64x128xf32, #tpu.memory_space<vmem>>
      %dma_wait3A_162 = tpu.memref_squeeze %dma_wait3A_161 : memref<1x64x128xf32, #tpu.memory_space<vmem>> -> memref<64x128xf32, #tpu.memory_space<vmem>>
      %dma_wait3A_163 = arith.constant 0 : i32
      %dma_wait3A_164 = tpu.memref_slice %arg10[%add3A_103, %dma_wait3A_163] : memref<10240x128xf32, #tpu.memory_space<vmem_shared>> -> memref<64x128xf32, #tpu.memory_space<vmem_shared>>
      tpu.wait_dma2 semaphore(%run_scoped3A_142 : memref<!tpu.dma_semaphore, #tpu.memory_space<semaphore_mem>>) src(%dma_wait3A_164 : memref<64x128xf32, #tpu.memory_space<vmem_shared>>) dst(%dma_wait3A_162 : memref<64x128xf32, #tpu.memory_space<vmem>>)
      tpu.yield
    }) : () -> ()
    %run_scoped3A_105 = arith.constant 0 : i32
    "tpu.region"() ({
      %run_scoped3A_142 = tpu.sem_alloc : memref<!tpu.dma_semaphore, #tpu.memory_space<semaphore_mem>>
      %dma_start3A = arith.constant 0 : i32
      %dma_start3A_143 = arith.constant 0 : i32
      %dma_start3A_144 = tpu.memref_slice %arg9[%run_scoped3A_105, %dma_start3A, %dma_start3A_143] : memref<3x64x128xf32, #tpu.memory_space<vmem>> -> memref<1x64x128xf32, #tpu.memory_space<vmem>>
      %dma_start3A_145 = tpu.memref_squeeze %dma_start3A_144 : memref<1x64x128xf32, #tpu.memory_space<vmem>> -> memref<64x128xf32, #tpu.memory_space<vmem>>
      %dma_start3A_146 = arith.constant 0 : i32
      %dma_start3A_147 = tpu.memref_slice %arg5[%arg0, %add3A_103, %dma_start3A_146] : memref<2x10240x128xf32, #tpu.memory_space<hbm>> -> memref<1x64x128xf32, #tpu.memory_space<hbm>>
      %dma_start3A_148 = tpu.memref_squeeze %dma_start3A_147 : memref<1x64x128xf32, #tpu.memory_space<hbm>> -> memref<64x128xf32, #tpu.memory_space<hbm>>
      %dma_start3A_149 = arith.constant 0 : i32
      %dma_start3A_150 = tpu.memref_slice %arg5[%arg0, %add3A_103, %dma_start3A_149] : memref<2x10240x128xf32, #tpu.memory_space<hbm>> -> memref<1x64x128xf32, #tpu.memory_space<hbm>>
      %dma_start3A_151 = tpu.memref_squeeze %dma_start3A_150 : memref<1x64x128xf32, #tpu.memory_space<hbm>> -> memref<64x128xf32, #tpu.memory_space<hbm>>
      %dma_start3A_152 = arith.constant 0 : i32
      %dma_start3A_153 = arith.constant 0 : i32
      %dma_start3A_154 = tpu.memref_slice %arg9[%run_scoped3A_105, %dma_start3A_152, %dma_start3A_153] : memref<3x64x128xf32, #tpu.memory_space<vmem>> -> memref<1x64x128xf32, #tpu.memory_space<vmem>>
      %dma_start3A_155 = tpu.memref_squeeze %dma_start3A_154 : memref<1x64x128xf32, #tpu.memory_space<vmem>> -> memref<64x128xf32, #tpu.memory_space<vmem>>
      tpu.enqueue_dma source(%dma_start3A_155 : memref<64x128xf32, #tpu.memory_space<vmem>>) target(%dma_start3A_151 : memref<64x128xf32, #tpu.memory_space<hbm>>) target_semaphore(%run_scoped3A_142 : memref<!tpu.dma_semaphore, #tpu.memory_space<semaphore_mem>>)
      %dma_wait3A = arith.constant 0 : i32
      %dma_wait3A_156 = arith.constant 0 : i32
      %dma_wait3A_157 = tpu.memref_slice %arg9[%run_scoped3A_105, %dma_wait3A, %dma_wait3A_156] : memref<3x64x128xf32, #tpu.memory_space<vmem>> -> memref<1x64x128xf32, #tpu.memory_space<vmem>>
      %dma_wait3A_158 = tpu.memref_squeeze %dma_wait3A_157 : memref<1x64x128xf32, #tpu.memory_space<vmem>> -> memref<64x128xf32, #tpu.memory_space<vmem>>
      %dma_wait3A_159 = arith.constant 0 : i32
      %dma_wait3A_160 = tpu.memref_slice %arg5[%arg0, %add3A_103, %dma_wait3A_159] : memref<2x10240x128xf32, #tpu.memory_space<hbm>> -> memref<1x64x128xf32, #tpu.memory_space<hbm>>
      %dma_wait3A_161 = tpu.memref_squeeze %dma_wait3A_160 : memref<1x64x128xf32, #tpu.memory_space<hbm>> -> memref<64x128xf32, #tpu.memory_space<hbm>>
      %dma_wait3A_162 = arith.constant 0 : i32
      %dma_wait3A_163 = tpu.memref_slice %arg5[%arg0, %add3A_103, %dma_wait3A_162] : memref<2x10240x128xf32, #tpu.memory_space<hbm>> -> memref<1x64x128xf32, #tpu.memory_space<hbm>>
      %dma_wait3A_164 = tpu.memref_squeeze %dma_wait3A_163 : memref<1x64x128xf32, #tpu.memory_space<hbm>> -> memref<64x128xf32, #tpu.memory_space<hbm>>
      %dma_wait3A_165 = arith.constant 0 : i32
      %dma_wait3A_166 = arith.constant 0 : i32
      %dma_wait3A_167 = tpu.memref_slice %arg9[%run_scoped3A_105, %dma_wait3A_165, %dma_wait3A_166] : memref<3x64x128xf32, #tpu.memory_space<vmem>> -> memref<1x64x128xf32, #tpu.memory_space<vmem>>
      %dma_wait3A_168 = tpu.memref_squeeze %dma_wait3A_167 : memref<1x64x128xf32, #tpu.memory_space<vmem>> -> memref<64x128xf32, #tpu.memory_space<vmem>>
      tpu.wait_dma2 semaphore(%run_scoped3A_142 : memref<!tpu.dma_semaphore, #tpu.memory_space<semaphore_mem>>) src(%dma_wait3A_168 : memref<64x128xf32, #tpu.memory_space<vmem>>) dst(%dma_wait3A_164 : memref<64x128xf32, #tpu.memory_space<hbm>>)
      tpu.yield
    }) : () -> ()
    %mul3A_106 = arith.constant 640 : i32
    %mul3A_107 = arith.muli %arg1, %mul3A_106 : i32
    %add3A_108 = arith.constant 256 : i32
    %add3A_109 = arith.addi %mul3A_107, %add3A_108 : i32
    %run_scoped3A_110 = arith.constant 0 : i32
    "tpu.region"() ({
      %run_scoped3A_142 = tpu.sem_alloc : memref<!tpu.dma_semaphore, #tpu.memory_space<semaphore_mem>>
      %dma_start3A = arith.constant 0 : i32
      %dma_start3A_143 = arith.constant 0 : i32
      %dma_start3A_144 = tpu.memref_slice %arg9[%run_scoped3A_110, %dma_start3A, %dma_start3A_143] : memref<3x64x128xf32, #tpu.memory_space<vmem>> -> memref<1x64x128xf32, #tpu.memory_space<vmem>>
      %dma_start3A_145 = tpu.memref_squeeze %dma_start3A_144 : memref<1x64x128xf32, #tpu.memory_space<vmem>> -> memref<64x128xf32, #tpu.memory_space<vmem>>
      %dma_start3A_146 = arith.constant 0 : i32
      %dma_start3A_147 = tpu.memref_slice %arg10[%add3A_109, %dma_start3A_146] : memref<10240x128xf32, #tpu.memory_space<vmem_shared>> -> memref<64x128xf32, #tpu.memory_space<vmem_shared>>
      %dma_start3A_148 = arith.constant 0 : i32
      %dma_start3A_149 = arith.constant 0 : i32
      %dma_start3A_150 = tpu.memref_slice %arg9[%run_scoped3A_110, %dma_start3A_148, %dma_start3A_149] : memref<3x64x128xf32, #tpu.memory_space<vmem>> -> memref<1x64x128xf32, #tpu.memory_space<vmem>>
      %dma_start3A_151 = tpu.memref_squeeze %dma_start3A_150 : memref<1x64x128xf32, #tpu.memory_space<vmem>> -> memref<64x128xf32, #tpu.memory_space<vmem>>
      %dma_start3A_152 = arith.constant 0 : i32
      %dma_start3A_153 = tpu.memref_slice %arg10[%add3A_109, %dma_start3A_152] : memref<10240x128xf32, #tpu.memory_space<vmem_shared>> -> memref<64x128xf32, #tpu.memory_space<vmem_shared>>
      tpu.enqueue_dma source(%dma_start3A_153 : memref<64x128xf32, #tpu.memory_space<vmem_shared>>) target(%dma_start3A_151 : memref<64x128xf32, #tpu.memory_space<vmem>>) target_semaphore(%run_scoped3A_142 : memref<!tpu.dma_semaphore, #tpu.memory_space<semaphore_mem>>)
      %dma_wait3A = arith.constant 0 : i32
      %dma_wait3A_154 = arith.constant 0 : i32
      %dma_wait3A_155 = tpu.memref_slice %arg9[%run_scoped3A_110, %dma_wait3A, %dma_wait3A_154] : memref<3x64x128xf32, #tpu.memory_space<vmem>> -> memref<1x64x128xf32, #tpu.memory_space<vmem>>
      %dma_wait3A_156 = tpu.memref_squeeze %dma_wait3A_155 : memref<1x64x128xf32, #tpu.memory_space<vmem>> -> memref<64x128xf32, #tpu.memory_space<vmem>>
      %dma_wait3A_157 = arith.constant 0 : i32
      %dma_wait3A_158 = tpu.memref_slice %arg10[%add3A_109, %dma_wait3A_157] : memref<10240x128xf32, #tpu.memory_space<vmem_shared>> -> memref<64x128xf32, #tpu.memory_space<vmem_shared>>
      %dma_wait3A_159 = arith.constant 0 : i32
      %dma_wait3A_160 = arith.constant 0 : i32
      %dma_wait3A_161 = tpu.memref_slice %arg9[%run_scoped3A_110, %dma_wait3A_159, %dma_wait3A_160] : memref<3x64x128xf32, #tpu.memory_space<vmem>> -> memref<1x64x128xf32, #tpu.memory_space<vmem>>
      %dma_wait3A_162 = tpu.memref_squeeze %dma_wait3A_161 : memref<1x64x128xf32, #tpu.memory_space<vmem>> -> memref<64x128xf32, #tpu.memory_space<vmem>>
      %dma_wait3A_163 = arith.constant 0 : i32
      %dma_wait3A_164 = tpu.memref_slice %arg10[%add3A_109, %dma_wait3A_163] : memref<10240x128xf32, #tpu.memory_space<vmem_shared>> -> memref<64x128xf32, #tpu.memory_space<vmem_shared>>
      tpu.wait_dma2 semaphore(%run_scoped3A_142 : memref<!tpu.dma_semaphore, #tpu.memory_space<semaphore_mem>>) src(%dma_wait3A_164 : memref<64x128xf32, #tpu.memory_space<vmem_shared>>) dst(%dma_wait3A_162 : memref<64x128xf32, #tpu.memory_space<vmem>>)
      tpu.yield
    }) : () -> ()
    %run_scoped3A_111 = arith.constant 0 : i32
    "tpu.region"() ({
      %run_scoped3A_142 = tpu.sem_alloc : memref<!tpu.dma_semaphore, #tpu.memory_space<semaphore_mem>>
      %dma_start3A = arith.constant 0 : i32
      %dma_start3A_143 = arith.constant 0 : i32
      %dma_start3A_144 = tpu.memref_slice %arg9[%run_scoped3A_111, %dma_start3A, %dma_start3A_143] : memref<3x64x128xf32, #tpu.memory_space<vmem>> -> memref<1x64x128xf32, #tpu.memory_space<vmem>>
      %dma_start3A_145 = tpu.memref_squeeze %dma_start3A_144 : memref<1x64x128xf32, #tpu.memory_space<vmem>> -> memref<64x128xf32, #tpu.memory_space<vmem>>
      %dma_start3A_146 = arith.constant 0 : i32
      %dma_start3A_147 = tpu.memref_slice %arg5[%arg0, %add3A_109, %dma_start3A_146] : memref<2x10240x128xf32, #tpu.memory_space<hbm>> -> memref<1x64x128xf32, #tpu.memory_space<hbm>>
      %dma_start3A_148 = tpu.memref_squeeze %dma_start3A_147 : memref<1x64x128xf32, #tpu.memory_space<hbm>> -> memref<64x128xf32, #tpu.memory_space<hbm>>
      %dma_start3A_149 = arith.constant 0 : i32
      %dma_start3A_150 = tpu.memref_slice %arg5[%arg0, %add3A_109, %dma_start3A_149] : memref<2x10240x128xf32, #tpu.memory_space<hbm>> -> memref<1x64x128xf32, #tpu.memory_space<hbm>>
      %dma_start3A_151 = tpu.memref_squeeze %dma_start3A_150 : memref<1x64x128xf32, #tpu.memory_space<hbm>> -> memref<64x128xf32, #tpu.memory_space<hbm>>
      %dma_start3A_152 = arith.constant 0 : i32
      %dma_start3A_153 = arith.constant 0 : i32
      %dma_start3A_154 = tpu.memref_slice %arg9[%run_scoped3A_111, %dma_start3A_152, %dma_start3A_153] : memref<3x64x128xf32, #tpu.memory_space<vmem>> -> memref<1x64x128xf32, #tpu.memory_space<vmem>>
      %dma_start3A_155 = tpu.memref_squeeze %dma_start3A_154 : memref<1x64x128xf32, #tpu.memory_space<vmem>> -> memref<64x128xf32, #tpu.memory_space<vmem>>
      tpu.enqueue_dma source(%dma_start3A_155 : memref<64x128xf32, #tpu.memory_space<vmem>>) target(%dma_start3A_151 : memref<64x128xf32, #tpu.memory_space<hbm>>) target_semaphore(%run_scoped3A_142 : memref<!tpu.dma_semaphore, #tpu.memory_space<semaphore_mem>>)
      %dma_wait3A = arith.constant 0 : i32
      %dma_wait3A_156 = arith.constant 0 : i32
      %dma_wait3A_157 = tpu.memref_slice %arg9[%run_scoped3A_111, %dma_wait3A, %dma_wait3A_156] : memref<3x64x128xf32, #tpu.memory_space<vmem>> -> memref<1x64x128xf32, #tpu.memory_space<vmem>>
      %dma_wait3A_158 = tpu.memref_squeeze %dma_wait3A_157 : memref<1x64x128xf32, #tpu.memory_space<vmem>> -> memref<64x128xf32, #tpu.memory_space<vmem>>
      %dma_wait3A_159 = arith.constant 0 : i32
      %dma_wait3A_160 = tpu.memref_slice %arg5[%arg0, %add3A_109, %dma_wait3A_159] : memref<2x10240x128xf32, #tpu.memory_space<hbm>> -> memref<1x64x128xf32, #tpu.memory_space<hbm>>
      %dma_wait3A_161 = tpu.memref_squeeze %dma_wait3A_160 : memref<1x64x128xf32, #tpu.memory_space<hbm>> -> memref<64x128xf32, #tpu.memory_space<hbm>>
      %dma_wait3A_162 = arith.constant 0 : i32
      %dma_wait3A_163 = tpu.memref_slice %arg5[%arg0, %add3A_109, %dma_wait3A_162] : memref<2x10240x128xf32, #tpu.memory_space<hbm>> -> memref<1x64x128xf32, #tpu.memory_space<hbm>>
      %dma_wait3A_164 = tpu.memref_squeeze %dma_wait3A_163 : memref<1x64x128xf32, #tpu.memory_space<hbm>> -> memref<64x128xf32, #tpu.memory_space<hbm>>
      %dma_wait3A_165 = arith.constant 0 : i32
      %dma_wait3A_166 = arith.constant 0 : i32
      %dma_wait3A_167 = tpu.memref_slice %arg9[%run_scoped3A_111, %dma_wait3A_165, %dma_wait3A_166] : memref<3x64x128xf32, #tpu.memory_space<vmem>> -> memref<1x64x128xf32, #tpu.memory_space<vmem>>
      %dma_wait3A_168 = tpu.memref_squeeze %dma_wait3A_167 : memref<1x64x128xf32, #tpu.memory_space<vmem>> -> memref<64x128xf32, #tpu.memory_space<vmem>>
      tpu.wait_dma2 semaphore(%run_scoped3A_142 : memref<!tpu.dma_semaphore, #tpu.memory_space<semaphore_mem>>) src(%dma_wait3A_168 : memref<64x128xf32, #tpu.memory_space<vmem>>) dst(%dma_wait3A_164 : memref<64x128xf32, #tpu.memory_space<hbm>>)
      tpu.yield
    }) : () -> ()
    %mul3A_112 = arith.constant 640 : i32
    %mul3A_113 = arith.muli %arg1, %mul3A_112 : i32
    %add3A_114 = arith.constant 320 : i32
    %add3A_115 = arith.addi %mul3A_113, %add3A_114 : i32
    %run_scoped3A_116 = arith.constant 0 : i32
    "tpu.region"() ({
      %run_scoped3A_142 = tpu.sem_alloc : memref<!tpu.dma_semaphore, #tpu.memory_space<semaphore_mem>>
      %dma_start3A = arith.constant 0 : i32
      %dma_start3A_143 = arith.constant 0 : i32
      %dma_start3A_144 = tpu.memref_slice %arg9[%run_scoped3A_116, %dma_start3A, %dma_start3A_143] : memref<3x64x128xf32, #tpu.memory_space<vmem>> -> memref<1x64x128xf32, #tpu.memory_space<vmem>>
      %dma_start3A_145 = tpu.memref_squeeze %dma_start3A_144 : memref<1x64x128xf32, #tpu.memory_space<vmem>> -> memref<64x128xf32, #tpu.memory_space<vmem>>
      %dma_start3A_146 = arith.constant 0 : i32
      %dma_start3A_147 = tpu.memref_slice %arg10[%add3A_115, %dma_start3A_146] : memref<10240x128xf32, #tpu.memory_space<vmem_shared>> -> memref<64x128xf32, #tpu.memory_space<vmem_shared>>
      %dma_start3A_148 = arith.constant 0 : i32
      %dma_start3A_149 = arith.constant 0 : i32
      %dma_start3A_150 = tpu.memref_slice %arg9[%run_scoped3A_116, %dma_start3A_148, %dma_start3A_149] : memref<3x64x128xf32, #tpu.memory_space<vmem>> -> memref<1x64x128xf32, #tpu.memory_space<vmem>>
      %dma_start3A_151 = tpu.memref_squeeze %dma_start3A_150 : memref<1x64x128xf32, #tpu.memory_space<vmem>> -> memref<64x128xf32, #tpu.memory_space<vmem>>
      %dma_start3A_152 = arith.constant 0 : i32
      %dma_start3A_153 = tpu.memref_slice %arg10[%add3A_115, %dma_start3A_152] : memref<10240x128xf32, #tpu.memory_space<vmem_shared>> -> memref<64x128xf32, #tpu.memory_space<vmem_shared>>
      tpu.enqueue_dma source(%dma_start3A_153 : memref<64x128xf32, #tpu.memory_space<vmem_shared>>) target(%dma_start3A_151 : memref<64x128xf32, #tpu.memory_space<vmem>>) target_semaphore(%run_scoped3A_142 : memref<!tpu.dma_semaphore, #tpu.memory_space<semaphore_mem>>)
      %dma_wait3A = arith.constant 0 : i32
      %dma_wait3A_154 = arith.constant 0 : i32
      %dma_wait3A_155 = tpu.memref_slice %arg9[%run_scoped3A_116, %dma_wait3A, %dma_wait3A_154] : memref<3x64x128xf32, #tpu.memory_space<vmem>> -> memref<1x64x128xf32, #tpu.memory_space<vmem>>
      %dma_wait3A_156 = tpu.memref_squeeze %dma_wait3A_155 : memref<1x64x128xf32, #tpu.memory_space<vmem>> -> memref<64x128xf32, #tpu.memory_space<vmem>>
      %dma_wait3A_157 = arith.constant 0 : i32
      %dma_wait3A_158 = tpu.memref_slice %arg10[%add3A_115, %dma_wait3A_157] : memref<10240x128xf32, #tpu.memory_space<vmem_shared>> -> memref<64x128xf32, #tpu.memory_space<vmem_shared>>
      %dma_wait3A_159 = arith.constant 0 : i32
      %dma_wait3A_160 = arith.constant 0 : i32
      %dma_wait3A_161 = tpu.memref_slice %arg9[%run_scoped3A_116, %dma_wait3A_159, %dma_wait3A_160] : memref<3x64x128xf32, #tpu.memory_space<vmem>> -> memref<1x64x128xf32, #tpu.memory_space<vmem>>
      %dma_wait3A_162 = tpu.memref_squeeze %dma_wait3A_161 : memref<1x64x128xf32, #tpu.memory_space<vmem>> -> memref<64x128xf32, #tpu.memory_space<vmem>>
      %dma_wait3A_163 = arith.constant 0 : i32
      %dma_wait3A_164 = tpu.memref_slice %arg10[%add3A_115, %dma_wait3A_163] : memref<10240x128xf32, #tpu.memory_space<vmem_shared>> -> memref<64x128xf32, #tpu.memory_space<vmem_shared>>
      tpu.wait_dma2 semaphore(%run_scoped3A_142 : memref<!tpu.dma_semaphore, #tpu.memory_space<semaphore_mem>>) src(%dma_wait3A_164 : memref<64x128xf32, #tpu.memory_space<vmem_shared>>) dst(%dma_wait3A_162 : memref<64x128xf32, #tpu.memory_space<vmem>>)
      tpu.yield
    }) : () -> ()
    %run_scoped3A_117 = arith.constant 0 : i32
    "tpu.region"() ({
      %run_scoped3A_142 = tpu.sem_alloc : memref<!tpu.dma_semaphore, #tpu.memory_space<semaphore_mem>>
      %dma_start3A = arith.constant 0 : i32
      %dma_start3A_143 = arith.constant 0 : i32
      %dma_start3A_144 = tpu.memref_slice %arg9[%run_scoped3A_117, %dma_start3A, %dma_start3A_143] : memref<3x64x128xf32, #tpu.memory_space<vmem>> -> memref<1x64x128xf32, #tpu.memory_space<vmem>>
      %dma_start3A_145 = tpu.memref_squeeze %dma_start3A_144 : memref<1x64x128xf32, #tpu.memory_space<vmem>> -> memref<64x128xf32, #tpu.memory_space<vmem>>
      %dma_start3A_146 = arith.constant 0 : i32
      %dma_start3A_147 = tpu.memref_slice %arg5[%arg0, %add3A_115, %dma_start3A_146] : memref<2x10240x128xf32, #tpu.memory_space<hbm>> -> memref<1x64x128xf32, #tpu.memory_space<hbm>>
      %dma_start3A_148 = tpu.memref_squeeze %dma_start3A_147 : memref<1x64x128xf32, #tpu.memory_space<hbm>> -> memref<64x128xf32, #tpu.memory_space<hbm>>
      %dma_start3A_149 = arith.constant 0 : i32
      %dma_start3A_150 = tpu.memref_slice %arg5[%arg0, %add3A_115, %dma_start3A_149] : memref<2x10240x128xf32, #tpu.memory_space<hbm>> -> memref<1x64x128xf32, #tpu.memory_space<hbm>>
      %dma_start3A_151 = tpu.memref_squeeze %dma_start3A_150 : memref<1x64x128xf32, #tpu.memory_space<hbm>> -> memref<64x128xf32, #tpu.memory_space<hbm>>
      %dma_start3A_152 = arith.constant 0 : i32
      %dma_start3A_153 = arith.constant 0 : i32
      %dma_start3A_154 = tpu.memref_slice %arg9[%run_scoped3A_117, %dma_start3A_152, %dma_start3A_153] : memref<3x64x128xf32, #tpu.memory_space<vmem>> -> memref<1x64x128xf32, #tpu.memory_space<vmem>>
      %dma_start3A_155 = tpu.memref_squeeze %dma_start3A_154 : memref<1x64x128xf32, #tpu.memory_space<vmem>> -> memref<64x128xf32, #tpu.memory_space<vmem>>
      tpu.enqueue_dma source(%dma_start3A_155 : memref<64x128xf32, #tpu.memory_space<vmem>>) target(%dma_start3A_151 : memref<64x128xf32, #tpu.memory_space<hbm>>) target_semaphore(%run_scoped3A_142 : memref<!tpu.dma_semaphore, #tpu.memory_space<semaphore_mem>>)
      %dma_wait3A = arith.constant 0 : i32
      %dma_wait3A_156 = arith.constant 0 : i32
      %dma_wait3A_157 = tpu.memref_slice %arg9[%run_scoped3A_117, %dma_wait3A, %dma_wait3A_156] : memref<3x64x128xf32, #tpu.memory_space<vmem>> -> memref<1x64x128xf32, #tpu.memory_space<vmem>>
      %dma_wait3A_158 = tpu.memref_squeeze %dma_wait3A_157 : memref<1x64x128xf32, #tpu.memory_space<vmem>> -> memref<64x128xf32, #tpu.memory_space<vmem>>
      %dma_wait3A_159 = arith.constant 0 : i32
      %dma_wait3A_160 = tpu.memref_slice %arg5[%arg0, %add3A_115, %dma_wait3A_159] : memref<2x10240x128xf32, #tpu.memory_space<hbm>> -> memref<1x64x128xf32, #tpu.memory_space<hbm>>
      %dma_wait3A_161 = tpu.memref_squeeze %dma_wait3A_160 : memref<1x64x128xf32, #tpu.memory_space<hbm>> -> memref<64x128xf32, #tpu.memory_space<hbm>>
      %dma_wait3A_162 = arith.constant 0 : i32
      %dma_wait3A_163 = tpu.memref_slice %arg5[%arg0, %add3A_115, %dma_wait3A_162] : memref<2x10240x128xf32, #tpu.memory_space<hbm>> -> memref<1x64x128xf32, #tpu.memory_space<hbm>>
      %dma_wait3A_164 = tpu.memref_squeeze %dma_wait3A_163 : memref<1x64x128xf32, #tpu.memory_space<hbm>> -> memref<64x128xf32, #tpu.memory_space<hbm>>
      %dma_wait3A_165 = arith.constant 0 : i32
      %dma_wait3A_166 = arith.constant 0 : i32
      %dma_wait3A_167 = tpu.memref_slice %arg9[%run_scoped3A_117, %dma_wait3A_165, %dma_wait3A_166] : memref<3x64x128xf32, #tpu.memory_space<vmem>> -> memref<1x64x128xf32, #tpu.memory_space<vmem>>
      %dma_wait3A_168 = tpu.memref_squeeze %dma_wait3A_167 : memref<1x64x128xf32, #tpu.memory_space<vmem>> -> memref<64x128xf32, #tpu.memory_space<vmem>>
      tpu.wait_dma2 semaphore(%run_scoped3A_142 : memref<!tpu.dma_semaphore, #tpu.memory_space<semaphore_mem>>) src(%dma_wait3A_168 : memref<64x128xf32, #tpu.memory_space<vmem>>) dst(%dma_wait3A_164 : memref<64x128xf32, #tpu.memory_space<hbm>>)
      tpu.yield
    }) : () -> ()
    %mul3A_118 = arith.constant 640 : i32
    %mul3A_119 = arith.muli %arg1, %mul3A_118 : i32
    %add3A_120 = arith.constant 384 : i32
    %add3A_121 = arith.addi %mul3A_119, %add3A_120 : i32
    %run_scoped3A_122 = arith.constant 0 : i32
    "tpu.region"() ({
      %run_scoped3A_142 = tpu.sem_alloc : memref<!tpu.dma_semaphore, #tpu.memory_space<semaphore_mem>>
      %dma_start3A = arith.constant 0 : i32
      %dma_start3A_143 = arith.constant 0 : i32
      %dma_start3A_144 = tpu.memref_slice %arg9[%run_scoped3A_122, %dma_start3A, %dma_start3A_143] : memref<3x64x128xf32, #tpu.memory_space<vmem>> -> memref<1x64x128xf32, #tpu.memory_space<vmem>>
      %dma_start3A_145 = tpu.memref_squeeze %dma_start3A_144 : memref<1x64x128xf32, #tpu.memory_space<vmem>> -> memref<64x128xf32, #tpu.memory_space<vmem>>
      %dma_start3A_146 = arith.constant 0 : i32
      %dma_start3A_147 = tpu.memref_slice %arg10[%add3A_121, %dma_start3A_146] : memref<10240x128xf32, #tpu.memory_space<vmem_shared>> -> memref<64x128xf32, #tpu.memory_space<vmem_shared>>
      %dma_start3A_148 = arith.constant 0 : i32
      %dma_start3A_149 = arith.constant 0 : i32
      %dma_start3A_150 = tpu.memref_slice %arg9[%run_scoped3A_122, %dma_start3A_148, %dma_start3A_149] : memref<3x64x128xf32, #tpu.memory_space<vmem>> -> memref<1x64x128xf32, #tpu.memory_space<vmem>>
      %dma_start3A_151 = tpu.memref_squeeze %dma_start3A_150 : memref<1x64x128xf32, #tpu.memory_space<vmem>> -> memref<64x128xf32, #tpu.memory_space<vmem>>
      %dma_start3A_152 = arith.constant 0 : i32
      %dma_start3A_153 = tpu.memref_slice %arg10[%add3A_121, %dma_start3A_152] : memref<10240x128xf32, #tpu.memory_space<vmem_shared>> -> memref<64x128xf32, #tpu.memory_space<vmem_shared>>
      tpu.enqueue_dma source(%dma_start3A_153 : memref<64x128xf32, #tpu.memory_space<vmem_shared>>) target(%dma_start3A_151 : memref<64x128xf32, #tpu.memory_space<vmem>>) target_semaphore(%run_scoped3A_142 : memref<!tpu.dma_semaphore, #tpu.memory_space<semaphore_mem>>)
      %dma_wait3A = arith.constant 0 : i32
      %dma_wait3A_154 = arith.constant 0 : i32
      %dma_wait3A_155 = tpu.memref_slice %arg9[%run_scoped3A_122, %dma_wait3A, %dma_wait3A_154] : memref<3x64x128xf32, #tpu.memory_space<vmem>> -> memref<1x64x128xf32, #tpu.memory_space<vmem>>
      %dma_wait3A_156 = tpu.memref_squeeze %dma_wait3A_155 : memref<1x64x128xf32, #tpu.memory_space<vmem>> -> memref<64x128xf32, #tpu.memory_space<vmem>>
      %dma_wait3A_157 = arith.constant 0 : i32
      %dma_wait3A_158 = tpu.memref_slice %arg10[%add3A_121, %dma_wait3A_157] : memref<10240x128xf32, #tpu.memory_space<vmem_shared>> -> memref<64x128xf32, #tpu.memory_space<vmem_shared>>
      %dma_wait3A_159 = arith.constant 0 : i32
      %dma_wait3A_160 = arith.constant 0 : i32
      %dma_wait3A_161 = tpu.memref_slice %arg9[%run_scoped3A_122, %dma_wait3A_159, %dma_wait3A_160] : memref<3x64x128xf32, #tpu.memory_space<vmem>> -> memref<1x64x128xf32, #tpu.memory_space<vmem>>
      %dma_wait3A_162 = tpu.memref_squeeze %dma_wait3A_161 : memref<1x64x128xf32, #tpu.memory_space<vmem>> -> memref<64x128xf32, #tpu.memory_space<vmem>>
      %dma_wait3A_163 = arith.constant 0 : i32
      %dma_wait3A_164 = tpu.memref_slice %arg10[%add3A_121, %dma_wait3A_163] : memref<10240x128xf32, #tpu.memory_space<vmem_shared>> -> memref<64x128xf32, #tpu.memory_space<vmem_shared>>
      tpu.wait_dma2 semaphore(%run_scoped3A_142 : memref<!tpu.dma_semaphore, #tpu.memory_space<semaphore_mem>>) src(%dma_wait3A_164 : memref<64x128xf32, #tpu.memory_space<vmem_shared>>) dst(%dma_wait3A_162 : memref<64x128xf32, #tpu.memory_space<vmem>>)
      tpu.yield
    }) : () -> ()
    %run_scoped3A_123 = arith.constant 0 : i32
    "tpu.region"() ({
      %run_scoped3A_142 = tpu.sem_alloc : memref<!tpu.dma_semaphore, #tpu.memory_space<semaphore_mem>>
      %dma_start3A = arith.constant 0 : i32
      %dma_start3A_143 = arith.constant 0 : i32
      %dma_start3A_144 = tpu.memref_slice %arg9[%run_scoped3A_123, %dma_start3A, %dma_start3A_143] : memref<3x64x128xf32, #tpu.memory_space<vmem>> -> memref<1x64x128xf32, #tpu.memory_space<vmem>>
      %dma_start3A_145 = tpu.memref_squeeze %dma_start3A_144 : memref<1x64x128xf32, #tpu.memory_space<vmem>> -> memref<64x128xf32, #tpu.memory_space<vmem>>
      %dma_start3A_146 = arith.constant 0 : i32
      %dma_start3A_147 = tpu.memref_slice %arg5[%arg0, %add3A_121, %dma_start3A_146] : memref<2x10240x128xf32, #tpu.memory_space<hbm>> -> memref<1x64x128xf32, #tpu.memory_space<hbm>>
      %dma_start3A_148 = tpu.memref_squeeze %dma_start3A_147 : memref<1x64x128xf32, #tpu.memory_space<hbm>> -> memref<64x128xf32, #tpu.memory_space<hbm>>
      %dma_start3A_149 = arith.constant 0 : i32
      %dma_start3A_150 = tpu.memref_slice %arg5[%arg0, %add3A_121, %dma_start3A_149] : memref<2x10240x128xf32, #tpu.memory_space<hbm>> -> memref<1x64x128xf32, #tpu.memory_space<hbm>>
      %dma_start3A_151 = tpu.memref_squeeze %dma_start3A_150 : memref<1x64x128xf32, #tpu.memory_space<hbm>> -> memref<64x128xf32, #tpu.memory_space<hbm>>
      %dma_start3A_152 = arith.constant 0 : i32
      %dma_start3A_153 = arith.constant 0 : i32
      %dma_start3A_154 = tpu.memref_slice %arg9[%run_scoped3A_123, %dma_start3A_152, %dma_start3A_153] : memref<3x64x128xf32, #tpu.memory_space<vmem>> -> memref<1x64x128xf32, #tpu.memory_space<vmem>>
      %dma_start3A_155 = tpu.memref_squeeze %dma_start3A_154 : memref<1x64x128xf32, #tpu.memory_space<vmem>> -> memref<64x128xf32, #tpu.memory_space<vmem>>
      tpu.enqueue_dma source(%dma_start3A_155 : memref<64x128xf32, #tpu.memory_space<vmem>>) target(%dma_start3A_151 : memref<64x128xf32, #tpu.memory_space<hbm>>) target_semaphore(%run_scoped3A_142 : memref<!tpu.dma_semaphore, #tpu.memory_space<semaphore_mem>>)
      %dma_wait3A = arith.constant 0 : i32
      %dma_wait3A_156 = arith.constant 0 : i32
      %dma_wait3A_157 = tpu.memref_slice %arg9[%run_scoped3A_123, %dma_wait3A, %dma_wait3A_156] : memref<3x64x128xf32, #tpu.memory_space<vmem>> -> memref<1x64x128xf32, #tpu.memory_space<vmem>>
      %dma_wait3A_158 = tpu.memref_squeeze %dma_wait3A_157 : memref<1x64x128xf32, #tpu.memory_space<vmem>> -> memref<64x128xf32, #tpu.memory_space<vmem>>
      %dma_wait3A_159 = arith.constant 0 : i32
      %dma_wait3A_160 = tpu.memref_slice %arg5[%arg0, %add3A_121, %dma_wait3A_159] : memref<2x10240x128xf32, #tpu.memory_space<hbm>> -> memref<1x64x128xf32, #tpu.memory_space<hbm>>
      %dma_wait3A_161 = tpu.memref_squeeze %dma_wait3A_160 : memref<1x64x128xf32, #tpu.memory_space<hbm>> -> memref<64x128xf32, #tpu.memory_space<hbm>>
      %dma_wait3A_162 = arith.constant 0 : i32
      %dma_wait3A_163 = tpu.memref_slice %arg5[%arg0, %add3A_121, %dma_wait3A_162] : memref<2x10240x128xf32, #tpu.memory_space<hbm>> -> memref<1x64x128xf32, #tpu.memory_space<hbm>>
      %dma_wait3A_164 = tpu.memref_squeeze %dma_wait3A_163 : memref<1x64x128xf32, #tpu.memory_space<hbm>> -> memref<64x128xf32, #tpu.memory_space<hbm>>
      %dma_wait3A_165 = arith.constant 0 : i32
      %dma_wait3A_166 = arith.constant 0 : i32
      %dma_wait3A_167 = tpu.memref_slice %arg9[%run_scoped3A_123, %dma_wait3A_165, %dma_wait3A_166] : memref<3x64x128xf32, #tpu.memory_space<vmem>> -> memref<1x64x128xf32, #tpu.memory_space<vmem>>
      %dma_wait3A_168 = tpu.memref_squeeze %dma_wait3A_167 : memref<1x64x128xf32, #tpu.memory_space<vmem>> -> memref<64x128xf32, #tpu.memory_space<vmem>>
      tpu.wait_dma2 semaphore(%run_scoped3A_142 : memref<!tpu.dma_semaphore, #tpu.memory_space<semaphore_mem>>) src(%dma_wait3A_168 : memref<64x128xf32, #tpu.memory_space<vmem>>) dst(%dma_wait3A_164 : memref<64x128xf32, #tpu.memory_space<hbm>>)
      tpu.yield
    }) : () -> ()
    %mul3A_124 = arith.constant 640 : i32
    %mul3A_125 = arith.muli %arg1, %mul3A_124 : i32
    %add3A_126 = arith.constant 448 : i32
    %add3A_127 = arith.addi %mul3A_125, %add3A_126 : i32
    %run_scoped3A_128 = arith.constant 0 : i32
    "tpu.region"() ({
      %run_scoped3A_142 = tpu.sem_alloc : memref<!tpu.dma_semaphore, #tpu.memory_space<semaphore_mem>>
      %dma_start3A = arith.constant 0 : i32
      %dma_start3A_143 = arith.constant 0 : i32
      %dma_start3A_144 = tpu.memref_slice %arg9[%run_scoped3A_128, %dma_start3A, %dma_start3A_143] : memref<3x64x128xf32, #tpu.memory_space<vmem>> -> memref<1x64x128xf32, #tpu.memory_space<vmem>>
      %dma_start3A_145 = tpu.memref_squeeze %dma_start3A_144 : memref<1x64x128xf32, #tpu.memory_space<vmem>> -> memref<64x128xf32, #tpu.memory_space<vmem>>
      %dma_start3A_146 = arith.constant 0 : i32
      %dma_start3A_147 = tpu.memref_slice %arg10[%add3A_127, %dma_start3A_146] : memref<10240x128xf32, #tpu.memory_space<vmem_shared>> -> memref<64x128xf32, #tpu.memory_space<vmem_shared>>
      %dma_start3A_148 = arith.constant 0 : i32
      %dma_start3A_149 = arith.constant 0 : i32
      %dma_start3A_150 = tpu.memref_slice %arg9[%run_scoped3A_128, %dma_start3A_148, %dma_start3A_149] : memref<3x64x128xf32, #tpu.memory_space<vmem>> -> memref<1x64x128xf32, #tpu.memory_space<vmem>>
      %dma_start3A_151 = tpu.memref_squeeze %dma_start3A_150 : memref<1x64x128xf32, #tpu.memory_space<vmem>> -> memref<64x128xf32, #tpu.memory_space<vmem>>
      %dma_start3A_152 = arith.constant 0 : i32
      %dma_start3A_153 = tpu.memref_slice %arg10[%add3A_127, %dma_start3A_152] : memref<10240x128xf32, #tpu.memory_space<vmem_shared>> -> memref<64x128xf32, #tpu.memory_space<vmem_shared>>
      tpu.enqueue_dma source(%dma_start3A_153 : memref<64x128xf32, #tpu.memory_space<vmem_shared>>) target(%dma_start3A_151 : memref<64x128xf32, #tpu.memory_space<vmem>>) target_semaphore(%run_scoped3A_142 : memref<!tpu.dma_semaphore, #tpu.memory_space<semaphore_mem>>)
      %dma_wait3A = arith.constant 0 : i32
      %dma_wait3A_154 = arith.constant 0 : i32
      %dma_wait3A_155 = tpu.memref_slice %arg9[%run_scoped3A_128, %dma_wait3A, %dma_wait3A_154] : memref<3x64x128xf32, #tpu.memory_space<vmem>> -> memref<1x64x128xf32, #tpu.memory_space<vmem>>
      %dma_wait3A_156 = tpu.memref_squeeze %dma_wait3A_155 : memref<1x64x128xf32, #tpu.memory_space<vmem>> -> memref<64x128xf32, #tpu.memory_space<vmem>>
      %dma_wait3A_157 = arith.constant 0 : i32
      %dma_wait3A_158 = tpu.memref_slice %arg10[%add3A_127, %dma_wait3A_157] : memref<10240x128xf32, #tpu.memory_space<vmem_shared>> -> memref<64x128xf32, #tpu.memory_space<vmem_shared>>
      %dma_wait3A_159 = arith.constant 0 : i32
      %dma_wait3A_160 = arith.constant 0 : i32
      %dma_wait3A_161 = tpu.memref_slice %arg9[%run_scoped3A_128, %dma_wait3A_159, %dma_wait3A_160] : memref<3x64x128xf32, #tpu.memory_space<vmem>> -> memref<1x64x128xf32, #tpu.memory_space<vmem>>
      %dma_wait3A_162 = tpu.memref_squeeze %dma_wait3A_161 : memref<1x64x128xf32, #tpu.memory_space<vmem>> -> memref<64x128xf32, #tpu.memory_space<vmem>>
      %dma_wait3A_163 = arith.constant 0 : i32
      %dma_wait3A_164 = tpu.memref_slice %arg10[%add3A_127, %dma_wait3A_163] : memref<10240x128xf32, #tpu.memory_space<vmem_shared>> -> memref<64x128xf32, #tpu.memory_space<vmem_shared>>
      tpu.wait_dma2 semaphore(%run_scoped3A_142 : memref<!tpu.dma_semaphore, #tpu.memory_space<semaphore_mem>>) src(%dma_wait3A_164 : memref<64x128xf32, #tpu.memory_space<vmem_shared>>) dst(%dma_wait3A_162 : memref<64x128xf32, #tpu.memory_space<vmem>>)
      tpu.yield
    }) : () -> ()
    %run_scoped3A_129 = arith.constant 0 : i32
    "tpu.region"() ({
      %run_scoped3A_142 = tpu.sem_alloc : memref<!tpu.dma_semaphore, #tpu.memory_space<semaphore_mem>>
      %dma_start3A = arith.constant 0 : i32
      %dma_start3A_143 = arith.constant 0 : i32
      %dma_start3A_144 = tpu.memref_slice %arg9[%run_scoped3A_129, %dma_start3A, %dma_start3A_143] : memref<3x64x128xf32, #tpu.memory_space<vmem>> -> memref<1x64x128xf32, #tpu.memory_space<vmem>>
      %dma_start3A_145 = tpu.memref_squeeze %dma_start3A_144 : memref<1x64x128xf32, #tpu.memory_space<vmem>> -> memref<64x128xf32, #tpu.memory_space<vmem>>
      %dma_start3A_146 = arith.constant 0 : i32
      %dma_start3A_147 = tpu.memref_slice %arg5[%arg0, %add3A_127, %dma_start3A_146] : memref<2x10240x128xf32, #tpu.memory_space<hbm>> -> memref<1x64x128xf32, #tpu.memory_space<hbm>>
      %dma_start3A_148 = tpu.memref_squeeze %dma_start3A_147 : memref<1x64x128xf32, #tpu.memory_space<hbm>> -> memref<64x128xf32, #tpu.memory_space<hbm>>
      %dma_start3A_149 = arith.constant 0 : i32
      %dma_start3A_150 = tpu.memref_slice %arg5[%arg0, %add3A_127, %dma_start3A_149] : memref<2x10240x128xf32, #tpu.memory_space<hbm>> -> memref<1x64x128xf32, #tpu.memory_space<hbm>>
      %dma_start3A_151 = tpu.memref_squeeze %dma_start3A_150 : memref<1x64x128xf32, #tpu.memory_space<hbm>> -> memref<64x128xf32, #tpu.memory_space<hbm>>
      %dma_start3A_152 = arith.constant 0 : i32
      %dma_start3A_153 = arith.constant 0 : i32
      %dma_start3A_154 = tpu.memref_slice %arg9[%run_scoped3A_129, %dma_start3A_152, %dma_start3A_153] : memref<3x64x128xf32, #tpu.memory_space<vmem>> -> memref<1x64x128xf32, #tpu.memory_space<vmem>>
      %dma_start3A_155 = tpu.memref_squeeze %dma_start3A_154 : memref<1x64x128xf32, #tpu.memory_space<vmem>> -> memref<64x128xf32, #tpu.memory_space<vmem>>
      tpu.enqueue_dma source(%dma_start3A_155 : memref<64x128xf32, #tpu.memory_space<vmem>>) target(%dma_start3A_151 : memref<64x128xf32, #tpu.memory_space<hbm>>) target_semaphore(%run_scoped3A_142 : memref<!tpu.dma_semaphore, #tpu.memory_space<semaphore_mem>>)
      %dma_wait3A = arith.constant 0 : i32
      %dma_wait3A_156 = arith.constant 0 : i32
      %dma_wait3A_157 = tpu.memref_slice %arg9[%run_scoped3A_129, %dma_wait3A, %dma_wait3A_156] : memref<3x64x128xf32, #tpu.memory_space<vmem>> -> memref<1x64x128xf32, #tpu.memory_space<vmem>>
      %dma_wait3A_158 = tpu.memref_squeeze %dma_wait3A_157 : memref<1x64x128xf32, #tpu.memory_space<vmem>> -> memref<64x128xf32, #tpu.memory_space<vmem>>
      %dma_wait3A_159 = arith.constant 0 : i32
      %dma_wait3A_160 = tpu.memref_slice %arg5[%arg0, %add3A_127, %dma_wait3A_159] : memref<2x10240x128xf32, #tpu.memory_space<hbm>> -> memref<1x64x128xf32, #tpu.memory_space<hbm>>
      %dma_wait3A_161 = tpu.memref_squeeze %dma_wait3A_160 : memref<1x64x128xf32, #tpu.memory_space<hbm>> -> memref<64x128xf32, #tpu.memory_space<hbm>>
      %dma_wait3A_162 = arith.constant 0 : i32
      %dma_wait3A_163 = tpu.memref_slice %arg5[%arg0, %add3A_127, %dma_wait3A_162] : memref<2x10240x128xf32, #tpu.memory_space<hbm>> -> memref<1x64x128xf32, #tpu.memory_space<hbm>>
      %dma_wait3A_164 = tpu.memref_squeeze %dma_wait3A_163 : memref<1x64x128xf32, #tpu.memory_space<hbm>> -> memref<64x128xf32, #tpu.memory_space<hbm>>
      %dma_wait3A_165 = arith.constant 0 : i32
      %dma_wait3A_166 = arith.constant 0 : i32
      %dma_wait3A_167 = tpu.memref_slice %arg9[%run_scoped3A_129, %dma_wait3A_165, %dma_wait3A_166] : memref<3x64x128xf32, #tpu.memory_space<vmem>> -> memref<1x64x128xf32, #tpu.memory_space<vmem>>
      %dma_wait3A_168 = tpu.memref_squeeze %dma_wait3A_167 : memref<1x64x128xf32, #tpu.memory_space<vmem>> -> memref<64x128xf32, #tpu.memory_space<vmem>>
      tpu.wait_dma2 semaphore(%run_scoped3A_142 : memref<!tpu.dma_semaphore, #tpu.memory_space<semaphore_mem>>) src(%dma_wait3A_168 : memref<64x128xf32, #tpu.memory_space<vmem>>) dst(%dma_wait3A_164 : memref<64x128xf32, #tpu.memory_space<hbm>>)
      tpu.yield
    }) : () -> ()
    %mul3A_130 = arith.constant 640 : i32
    %mul3A_131 = arith.muli %arg1, %mul3A_130 : i32
    %add3A_132 = arith.constant 512 : i32
    %add3A_133 = arith.addi %mul3A_131, %add3A_132 : i32
    %run_scoped3A_134 = arith.constant 0 : i32
    "tpu.region"() ({
      %run_scoped3A_142 = tpu.sem_alloc : memref<!tpu.dma_semaphore, #tpu.memory_space<semaphore_mem>>
      %dma_start3A = arith.constant 0 : i32
      %dma_start3A_143 = arith.constant 0 : i32
      %dma_start3A_144 = tpu.memref_slice %arg9[%run_scoped3A_134, %dma_start3A, %dma_start3A_143] : memref<3x64x128xf32, #tpu.memory_space<vmem>> -> memref<1x64x128xf32, #tpu.memory_space<vmem>>
      %dma_start3A_145 = tpu.memref_squeeze %dma_start3A_144 : memref<1x64x128xf32, #tpu.memory_space<vmem>> -> memref<64x128xf32, #tpu.memory_space<vmem>>
      %dma_start3A_146 = arith.constant 0 : i32
      %dma_start3A_147 = tpu.memref_slice %arg10[%add3A_133, %dma_start3A_146] : memref<10240x128xf32, #tpu.memory_space<vmem_shared>> -> memref<64x128xf32, #tpu.memory_space<vmem_shared>>
      %dma_start3A_148 = arith.constant 0 : i32
      %dma_start3A_149 = arith.constant 0 : i32
      %dma_start3A_150 = tpu.memref_slice %arg9[%run_scoped3A_134, %dma_start3A_148, %dma_start3A_149] : memref<3x64x128xf32, #tpu.memory_space<vmem>> -> memref<1x64x128xf32, #tpu.memory_space<vmem>>
      %dma_start3A_151 = tpu.memref_squeeze %dma_start3A_150 : memref<1x64x128xf32, #tpu.memory_space<vmem>> -> memref<64x128xf32, #tpu.memory_space<vmem>>
      %dma_start3A_152 = arith.constant 0 : i32
      %dma_start3A_153 = tpu.memref_slice %arg10[%add3A_133, %dma_start3A_152] : memref<10240x128xf32, #tpu.memory_space<vmem_shared>> -> memref<64x128xf32, #tpu.memory_space<vmem_shared>>
      tpu.enqueue_dma source(%dma_start3A_153 : memref<64x128xf32, #tpu.memory_space<vmem_shared>>) target(%dma_start3A_151 : memref<64x128xf32, #tpu.memory_space<vmem>>) target_semaphore(%run_scoped3A_142 : memref<!tpu.dma_semaphore, #tpu.memory_space<semaphore_mem>>)
      %dma_wait3A = arith.constant 0 : i32
      %dma_wait3A_154 = arith.constant 0 : i32
      %dma_wait3A_155 = tpu.memref_slice %arg9[%run_scoped3A_134, %dma_wait3A, %dma_wait3A_154] : memref<3x64x128xf32, #tpu.memory_space<vmem>> -> memref<1x64x128xf32, #tpu.memory_space<vmem>>
      %dma_wait3A_156 = tpu.memref_squeeze %dma_wait3A_155 : memref<1x64x128xf32, #tpu.memory_space<vmem>> -> memref<64x128xf32, #tpu.memory_space<vmem>>
      %dma_wait3A_157 = arith.constant 0 : i32
      %dma_wait3A_158 = tpu.memref_slice %arg10[%add3A_133, %dma_wait3A_157] : memref<10240x128xf32, #tpu.memory_space<vmem_shared>> -> memref<64x128xf32, #tpu.memory_space<vmem_shared>>
      %dma_wait3A_159 = arith.constant 0 : i32
      %dma_wait3A_160 = arith.constant 0 : i32
      %dma_wait3A_161 = tpu.memref_slice %arg9[%run_scoped3A_134, %dma_wait3A_159, %dma_wait3A_160] : memref<3x64x128xf32, #tpu.memory_space<vmem>> -> memref<1x64x128xf32, #tpu.memory_space<vmem>>
      %dma_wait3A_162 = tpu.memref_squeeze %dma_wait3A_161 : memref<1x64x128xf32, #tpu.memory_space<vmem>> -> memref<64x128xf32, #tpu.memory_space<vmem>>
      %dma_wait3A_163 = arith.constant 0 : i32
      %dma_wait3A_164 = tpu.memref_slice %arg10[%add3A_133, %dma_wait3A_163] : memref<10240x128xf32, #tpu.memory_space<vmem_shared>> -> memref<64x128xf32, #tpu.memory_space<vmem_shared>>
      tpu.wait_dma2 semaphore(%run_scoped3A_142 : memref<!tpu.dma_semaphore, #tpu.memory_space<semaphore_mem>>) src(%dma_wait3A_164 : memref<64x128xf32, #tpu.memory_space<vmem_shared>>) dst(%dma_wait3A_162 : memref<64x128xf32, #tpu.memory_space<vmem>>)
      tpu.yield
    }) : () -> ()
    %run_scoped3A_135 = arith.constant 0 : i32
    "tpu.region"() ({
      %run_scoped3A_142 = tpu.sem_alloc : memref<!tpu.dma_semaphore, #tpu.memory_space<semaphore_mem>>
      %dma_start3A = arith.constant 0 : i32
      %dma_start3A_143 = arith.constant 0 : i32
      %dma_start3A_144 = tpu.memref_slice %arg9[%run_scoped3A_135, %dma_start3A, %dma_start3A_143] : memref<3x64x128xf32, #tpu.memory_space<vmem>> -> memref<1x64x128xf32, #tpu.memory_space<vmem>>
      %dma_start3A_145 = tpu.memref_squeeze %dma_start3A_144 : memref<1x64x128xf32, #tpu.memory_space<vmem>> -> memref<64x128xf32, #tpu.memory_space<vmem>>
      %dma_start3A_146 = arith.constant 0 : i32
      %dma_start3A_147 = tpu.memref_slice %arg5[%arg0, %add3A_133, %dma_start3A_146] : memref<2x10240x128xf32, #tpu.memory_space<hbm>> -> memref<1x64x128xf32, #tpu.memory_space<hbm>>
      %dma_start3A_148 = tpu.memref_squeeze %dma_start3A_147 : memref<1x64x128xf32, #tpu.memory_space<hbm>> -> memref<64x128xf32, #tpu.memory_space<hbm>>
      %dma_start3A_149 = arith.constant 0 : i32
      %dma_start3A_150 = tpu.memref_slice %arg5[%arg0, %add3A_133, %dma_start3A_149] : memref<2x10240x128xf32, #tpu.memory_space<hbm>> -> memref<1x64x128xf32, #tpu.memory_space<hbm>>
      %dma_start3A_151 = tpu.memref_squeeze %dma_start3A_150 : memref<1x64x128xf32, #tpu.memory_space<hbm>> -> memref<64x128xf32, #tpu.memory_space<hbm>>
      %dma_start3A_152 = arith.constant 0 : i32
      %dma_start3A_153 = arith.constant 0 : i32
      %dma_start3A_154 = tpu.memref_slice %arg9[%run_scoped3A_135, %dma_start3A_152, %dma_start3A_153] : memref<3x64x128xf32, #tpu.memory_space<vmem>> -> memref<1x64x128xf32, #tpu.memory_space<vmem>>
      %dma_start3A_155 = tpu.memref_squeeze %dma_start3A_154 : memref<1x64x128xf32, #tpu.memory_space<vmem>> -> memref<64x128xf32, #tpu.memory_space<vmem>>
      tpu.enqueue_dma source(%dma_start3A_155 : memref<64x128xf32, #tpu.memory_space<vmem>>) target(%dma_start3A_151 : memref<64x128xf32, #tpu.memory_space<hbm>>) target_semaphore(%run_scoped3A_142 : memref<!tpu.dma_semaphore, #tpu.memory_space<semaphore_mem>>)
      %dma_wait3A = arith.constant 0 : i32
      %dma_wait3A_156 = arith.constant 0 : i32
      %dma_wait3A_157 = tpu.memref_slice %arg9[%run_scoped3A_135, %dma_wait3A, %dma_wait3A_156] : memref<3x64x128xf32, #tpu.memory_space<vmem>> -> memref<1x64x128xf32, #tpu.memory_space<vmem>>
      %dma_wait3A_158 = tpu.memref_squeeze %dma_wait3A_157 : memref<1x64x128xf32, #tpu.memory_space<vmem>> -> memref<64x128xf32, #tpu.memory_space<vmem>>
      %dma_wait3A_159 = arith.constant 0 : i32
      %dma_wait3A_160 = tpu.memref_slice %arg5[%arg0, %add3A_133, %dma_wait3A_159] : memref<2x10240x128xf32, #tpu.memory_space<hbm>> -> memref<1x64x128xf32, #tpu.memory_space<hbm>>
      %dma_wait3A_161 = tpu.memref_squeeze %dma_wait3A_160 : memref<1x64x128xf32, #tpu.memory_space<hbm>> -> memref<64x128xf32, #tpu.memory_space<hbm>>
      %dma_wait3A_162 = arith.constant 0 : i32
      %dma_wait3A_163 = tpu.memref_slice %arg5[%arg0, %add3A_133, %dma_wait3A_162] : memref<2x10240x128xf32, #tpu.memory_space<hbm>> -> memref<1x64x128xf32, #tpu.memory_space<hbm>>
      %dma_wait3A_164 = tpu.memref_squeeze %dma_wait3A_163 : memref<1x64x128xf32, #tpu.memory_space<hbm>> -> memref<64x128xf32, #tpu.memory_space<hbm>>
      %dma_wait3A_165 = arith.constant 0 : i32
      %dma_wait3A_166 = arith.constant 0 : i32
      %dma_wait3A_167 = tpu.memref_slice %arg9[%run_scoped3A_135, %dma_wait3A_165, %dma_wait3A_166] : memref<3x64x128xf32, #tpu.memory_space<vmem>> -> memref<1x64x128xf32, #tpu.memory_space<vmem>>
      %dma_wait3A_168 = tpu.memref_squeeze %dma_wait3A_167 : memref<1x64x128xf32, #tpu.memory_space<vmem>> -> memref<64x128xf32, #tpu.memory_space<vmem>>
      tpu.wait_dma2 semaphore(%run_scoped3A_142 : memref<!tpu.dma_semaphore, #tpu.memory_space<semaphore_mem>>) src(%dma_wait3A_168 : memref<64x128xf32, #tpu.memory_space<vmem>>) dst(%dma_wait3A_164 : memref<64x128xf32, #tpu.memory_space<hbm>>)
      tpu.yield
    }) : () -> ()
    %mul3A_136 = arith.constant 640 : i32
    %mul3A_137 = arith.muli %arg1, %mul3A_136 : i32
    %add3A_138 = arith.constant 576 : i32
    %add3A_139 = arith.addi %mul3A_137, %add3A_138 : i32
    %run_scoped3A_140 = arith.constant 0 : i32
    "tpu.region"() ({
      %run_scoped3A_142 = tpu.sem_alloc : memref<!tpu.dma_semaphore, #tpu.memory_space<semaphore_mem>>
      %dma_start3A = arith.constant 0 : i32
      %dma_start3A_143 = arith.constant 0 : i32
      %dma_start3A_144 = tpu.memref_slice %arg9[%run_scoped3A_140, %dma_start3A, %dma_start3A_143] : memref<3x64x128xf32, #tpu.memory_space<vmem>> -> memref<1x64x128xf32, #tpu.memory_space<vmem>>
      %dma_start3A_145 = tpu.memref_squeeze %dma_start3A_144 : memref<1x64x128xf32, #tpu.memory_space<vmem>> -> memref<64x128xf32, #tpu.memory_space<vmem>>
      %dma_start3A_146 = arith.constant 0 : i32
      %dma_start3A_147 = tpu.memref_slice %arg10[%add3A_139, %dma_start3A_146] : memref<10240x128xf32, #tpu.memory_space<vmem_shared>> -> memref<64x128xf32, #tpu.memory_space<vmem_shared>>
      %dma_start3A_148 = arith.constant 0 : i32
      %dma_start3A_149 = arith.constant 0 : i32
      %dma_start3A_150 = tpu.memref_slice %arg9[%run_scoped3A_140, %dma_start3A_148, %dma_start3A_149] : memref<3x64x128xf32, #tpu.memory_space<vmem>> -> memref<1x64x128xf32, #tpu.memory_space<vmem>>
      %dma_start3A_151 = tpu.memref_squeeze %dma_start3A_150 : memref<1x64x128xf32, #tpu.memory_space<vmem>> -> memref<64x128xf32, #tpu.memory_space<vmem>>
      %dma_start3A_152 = arith.constant 0 : i32
      %dma_start3A_153 = tpu.memref_slice %arg10[%add3A_139, %dma_start3A_152] : memref<10240x128xf32, #tpu.memory_space<vmem_shared>> -> memref<64x128xf32, #tpu.memory_space<vmem_shared>>
      tpu.enqueue_dma source(%dma_start3A_153 : memref<64x128xf32, #tpu.memory_space<vmem_shared>>) target(%dma_start3A_151 : memref<64x128xf32, #tpu.memory_space<vmem>>) target_semaphore(%run_scoped3A_142 : memref<!tpu.dma_semaphore, #tpu.memory_space<semaphore_mem>>)
      %dma_wait3A = arith.constant 0 : i32
      %dma_wait3A_154 = arith.constant 0 : i32
      %dma_wait3A_155 = tpu.memref_slice %arg9[%run_scoped3A_140, %dma_wait3A, %dma_wait3A_154] : memref<3x64x128xf32, #tpu.memory_space<vmem>> -> memref<1x64x128xf32, #tpu.memory_space<vmem>>
      %dma_wait3A_156 = tpu.memref_squeeze %dma_wait3A_155 : memref<1x64x128xf32, #tpu.memory_space<vmem>> -> memref<64x128xf32, #tpu.memory_space<vmem>>
      %dma_wait3A_157 = arith.constant 0 : i32
      %dma_wait3A_158 = tpu.memref_slice %arg10[%add3A_139, %dma_wait3A_157] : memref<10240x128xf32, #tpu.memory_space<vmem_shared>> -> memref<64x128xf32, #tpu.memory_space<vmem_shared>>
      %dma_wait3A_159 = arith.constant 0 : i32
      %dma_wait3A_160 = arith.constant 0 : i32
      %dma_wait3A_161 = tpu.memref_slice %arg9[%run_scoped3A_140, %dma_wait3A_159, %dma_wait3A_160] : memref<3x64x128xf32, #tpu.memory_space<vmem>> -> memref<1x64x128xf32, #tpu.memory_space<vmem>>
      %dma_wait3A_162 = tpu.memref_squeeze %dma_wait3A_161 : memref<1x64x128xf32, #tpu.memory_space<vmem>> -> memref<64x128xf32, #tpu.memory_space<vmem>>
      %dma_wait3A_163 = arith.constant 0 : i32
      %dma_wait3A_164 = tpu.memref_slice %arg10[%add3A_139, %dma_wait3A_163] : memref<10240x128xf32, #tpu.memory_space<vmem_shared>> -> memref<64x128xf32, #tpu.memory_space<vmem_shared>>
      tpu.wait_dma2 semaphore(%run_scoped3A_142 : memref<!tpu.dma_semaphore, #tpu.memory_space<semaphore_mem>>) src(%dma_wait3A_164 : memref<64x128xf32, #tpu.memory_space<vmem_shared>>) dst(%dma_wait3A_162 : memref<64x128xf32, #tpu.memory_space<vmem>>)
      tpu.yield
    }) : () -> ()
    %run_scoped3A_141 = arith.constant 0 : i32
    "tpu.region"() ({
      %run_scoped3A_142 = tpu.sem_alloc : memref<!tpu.dma_semaphore, #tpu.memory_space<semaphore_mem>>
      %dma_start3A = arith.constant 0 : i32
      %dma_start3A_143 = arith.constant 0 : i32
      %dma_start3A_144 = tpu.memref_slice %arg9[%run_scoped3A_141, %dma_start3A, %dma_start3A_143] : memref<3x64x128xf32, #tpu.memory_space<vmem>> -> memref<1x64x128xf32, #tpu.memory_space<vmem>>
      %dma_start3A_145 = tpu.memref_squeeze %dma_start3A_144 : memref<1x64x128xf32, #tpu.memory_space<vmem>> -> memref<64x128xf32, #tpu.memory_space<vmem>>
      %dma_start3A_146 = arith.constant 0 : i32
      %dma_start3A_147 = tpu.memref_slice %arg5[%arg0, %add3A_139, %dma_start3A_146] : memref<2x10240x128xf32, #tpu.memory_space<hbm>> -> memref<1x64x128xf32, #tpu.memory_space<hbm>>
      %dma_start3A_148 = tpu.memref_squeeze %dma_start3A_147 : memref<1x64x128xf32, #tpu.memory_space<hbm>> -> memref<64x128xf32, #tpu.memory_space<hbm>>
      %dma_start3A_149 = arith.constant 0 : i32
      %dma_start3A_150 = tpu.memref_slice %arg5[%arg0, %add3A_139, %dma_start3A_149] : memref<2x10240x128xf32, #tpu.memory_space<hbm>> -> memref<1x64x128xf32, #tpu.memory_space<hbm>>
      %dma_start3A_151 = tpu.memref_squeeze %dma_start3A_150 : memref<1x64x128xf32, #tpu.memory_space<hbm>> -> memref<64x128xf32, #tpu.memory_space<hbm>>
      %dma_start3A_152 = arith.constant 0 : i32
      %dma_start3A_153 = arith.constant 0 : i32
      %dma_start3A_154 = tpu.memref_slice %arg9[%run_scoped3A_141, %dma_start3A_152, %dma_start3A_153] : memref<3x64x128xf32, #tpu.memory_space<vmem>> -> memref<1x64x128xf32, #tpu.memory_space<vmem>>
      %dma_start3A_155 = tpu.memref_squeeze %dma_start3A_154 : memref<1x64x128xf32, #tpu.memory_space<vmem>> -> memref<64x128xf32, #tpu.memory_space<vmem>>
      tpu.enqueue_dma source(%dma_start3A_155 : memref<64x128xf32, #tpu.memory_space<vmem>>) target(%dma_start3A_151 : memref<64x128xf32, #tpu.memory_space<hbm>>) target_semaphore(%run_scoped3A_142 : memref<!tpu.dma_semaphore, #tpu.memory_space<semaphore_mem>>)
      %dma_wait3A = arith.constant 0 : i32
      %dma_wait3A_156 = arith.constant 0 : i32
      %dma_wait3A_157 = tpu.memref_slice %arg9[%run_scoped3A_141, %dma_wait3A, %dma_wait3A_156] : memref<3x64x128xf32, #tpu.memory_space<vmem>> -> memref<1x64x128xf32, #tpu.memory_space<vmem>>
      %dma_wait3A_158 = tpu.memref_squeeze %dma_wait3A_157 : memref<1x64x128xf32, #tpu.memory_space<vmem>> -> memref<64x128xf32, #tpu.memory_space<vmem>>
      %dma_wait3A_159 = arith.constant 0 : i32
      %dma_wait3A_160 = tpu.memref_slice %arg5[%arg0, %add3A_139, %dma_wait3A_159] : memref<2x10240x128xf32, #tpu.memory_space<hbm>> -> memref<1x64x128xf32, #tpu.memory_space<hbm>>
      %dma_wait3A_161 = tpu.memref_squeeze %dma_wait3A_160 : memref<1x64x128xf32, #tpu.memory_space<hbm>> -> memref<64x128xf32, #tpu.memory_space<hbm>>
      %dma_wait3A_162 = arith.constant 0 : i32
      %dma_wait3A_163 = tpu.memref_slice %arg5[%arg0, %add3A_139, %dma_wait3A_162] : memref<2x10240x128xf32, #tpu.memory_space<hbm>> -> memref<1x64x128xf32, #tpu.memory_space<hbm>>
      %dma_wait3A_164 = tpu.memref_squeeze %dma_wait3A_163 : memref<1x64x128xf32, #tpu.memory_space<hbm>> -> memref<64x128xf32, #tpu.memory_space<hbm>>
      %dma_wait3A_165 = arith.constant 0 : i32
      %dma_wait3A_166 = arith.constant 0 : i32
      %dma_wait3A_167 = tpu.memref_slice %arg9[%run_scoped3A_141, %dma_wait3A_165, %dma_wait3A_166] : memref<3x64x128xf32, #tpu.memory_space<vmem>> -> memref<1x64x128xf32, #tpu.memory_space<vmem>>
      %dma_wait3A_168 = tpu.memref_squeeze %dma_wait3A_167 : memref<1x64x128xf32, #tpu.memory_space<vmem>> -> memref<64x128xf32, #tpu.memory_space<vmem>>
      tpu.wait_dma2 semaphore(%run_scoped3A_142 : memref<!tpu.dma_semaphore, #tpu.memory_space<semaphore_mem>>) src(%dma_wait3A_168 : memref<64x128xf32, #tpu.memory_space<vmem>>) dst(%dma_wait3A_164 : memref<64x128xf32, #tpu.memory_space<hbm>>)
      tpu.yield
    }) : () -> ()
    return
  }
}

module attributes {stable_mosaic.version = 14 : i64} {
  func.func @_prep_body(%arg0: i32, %arg1: memref<2048xf32, #tpu.memory_space<vmem>>, %arg2: memref<2048xf32, #tpu.memory_space<vmem>>, %arg3: memref<2048x128xf32, #tpu.memory_space<vmem>>, %arg4: memref<2048x128xf32, #tpu.memory_space<vmem>>, %arg5: memref<2048x128xf32, #tpu.memory_space<vmem>>, %arg6: memref<2048x1xf32, #tpu.memory_space<vmem>>) attributes {dimension_semantics = [#tpu.dimension_semantics<arbitrary>], iteration_bounds = array<i64: 5>, scalar_prefetch = 0 : i64, scratch_operands = 0 : i64, tpu.core_type = #tpu.core_type<tc>, window_params = [{transform_indices = @transform_0, window_bounds = array<i64: 2048>}, {transform_indices = @transform_1, window_bounds = array<i64: 2048>}, {transform_indices = @transform_2, window_bounds = array<i64: 2048, 128>}, {transform_indices = @transform_3, window_bounds = array<i64: 2048, 128>}, {transform_indices = @transform_4, window_bounds = array<i64: 2048, 128>}, {transform_indices = @transform_5, window_bounds = array<i64: 2048, 1>}]} {
    %get3A = arith.constant 0 : index
    %get3A_0 = vector.load %arg1[%get3A] : memref<2048xf32, #tpu.memory_space<vmem>>, vector<2048xf32>
    %get3A_1 = arith.constant 0 : index
    %get3A_2 = vector.load %arg2[%get3A_1] : memref<2048xf32, #tpu.memory_space<vmem>>, vector<2048xf32>
    %add3A = arith.addf %get3A_0, %get3A_2 : vector<2048xf32>
    %add3A_3 = arith.constant 1.000000e+00 : f32
    %add3A_4 = vector.broadcast %add3A_3 : f32 to vector<2048xf32>
    %add3A_5 = arith.addf %add3A, %add3A_4 : vector<2048xf32>
    %rsqrt3A = math.rsqrt %add3A_5 : vector<2048xf32>
    %get3A_6 = arith.constant 0 : index
    %get3A_7 = arith.constant 0 : index
    %get3A_8 = vector.load %arg3[%get3A_6, %get3A_7] : memref<2048x128xf32, #tpu.memory_space<vmem>>, vector<2048x128xf32>
    %broadcast_in_dim3A = vector.shape_cast %rsqrt3A : vector<2048xf32> to vector<2048x1xf32>
    %mul3A = vector.broadcast %broadcast_in_dim3A : vector<2048x1xf32> to vector<2048x128xf32>
    %mul3A_9 = arith.mulf %get3A_8, %mul3A : vector<2048x128xf32>
    %swap3A = arith.constant 0 : index
    %swap3A_10 = arith.constant 0 : index
    %swap3A_11 = vector.load %arg4[%swap3A, %swap3A_10] : memref<2048x128xf32, #tpu.memory_space<vmem>>, vector<2048x128xf32>
    tpu.vector_store %arg4[%swap3A, %swap3A_10], %mul3A_9 {strides = array<i32>} : memref<2048x128xf32, #tpu.memory_space<vmem>>, vector<2048x128xf32>,
    %div3A = arith.constant 1.000000e+00 : f32
    %div3A_12 = vector.broadcast %div3A : f32 to vector<2048xf32>
    %div3A_13 = arith.divf %div3A_12, %add3A_5 : vector<2048xf32>
    %broadcast_in_dim3A_14 = vector.shape_cast %div3A_13 : vector<2048xf32> to vector<2048x1xf32>
    %mul3A_15 = vector.broadcast %broadcast_in_dim3A_14 : vector<2048x1xf32> to vector<2048x128xf32>
    %mul3A_16 = arith.mulf %get3A_8, %mul3A_15 : vector<2048x128xf32>
    %swap3A_17 = arith.constant 0 : index
    %swap3A_18 = arith.constant 0 : index
    %swap3A_19 = vector.load %arg5[%swap3A_17, %swap3A_18] : memref<2048x128xf32, #tpu.memory_space<vmem>>, vector<2048x128xf32>
    tpu.vector_store %arg5[%swap3A_17, %swap3A_18], %mul3A_16 {strides = array<i32>} : memref<2048x128xf32, #tpu.memory_space<vmem>>, vector<2048x128xf32>,
    %broadcast_in_dim3A_20 = vector.shape_cast %rsqrt3A : vector<2048xf32> to vector<2048x1xf32>
    %swap3A_21 = arith.constant 0 : index
    %swap3A_22 = arith.constant 0 : index
    %swap3A_23 = vector.load %arg6[%swap3A_21, %swap3A_22] : memref<2048x1xf32, #tpu.memory_space<vmem>>, vector<2048x1xf32>
    tpu.vector_store %arg6[%swap3A_21, %swap3A_22], %broadcast_in_dim3A_20 {strides = array<i32>} : memref<2048x1xf32, #tpu.memory_space<vmem>>, vector<2048x1xf32>,
    return
  }
  func.func @transform_0(%arg0: i32) -> i32 {
    %c0_i32 = arith.constant 0 : i32
    return %arg0 : i32
  }
  func.func @transform_1(%arg0: i32) -> i32 {
    %c0_i32 = arith.constant 0 : i32
    return %arg0 : i32
  }
  func.func @transform_2(%arg0: i32) -> (i32, i32) {
    %c0_i32 = arith.constant 0 : i32
    %c0_i32_0 = arith.constant 0 : i32
    return %arg0, %c0_i32 : i32, i32
  }
  func.func @transform_3(%arg0: i32) -> (i32, i32) {
    %c0_i32 = arith.constant 0 : i32
    %c0_i32_0 = arith.constant 0 : i32
    return %arg0, %c0_i32 : i32, i32
  }
  func.func @transform_4(%arg0: i32) -> (i32, i32) {
    %c0_i32 = arith.constant 0 : i32
    %c0_i32_0 = arith.constant 0 : i32
    return %arg0, %c0_i32 : i32, i32
  }
  func.func @transform_5(%arg0: i32) -> (i32, i32) {
    %c0_i32 = arith.constant 0 : i32
    %c0_i32_0 = arith.constant 0 : i32
    return %arg0, %c0_i32 : i32, i32
  }
}

module attributes {stable_mosaic.version = 14 : i64} {
  func.func @_out_body(%arg0: i32, %arg1: memref<2048x128xf32, #tpu.memory_space<vmem>>, %arg2: memref<2048x128xf32, #tpu.memory_space<vmem>>, %arg3: memref<2048x128xf32, #tpu.memory_space<vmem>>, %arg4: memref<2048x1xf32, #tpu.memory_space<vmem>>, %arg5: memref<128x128xf32, #tpu.memory_space<vmem>>, %arg6: memref<1x128xf32, #tpu.memory_space<vmem>>, %arg7: memref<2048x128xf32, #tpu.memory_space<vmem>>) attributes {dimension_semantics = [#tpu.dimension_semantics<arbitrary>], iteration_bounds = array<i64: 5>, scalar_prefetch = 0 : i64, scratch_operands = 0 : i64, tpu.core_type = #tpu.core_type<tc>, window_params = [{transform_indices = @transform_0, window_bounds = array<i64: 2048, 128>}, {transform_indices = @transform_1, window_bounds = array<i64: 2048, 128>}, {transform_indices = @transform_2, window_bounds = array<i64: 2048, 128>}, {transform_indices = @transform_3, window_bounds = array<i64: 2048, 1>}, {pipeline_mode = #tpu.pipeline_mode<synchronous>, transform_indices = @transform_4, window_bounds = array<i64: 128, 128>}, {pipeline_mode = #tpu.pipeline_mode<synchronous>, transform_indices = @transform_5, window_bounds = array<i64: 1, 128>}, {transform_indices = @transform_6, window_bounds = array<i64: 2048, 128>}]} {
    %get3A = arith.constant 0 : index
    %get3A_0 = arith.constant 0 : index
    %get3A_1 = vector.load %arg4[%get3A, %get3A_0] : memref<2048x1xf32, #tpu.memory_space<vmem>>, vector<2048x1xf32>
    %get3A_2 = arith.constant 0 : index
    %get3A_3 = arith.constant 0 : index
    %get3A_4 = vector.load %arg1[%get3A_2, %get3A_3] : memref<2048x128xf32, #tpu.memory_space<vmem>>, vector<2048x128xf32>
    %get3A_5 = arith.constant 0 : index
    %get3A_6 = arith.constant 0 : index
    %get3A_7 = vector.load %arg2[%get3A_5, %get3A_6] : memref<2048x128xf32, #tpu.memory_space<vmem>>, vector<2048x128xf32>
    %add3A = arith.addf %get3A_4, %get3A_7 : vector<2048x128xf32>
    %mul3A = vector.broadcast %get3A_1 : vector<2048x1xf32> to vector<2048x128xf32>
    %mul3A_8 = arith.mulf %mul3A, %add3A : vector<2048x128xf32>
    %get3A_9 = arith.constant 0 : index
    %get3A_10 = arith.constant 0 : index
    %get3A_11 = vector.load %arg3[%get3A_9, %get3A_10] : memref<2048x128xf32, #tpu.memory_space<vmem>>, vector<2048x128xf32>
    %add3A_12 = arith.addf %mul3A_8, %get3A_11 : vector<2048x128xf32>
    %get3A_13 = arith.constant 0 : index
    %get3A_14 = arith.constant 0 : index
    %get3A_15 = vector.load %arg5[%get3A_13, %get3A_14] : memref<128x128xf32, #tpu.memory_space<vmem>>, vector<128x128xf32>
    %dot_general3A = arith.constant dense<0.000000e+00> : vector<2048x128xf32>
    %dot_general3A_16 = tpu.matmul %add3A_12, %get3A_15, %dot_general3A {dimension_numbers = #tpu.dot_dimension_numbers<[1], [0], [0], [1], [0, 0, 1, 1], [], []>, precision = #tpu.contract_precision<fp32>, transpose_lhs_hint = false} : vector<2048x128xf32>, vector<128x128xf32>, vector<2048x128xf32> -> vector<2048x128xf32>
    %get3A_17 = arith.constant 0 : index
    %get3A_18 = arith.constant 0 : index
    %get3A_19 = vector.load %arg6[%get3A_17, %get3A_18] : memref<1x128xf32, #tpu.memory_space<vmem>>, vector<1x128xf32>
    %add3A_20 = vector.broadcast %get3A_19 : vector<1x128xf32> to vector<2048x128xf32>
    %add3A_21 = arith.addf %dot_general3A_16, %add3A_20 : vector<2048x128xf32>
    %max3A = arith.constant 0.000000e+00 : f32
    %max3A_22 = vector.broadcast %max3A : f32 to vector<2048x128xf32>
    %max3A_23 = arith.maximumf %add3A_21, %max3A_22 : vector<2048x128xf32>
    %swap3A = arith.constant 0 : index
    %swap3A_24 = arith.constant 0 : index
    %swap3A_25 = vector.load %arg7[%swap3A, %swap3A_24] : memref<2048x128xf32, #tpu.memory_space<vmem>>, vector<2048x128xf32>
    tpu.vector_store %arg7[%swap3A, %swap3A_24], %max3A_23 {strides = array<i32>} : memref<2048x128xf32, #tpu.memory_space<vmem>>, vector<2048x128xf32>,
    return
  }
  func.func @transform_0(%arg0: i32) -> (i32, i32) {
    %c0_i32 = arith.constant 0 : i32
    %c0_i32_0 = arith.constant 0 : i32
    return %arg0, %c0_i32 : i32, i32
  }
  func.func @transform_1(%arg0: i32) -> (i32, i32) {
    %c0_i32 = arith.constant 0 : i32
    %c0_i32_0 = arith.constant 0 : i32
    return %arg0, %c0_i32 : i32, i32
  }
  func.func @transform_2(%arg0: i32) -> (i32, i32) {
    %c0_i32 = arith.constant 0 : i32
    %c0_i32_0 = arith.constant 0 : i32
    return %arg0, %c0_i32 : i32, i32
  }
  func.func @transform_3(%arg0: i32) -> (i32, i32) {
    %c0_i32 = arith.constant 0 : i32
    %c0_i32_0 = arith.constant 0 : i32
    return %arg0, %c0_i32 : i32, i32
  }
  func.func @transform_4(%arg0: i32) -> (i32, i32) {
    %c0_i32 = arith.constant 0 : i32
    %c0_i32_0 = arith.constant 0 : i32
    %c0_i32_1 = arith.constant 0 : i32
    return %c0_i32, %c0_i32_0 : i32, i32
  }
  func.func @transform_5(%arg0: i32) -> (i32, i32) {
    %c0_i32 = arith.constant 0 : i32
    %c0_i32_0 = arith.constant 0 : i32
    %c0_i32_1 = arith.constant 0 : i32
    return %c0_i32, %c0_i32_0 : i32, i32
  }
  func.func @transform_6(%arg0: i32) -> (i32, i32) {
    %c0_i32 = arith.constant 0 : i32
    %c0_i32_0 = arith.constant 0 : i32
    return %arg0, %c0_i32 : i32, i32
  }
}

</mosaic_0001>

<sc_bundles>
// kernel: kernel.6.cloned.1.call-start
scs
__scs_entry_jumppad:
0x0: {  	(pc) =	sbr.rel $0x88, $3  }
0x1: {  	(tag) =	ssettag $0x0;
	lr =	simm.s32 $0x1  }
0x2: {  	[smem:$0x3F9D] =	sst lr;
	_ =	strace $0xD0000000  }
0x3: {  	_ = 	snop  }
0x4: {  	_ = 	snop  }
0x5: {  	_ = 	snop  }
0x6: {  	_ = 	snop  }
0x7: {  	_ = 	snop  }
__scs_overlays_trampoline_lowered:
0x8: {  	[smem:$0x3FAC] =	sst s0  }
0x9: {  	[smem:$0x3FAD] =	sst s1  }
0xa: {  	[smem:$0x3FAE] =	sst s2  }
0xb: {  	[smem:$0x3FAF] =	sst s3  }
0xc: {  	[smem:$0x3FB0] =	sst s4  }
0xd: {  	[smem:$0x3FB1] =	sst s5  }
0xe: {  	[smem:$0x3FB2] =	sst s6  }
0xf: {  	[smem:$0x3FB3] =	sst s7  }
0x10: {  	[smem:$0x3FB4] =	sst s8  }
0x11: {  	[smem:$0x3FB5] =	sst s9;
	s0 =	simm.s32 @!p0 $0x0  }
0x12: {  	s1 =	sld [smem:$0x3F9B];
	s0 =	simm.s32 @p0 $0x1  }
0x13: {  	[smem:$0x3FB6] =	sst s0;
	s0 =	simm.s32 @!p1 $0x0  }
0x14: {  	s2 =	sld [smem:$0x3F9A];
	s0 =	simm.s32 @p1 $0x1  }
0x15: {  	[smem:$0x3FB7] =	sst s0;
	s0 =	simm.s32 @!p2 $0x0  }
0x16: {  	s3 =	sld [smem:$0x3FDB];
	s0 =	simm.s32 @p2 $0x1  }
0x17: {  	s4 =	simm.s32 $0x1BF5;
	[smem:$0x3FB9] =	sst s0  }
0x18: {  	s0 =	sld [smem:$0x3F9C];
	_ =	swait.ge [sflag:s4], $0x0  }
0x19: {  	s7 =	sld [smem:$0x3F9D]  }
0x1a: {  	s8 =	sadd.s32 $0xFFFFE003, lr  }
0x1b: {  	s9 =	sadd.s32 $0xFFFFFEF7, lr;
	s5 =	simm.s32 $0xFFFFFFFF;
	p2 =	slt.u32 s8, $0xFFFFF086  }
0x1c: {  	p1 =	slt.u32 s9, $0xF7A;
	s5 =	simm.s32 @!p2 $0x0  }
0x1d: {  	s5 =	simm.s32 @p1 $0x1;
	p0 =	seq.s32 s7, s2  }
0x1e: {  	s7 =	smul.u32 @!p0 $0xF7A, s2;
	p2 =	seq.s32 @!p0 s5, $0x0  }
0x1f: {  	s9 =	smul.u32 $0xF7A, s1;
	s8 =	simm.s32 @!p0 $0x1BF5;
	p2 =	por !p2, p0  }
0x20: {  	[sflag:s8] =	ssyncset.s32 @!p0 $0xFFFFF086;
	s6 =	sadd.s32 @!p0 s3, s7;
	s7 =	simm.s32 @!p0 $0x108  }
0x21: {  	s3 =	sadd.s32 s3, s9;
	s6 =	sadd.s32 @!p0 $0x88, s6;
	s7 =	simm.s32 @p2 $0x1082  }
0x22: {  	[simem:s7], [sflag:s8] =	dma.local @!p0 [hbm:s6], $0xF7A  }
0x23: {  	s9 =	sor.u32 $0xD0000000, s2;
	s6 =	simm.s32 $0x108;
	_ =	swait.ge @!p0 [sflag:s8], $0x0  }
0x24: {  	s3 =	sadd.s32 $0x88, s3;
	s6 =	simm.s32 @!p1 $0x1082;
	[sflag:s4] =	ssyncset.s32 $0xFFFFF086  }
0x25: {  	[simem:s6], [sflag:s4] =	dma.local [hbm:s3], $0xF7A  }
0x26: {  	[smem:$0x3F9D] =	sst s1;
	(tag) =	ssettag s2;
	_ =	strace s9  }
0x27: {  	s1 =	sld [smem:$0x3FAD]  }
0x28: {  	s2 =	sld [smem:$0x3FAE]  }
0x29: {  	s4 =	sld [smem:$0x3FB0]  }
0x2a: {  	p0 =	seq.s32 s5, $0x0;
	s5 =	sld [smem:$0x3FB1]  }
0x2b: {  	s6 =	sld [smem:$0x3FB2]  }
0x2c: {  	s7 =	sld [smem:$0x3FB3]  }
0x2d: {  	s3 =	simm.s32 $0x108;
	s8 =	sld [smem:$0x3FB4]  }
0x2e: {  	s3 =	simm.s32 @!p0 $0x1082;
	s9 =	sld [smem:$0x3FB5]  }
0x2f: {  	lr =	sadd.s32 s0, s3;
	s0 =	sld [smem:$0x3FAC]  }
0x30: {  	s3 =	sld [smem:$0x3FAF]  }
0x31: {  	[smem:$0x3FB8] =	sst s10  }
0x32: {  	s10 =	sld [smem:$0x3FB6];
	_ =	sdelay $0x3  }
0x33: {  	p0 =	seq.s32 s10, $0x1;
	s10 =	sld [smem:$0x3FB8];
	_ =	sdelay $0x3  }
0x34: {  	[smem:$0x3FB8] =	sst s10  }
0x35: {  	s10 =	sld [smem:$0x3FB7];
	_ =	sdelay $0x3  }
0x36: {  	p1 =	seq.s32 s10, $0x1;
	s10 =	sld [smem:$0x3FB8];
	_ =	sdelay $0x3  }
0x37: {  	[smem:$0x3FB8] =	sst s10  }
0x38: {  	s10 =	sld [smem:$0x3FB9]  }
0x39: {  	_ = 	snop;
	(pc) =	sbr.ind lr, $3  }
0x3a: {  	_ = 	snop  }
0x3b: {  	_ = 	snop  }
0x3c: {  	p2 =	seq.s32 s10, $0x1;
	s10 =	sld [smem:$0x3FB8]  }
0x3d: {  	_ =	shalt  }
0x3e: {  	_ =	shalt  }
0x3f: {  	_ =	shalt  }
0x40: {  	_ =	shalt  }
0x41: {  	_ =	shalt  }
0x42: {  	_ =	shalt  }
0x43: {  	_ =	shalt  }
0x44: {  	_ =	shalt  }
0x45: {  	_ =	shalt  }
0x46: {  	_ =	shalt  }
0x47: {  	_ =	shalt  }
0x48: {  	_ =	shalt  }
0x49: {  	_ =	shalt  }
0x4a: {  	_ =	shalt  }
0x4b: {  	_ =	shalt  }
0x4c: {  	_ =	shalt  }
0x4d: {  	_ =	shalt  }
0x4e: {  	_ =	shalt  }
0x4f: {  	_ =	shalt  }
0x50: {  	_ =	shalt  }
0x51: {  	_ =	shalt  }
0x52: {  	_ =	shalt  }
0x53: {  	_ =	shalt  }
0x54: {  	_ =	shalt  }
0x55: {  	_ =	shalt  }
0x56: {  	_ =	shalt  }
0x57: {  	_ =	shalt  }
0x58: {  	_ =	shalt  }
0x59: {  	_ =	shalt  }
0x5a: {  	_ =	shalt  }
0x5b: {  	_ =	shalt  }
0x5c: {  	_ =	shalt  }
0x5d: {  	_ =	shalt  }
0x5e: {  	_ =	shalt  }
0x5f: {  	_ =	shalt  }
0x60: {  	_ =	shalt  }
0x61: {  	_ =	shalt  }
0x62: {  	_ =	shalt  }
0x63: {  	_ =	shalt  }
0x64: {  	_ =	shalt  }
0x65: {  	_ =	shalt  }
0x66: {  	_ =	shalt  }
0x67: {  	_ =	shalt  }
0x68: {  	_ =	shalt  }
0x69: {  	_ =	shalt  }
0x6a: {  	_ =	shalt  }
0x6b: {  	_ =	shalt  }
0x6c: {  	_ =	shalt  }
0x6d: {  	_ =	shalt  }
0x6e: {  	_ =	shalt  }
0x6f: {  	_ =	shalt  }
0x70: {  	_ =	shalt  }
0x71: {  	_ =	shalt  }
0x72: {  	_ =	shalt  }
0x73: {  	_ =	shalt  }
0x74: {  	_ =	shalt  }
0x75: {  	_ =	shalt  }
0x76: {  	_ =	shalt  }
0x77: {  	_ =	shalt  }
0x78: {  	_ =	shalt  }
0x79: {  	_ =	shalt  }
0x7a: {  	_ =	shalt  }
0x7b: {  	_ =	shalt  }
0x7c: {  	_ =	shalt  }
0x7d: {  	_ =	shalt  }
0x7e: {  	_ =	shalt  }
0x7f: {  	_ =	shalt  }
0x80: {  	_ =	shalt  }
0x81: {  	_ =	shalt  }
0x82: {  	_ =	shalt  }
0x83: {  	_ =	shalt  }
0x84: {  	_ =	shalt  }
0x85: {  	_ =	shalt  }
0x86: {  	_ =	shalt  }
0x87: {  	_ =	shalt  }
.Lfunc_end0:
.L_simem_size_0:
called_computation_lowered:
.L_overlay_start_0:
0x88: {  	s2 =	sld [smem:$0x3FD9]  }
0x89: {  	s3 =	sld [smem:$0x3FFE];
	_ =	sdelay $0x1  }
0x8a: {  	s1 =	srdreg.scid  }
0x8b: {  	s0 =	sand.u32 $0x1, s1  }
0x8c: {  	s16 =	sshll.u32 s0, $0xA;
	s2 =	sadd.s32 s3, s2  }
0x8d: {  	s2 =	sadd.s32 s2, s16  }
0x8e: {  	[smem:$0x3FC4] =	sst s2  }
0x8f: {  	_ = 	snop  }
0x90: {  	(tm) =	ssettm $0x1  }
0x91: {  	s17 =	sld [smem:$0x3FFB];
	_ =	sdelay $0x3  }
0x92: {  	_ =	strace s17  }
0x93: {  	s2 =	sld [smem:$0x3FFC];
	_ =	sdelay $0x3  }
0x94: {  	_ =	strace s2  }
0x95: {  	s2 =	sld [smem:$0x3FFD];
	_ =	sdelay $0x3  }
0x96: {  	_ =	strace s2  }
0x97: {  	_ =	strace $0x8FFFFFFF  }
0x98: {  	s18 =	sld [smem:$0x3FDB];
	_ =	sdelay $0x1  }
0x99: {  	s19 =	simm.s32 $_scs_section_size  }
0x9a: {  	s4 =	simm.s32 $_size__tile_overlayer_lowered;
	s5 =	simm.s32 $_tile_overlayer_lowered  }
0x9b: {  	s22 =	simm.s32 $0x1BFF;
	s21 =	sshll.u32 s5, $0x1;
	s2 =	sadd.s32 s19, s18  }
0x9c: {  	s6 =	simm.s32 $0x0;
	s20 =	sshll.u32 s4, $0x1;
	s4 =	sadd.s32 s21, s2  }
0x9d: {  	[timem:s6], [sflag:s22] =	dma.local [hbm:s4], s20  }
0x9e: {  	_ =	swait.ge [sflag:s22], s20  }
0x9f: {  	s3 =	ssub.s32 $0x0, s20;
	[sflag:s22] =	ssyncset.done $0x0  }
0xa0: {  	[sflag:s22] =	ssyncadd.s32 s3;
	_ =	sdelay $0x1  }
0xa1: {  	s23 =	simm.s32 $0x1B8B  }
0xa2: {  	_ =	swait.ge [sflag:s23], $0x1  }
0xa3: {  	[sflag:s23] =	ssyncset.done $0x0  }
0xa4: {  	s25 =	simm.s32 $0x1B8E;
	s24 =	sld [smem:$0x3FFE];
	[sflag:s23] =	ssyncadd.s32 $0xFFFFFFFF  }
0xa5: {  	s26 =	simm.s32 $execute0_lowered;
	[smem:$0x3FD2] =	sst s25  }
0xa6: {  	s4 =	sshll.u32 s26, $0x1;
	_ =	strace $0x80000046;
	[dreg:$0x1] =	wrdreg $0xFFFFFFFF  }
0xa7: {  	s28 =	simm.s32 $_size_execute0_lowered;
	s2 =	sadd.s32 s2, s4;
	[dreg:$0x0] =	wrdreg $0x0  }
0xa8: {  	s4 =	sshll.u32 s28, $0x1;
	[dreg:$0x2] =	wrdreg s2  }
0xa9: {  	[dreg:$0x3] =	wrdreg s4  }
0xaa: {  	[dreg:$0x4] =	wrdreg $0xC0  }
0xab: {  	_ =	task [dreg:s6], $0x5FFFF  }
0xac: {  	[dreg:$0x1] =	wrdreg $0xFFFFFFFF  }
0xad: {  	[dreg:$0x0] =	wrdreg $0x60  }
0xae: {  	[dreg:$0x2] =	wrdreg s24  }
0xaf: {  	[dreg:$0x3] =	wrdreg $0x2B000  }
0xb0: {  	[dreg:$0x4] =	wrdreg $0x9  }
0xb1: {  	_ =	task.clear_ibuf [dreg:s6], $0x5FFFF;
	_ =	strace $0x90000046  }
0xb2: {  	s29 =	simm.s32 $0x9;
	_ =	strace $0x80000048  }
0xb3: {  	_ =	swait.ge [sflag:s29], $0x1  }
0xb4: {  	[sflag:s29] =	ssyncadd.s32 $0xFFFFFFFF  }
0xb5: {  	_ =	strace $0x90000048  }
0xb6: {  	_ =	sfence  }
0xb7: {  	s30 =	sld [smem:$0x0];
	_ =	sdelay $0x2  }
0xb8: {  	s31 =	sshll.u32 s1, $0xD;
	s1 =	sshrl.u32 s1, $0x2  }
0xb9: {  	s3 =	sand.u32 $0x4000, s31;
	s1 =	sadd.s32 s1, s30  }
0xba: {  	s0 =	sor.u32 s3, s0;
	s1 =	sshll.u32 s1, $0x11  }
0xbb: {  	s0 =	sor.u32 s1, s0  }
0xbc: {  	s0 =	sadd.s32 $0x8F2B, s0  }
0xbd: {  	[sflag:s0] =	ssyncadd.remote.s32 $0x1  }
0xbe: {  	_ =	sfence.sel $0xFFFF  }
0xbf: {  	[dreg:$0x0] =	wrdreg $0xFFFFFFFF;
	(pc) =	sbr.abs _section_cstart, $3  }
0xc0: {  	[dreg:$0x1] =	wrdreg $0xFFFFFFFF  }
0xc1: {  	_ =	task.clear_ibuf [dreg:s6], $0x2FFFF;
	_ =	strace $0x9FFFFFFF  }
0xc2: {  	(tm) =	ssettm $0x7FFFFFFF  }
0xc3: {  	_ =	shalt  }
tec
execute0_lowered:
.L_overlay_start_1:
0x0: {  	(tag) =	ssettag $0x1  }
0x1: {  	s4 =	rddreg [dreg:$0x0]  }
0x2: {  	s2 =	rddreg [dreg:$0x1];
	s3 =	srdreg.scid  }
0x3: {  	s0 =	rddreg [dreg:$0x2];
	s1 =	stileid.u32;
	s10 =	simm.s32 $0x80  }
0x4: {  	s11 =	simm.s32 $0x2800;
	s12 =	simm.s32 $0x100;
	s13 =	simm.s32 $0x0  }
0x5: {  	s5 =	sand.u32 $0x1, s3;
	s3 =	simm.s32 $0x0;
	s7 =	smul.u32 $0x500, s1  }
0x6: {  	s29 =	smul.u32 $0xA00, s1;
	s6 =	sshll.u32 s5, $0x4;
	[smem:$0x7FF] =	sst s3  }
0x7: {  	s8 =	sshll.u32 s5, $0x7;
	s5 =	ssub.s32 $0x2, s5;
	s6 =	sor.u32 s1, s6  }
0x8: {  	_ =	strace $0x80000047;
	s7 =	sor.u32 s8, s7;
	s6 =	smul.u32 $0x500, s6  }
0x9: {  	s30 =	sshrl.u32 s5, $0x1;
	s31 =	sshrl.u32 s29, $0x2;
	s8 =	simm.s32 $0x1  }
0xa: {  	s7 =	sshrl.u32 s7, $0x3;
	s9 =	ssub.s32 s5, s30;
	s6 =	sadd.s32 s6, s4  }
0xb: {  	s5 =	sadd.s32 s31, s2;
	s7 =	sadd.s32 s7, s4;
	s4 =	sadd.s32 $0x1800, s6  }
0xc: {  	v0 =	vimm.f32 $1.000000000e+00;
	v1 =	vimm.f32 $0.0e+00;
	s6 =	sadd.s32 $0xB800, s7;
	s7 =	smax.u32 s9, $0x1;
	s9 =	simm.s32 $0x2880  }
.LBB2_1:
0xd: {  	[tilespmem:s3], [sflag:$0x1] =	stream.linear.gather [hbm4b:s4+s3], $0x2800, $0x38;
	[tilespmem:$0x2D80] =	vst v63  }
0xe: {  	_ =	swait.ge [sflag:s8], $0x2800  }
0xf: {  	[sflag:s8] =	ssyncset.done $0x0  }
0x10: {  	[sflag:s8] =	ssyncadd.s32 $0xFFFFD800  }
0x11: {  	[tilespmem:$0x2800] =	vst v0  }
0x12: {  	[tilespmem:$0x2810] =	vst v0  }
0x13: {  	[tilespmem:$0x2820] =	vst v0  }
0x14: {  	[tilespmem:$0x2830] =	vst v0  }
0x15: {  	[tilespmem:$0x2840] =	vst v0  }
0x16: {  	[tilespmem:$0x2850] =	vst v0  }
0x17: {  	[tilespmem:$0x2860] =	vst v0  }
0x18: {  	[tilespmem:$0x2870] =	vst v0  }
0x19: {  	[tilespmem:$0x2880] =	vst v1  }
0x1a: {  	[tilespmem:$0x2890] =	vst v1  }
0x1b: {  	[tilespmem:$0x28A0] =	vst v1  }
0x1c: {  	[tilespmem:$0x28B0] =	vst v1  }
0x1d: {  	[tilespmem:$0x28C0] =	vst v1  }
0x1e: {  	[tilespmem:$0x28D0] =	vst v1  }
0x1f: {  	[tilespmem:$0x28E0] =	vst v1  }
0x20: {  	[tilespmem:$0x28F0] =	vst v1  }
0x21: {  	[tilespmem:$0x2900] =	vst v1  }
0x22: {  	[tilespmem:$0x2910] =	vst v1  }
0x23: {  	[tilespmem:$0x2920] =	vst v1  }
0x24: {  	[tilespmem:$0x2930] =	vst v1  }
0x25: {  	[tilespmem:$0x2940] =	vst v1  }
0x26: {  	[tilespmem:$0x2950] =	vst v1  }
0x27: {  	[tilespmem:$0x2960] =	vst v1  }
0x28: {  	[tilespmem:$0x2970] =	vst v1  }
0x29: {  	[tilespmem:$0x2980] =	vst v1  }
0x2a: {  	[tilespmem:$0x2990] =	vst v1  }
0x2b: {  	[tilespmem:$0x29A0] =	vst v1  }
0x2c: {  	[tilespmem:$0x29B0] =	vst v1  }
0x2d: {  	[tilespmem:$0x29C0] =	vst v1  }
0x2e: {  	[tilespmem:$0x29D0] =	vst v1  }
0x2f: {  	[tilespmem:$0x29E0] =	vst v1  }
0x30: {  	[tilespmem:$0x29F0] =	vst v1  }
0x31: {  	[tilespmem:$0x2A00] =	vst v1  }
0x32: {  	[tilespmem:$0x2A10] =	vst v1  }
0x33: {  	[tilespmem:$0x2A20] =	vst v1  }
0x34: {  	[tilespmem:$0x2A30] =	vst v1  }
0x35: {  	[tilespmem:$0x2A40] =	vst v1  }
0x36: {  	[tilespmem:$0x2A50] =	vst v1  }
0x37: {  	[tilespmem:$0x2A60] =	vst v1  }
0x38: {  	[tilespmem:$0x2A70] =	vst v1  }
0x39: {  	[tilespmem:$0x2A80] =	vst v1  }
0x3a: {  	[tilespmem:$0x2A90] =	vst v1  }
0x3b: {  	[tilespmem:$0x2AA0] =	vst v1  }
0x3c: {  	[tilespmem:$0x2AB0] =	vst v1  }
0x3d: {  	[tilespmem:$0x2AC0] =	vst v1  }
0x3e: {  	[tilespmem:$0x2AD0] =	vst v1  }
0x3f: {  	[tilespmem:$0x2AE0] =	vst v1  }
0x40: {  	[tilespmem:$0x2AF0] =	vst v1  }
0x41: {  	[spmem:s5] =	stream.linear.scatter [tilespmem:s9], [sflag:$0x1], $0x280, $0x38;
	[tilespmem:$0x2D80] =	vst v63  }
0x42: {  	_ =	swait.ge [sflag:s8], $0x280  }
0x43: {  	[sflag:s8] =	ssyncset.done $0x0  }
0x44: {  	[sflag:s8] =	ssyncadd.s32 $0xFFFFFD80  }
0x45: {  	s14 =	simm.s32 $0x0;
	[bflag:$0x0] =	sbarrier.arrive $0xFFFF  }
0x46: {  	[spmem:s2] =	stream.indirect.scatter.add.f32 [tilespmem:s11], [sflag:$0x1], $0x1, s14, s10, $0xb8;
	[tilespmem:$0x2D80] =	vst v63  }
0x47: {  	_ =	swait.ge [sflag:s8], $0x80  }
0x48: {  	s14 =	simm.s32 $0x200;
	[sflag:s8] =	ssyncset.done $0x0  }
.LBB2_2:
0x49: {  	s15 =	sshra.s32 s14, $0x2;
	[sflag:s8] =	ssyncadd.s32 $0xFFFFFF80;
	p0 =	sne.s32 s14, $0x9E00  }
0x4a: {  	[spmem:s2] =	stream.indirect.scatter.add.f32 [tilespmem:s11], [sflag:$0x1], $0x1, s15, s10, $0xb8;
	[tilespmem:$0x2D80] =	vst v63  }
.Ltmp0:
0x4b: {  	_ = 	snop;
	(pc) =	sbr.rel @p0 .LBB2_2-.Ltmp0, $4  }
0x4c: {  	_ = 	snop  }
0x4d: {  	s14 =	sadd.s32 $0x200, s14  }
0x4e: {  	_ =	swait.ge [sflag:s8], $0x80  }
0x4f: {  	[sflag:s8] =	ssyncset.done $0x0  }
0x50: {  	[sflag:s8] =	ssyncadd.s32 $0xFFFFFF80  }
0x51: {  	[bflag:$0x0] =	sbarrier.arrive $0xFFFF  }
0x52: {  	[tilespmem:s9], [sflag:$0x1] =	stream.linear.gather [spmem:s5], $0x280, $0x38;
	[tilespmem:$0x2D80] =	vst v63  }
0x53: {  	s13 =	sadd.s32 $0x1, s13;
	_ =	swait.ge [sflag:s8], $0x280  }
0x54: {  	p0 =	sne.s32 s13, s7;
	[sflag:s8] =	ssyncset.done $0x0  }
.Ltmp1:
0x55: {  	[sflag:s8] =	ssyncadd.s32 $0xFFFFFD80;
	(pc) =	sbr.rel @p0 .LBB2_1-.Ltmp1, $4  }
0x56: {  	[hbm4b:s6+s10] =	stream.strided.scatter [tilespmem:s9], [sflag:$0x1], $0x280, s12, s10, $0x38;
	[tilespmem:$0x2D80] =	vst v63  }
0x57: {  	_ =	swait.ge [sflag:s8], $0x280  }
0x58: {  	[sflag:s8] =	ssyncset.done $0x0  }
0x59: {  	[sflag:s8] =	ssyncadd.s32 $0xFFFFFD80  }
0x5a: {  	_ =	sfence.sel $0x180000  }
0x5b: {  	[bflag:$0x0] =	sbarrier.arrive $0xFFFF  }
0x5c: {  	p0 =	sne.s32 s1, $0x0;
	_ =	strace $0x90000047  }
0x5d: {  	s0 =	sadd.s32 @!p0 $0x100000, s0;
	[bflag:$0x2] =	sbarrier.arrive $0xFFFF  }
0x5e: {  	[sflag:s0] =	ssyncadd.tile.s32 @!p0 $0x1;
	_ =	shalt  }
.Lfunc_end2:
_tile_overlayer_lowered:
.L_overlay_start_2:
0x5f: {  	(tag) =	ssettag $0x2  }
0x60: {  	s0 =	rddreg [dreg:$0x0];
	s2 =	stileid.u32  }
0x61: {  	s1 =	rddreg [dreg:$0x1];
	p0 =	sne.s32 s2, $0x0  }
0x62: {  	s3 =	rddreg [dreg:$0x2];
	[bflag:$0x3] =	sbarrier.arrive $0xFFFF;
	s2 =	simm.s32 @!p0 $0x1C01  }
0x63: {  	[timem:s3], [sflag:s2] =	dma.local @!p0 [hbm:s0], s1  }
0x64: {  	s0 =	simm.s32 @!p0 $0x1  }
0x65: {  	_ =	swait.ge @!p0 [sflag:s0], s1  }
0x66: {  	s1 =	ssub.s32 @!p0 $0x0, s1;
	[sflag:s0] =	ssyncset.done @!p0 $0x0  }
0x67: {  	[sflag:s0] =	ssyncadd.s32 @!p0 s1  }
0x68: {  	[bflag:$0x3] =	sbarrier.arrive $0xFFFF  }
0x69: {  	_ =	shalt  }

// kernel: kernel.9.cloned.1.call-start
scs
__scs_entry_jumppad:
0x0: {  	(pc) =	sbr.rel $0x88, $3  }
0x1: {  	(tag) =	ssettag $0x0;
	lr =	simm.s32 $0x1  }
0x2: {  	[smem:$0x3F9D] =	sst lr;
	_ =	strace $0xD0000000  }
0x3: {  	_ = 	snop  }
0x4: {  	_ = 	snop  }
0x5: {  	_ = 	snop  }
0x6: {  	_ = 	snop  }
0x7: {  	_ = 	snop  }
__scs_overlays_trampoline_lowered:
0x8: {  	[smem:$0x3FAC] =	sst s0  }
0x9: {  	[smem:$0x3FAD] =	sst s1  }
0xa: {  	[smem:$0x3FAE] =	sst s2  }
0xb: {  	[smem:$0x3FAF] =	sst s3  }
0xc: {  	[smem:$0x3FB0] =	sst s4  }
0xd: {  	[smem:$0x3FB1] =	sst s5  }
0xe: {  	[smem:$0x3FB2] =	sst s6  }
0xf: {  	[smem:$0x3FB3] =	sst s7  }
0x10: {  	[smem:$0x3FB4] =	sst s8  }
0x11: {  	[smem:$0x3FB5] =	sst s9;
	s0 =	simm.s32 @!p0 $0x0  }
0x12: {  	s1 =	sld [smem:$0x3F9B];
	s0 =	simm.s32 @p0 $0x1  }
0x13: {  	[smem:$0x3FB6] =	sst s0;
	s0 =	simm.s32 @!p1 $0x0  }
0x14: {  	s2 =	sld [smem:$0x3F9A];
	s0 =	simm.s32 @p1 $0x1  }
0x15: {  	[smem:$0x3FB7] =	sst s0;
	s0 =	simm.s32 @!p2 $0x0  }
0x16: {  	s3 =	sld [smem:$0x3FDB];
	s0 =	simm.s32 @p2 $0x1  }
0x17: {  	s4 =	simm.s32 $0x1BF5;
	[smem:$0x3FB9] =	sst s0  }
0x18: {  	s0 =	sld [smem:$0x3F9C];
	_ =	swait.ge [sflag:s4], $0x0  }
0x19: {  	s7 =	sld [smem:$0x3F9D]  }
0x1a: {  	s8 =	sadd.s32 $0xFFFFE003, lr  }
0x1b: {  	s9 =	sadd.s32 $0xFFFFFEF7, lr;
	s5 =	simm.s32 $0xFFFFFFFF;
	p2 =	slt.u32 s8, $0xFFFFF086  }
0x1c: {  	p1 =	slt.u32 s9, $0xF7A;
	s5 =	simm.s32 @!p2 $0x0  }
0x1d: {  	s5 =	simm.s32 @p1 $0x1;
	p0 =	seq.s32 s7, s2  }
0x1e: {  	s7 =	smul.u32 @!p0 $0xF7A, s2;
	p2 =	seq.s32 @!p0 s5, $0x0  }
0x1f: {  	s9 =	smul.u32 $0xF7A, s1;
	s8 =	simm.s32 @!p0 $0x1BF5;
	p2 =	por !p2, p0  }
0x20: {  	[sflag:s8] =	ssyncset.s32 @!p0 $0xFFFFF086;
	s6 =	sadd.s32 @!p0 s3, s7;
	s7 =	simm.s32 @!p0 $0x108  }
0x21: {  	s3 =	sadd.s32 s3, s9;
	s6 =	sadd.s32 @!p0 $0x88, s6;
	s7 =	simm.s32 @p2 $0x1082  }
0x22: {  	[simem:s7], [sflag:s8] =	dma.local @!p0 [hbm:s6], $0xF7A  }
0x23: {  	s9 =	sor.u32 $0xD0000000, s2;
	s6 =	simm.s32 $0x108;
	_ =	swait.ge @!p0 [sflag:s8], $0x0  }
0x24: {  	s3 =	sadd.s32 $0x88, s3;
	s6 =	simm.s32 @!p1 $0x1082;
	[sflag:s4] =	ssyncset.s32 $0xFFFFF086  }
0x25: {  	[simem:s6], [sflag:s4] =	dma.local [hbm:s3], $0xF7A  }
0x26: {  	[smem:$0x3F9D] =	sst s1;
	(tag) =	ssettag s2;
	_ =	strace s9  }
0x27: {  	s1 =	sld [smem:$0x3FAD]  }
0x28: {  	s2 =	sld [smem:$0x3FAE]  }
0x29: {  	s4 =	sld [smem:$0x3FB0]  }
0x2a: {  	p0 =	seq.s32 s5, $0x0;
	s5 =	sld [smem:$0x3FB1]  }
0x2b: {  	s6 =	sld [smem:$0x3FB2]  }
0x2c: {  	s7 =	sld [smem:$0x3FB3]  }
0x2d: {  	s3 =	simm.s32 $0x108;
	s8 =	sld [smem:$0x3FB4]  }
0x2e: {  	s3 =	simm.s32 @!p0 $0x1082;
	s9 =	sld [smem:$0x3FB5]  }
0x2f: {  	lr =	sadd.s32 s0, s3;
	s0 =	sld [smem:$0x3FAC]  }
0x30: {  	s3 =	sld [smem:$0x3FAF]  }
0x31: {  	[smem:$0x3FB8] =	sst s10  }
0x32: {  	s10 =	sld [smem:$0x3FB6];
	_ =	sdelay $0x3  }
0x33: {  	p0 =	seq.s32 s10, $0x1;
	s10 =	sld [smem:$0x3FB8];
	_ =	sdelay $0x3  }
0x34: {  	[smem:$0x3FB8] =	sst s10  }
0x35: {  	s10 =	sld [smem:$0x3FB7];
	_ =	sdelay $0x3  }
0x36: {  	p1 =	seq.s32 s10, $0x1;
	s10 =	sld [smem:$0x3FB8];
	_ =	sdelay $0x3  }
0x37: {  	[smem:$0x3FB8] =	sst s10  }
0x38: {  	s10 =	sld [smem:$0x3FB9]  }
0x39: {  	_ = 	snop;
	(pc) =	sbr.ind lr, $3  }
0x3a: {  	_ = 	snop  }
0x3b: {  	_ = 	snop  }
0x3c: {  	p2 =	seq.s32 s10, $0x1;
	s10 =	sld [smem:$0x3FB8]  }
0x3d: {  	_ =	shalt  }
0x3e: {  	_ =	shalt  }
0x3f: {  	_ =	shalt  }
0x40: {  	_ =	shalt  }
0x41: {  	_ =	shalt  }
0x42: {  	_ =	shalt  }
0x43: {  	_ =	shalt  }
0x44: {  	_ =	shalt  }
0x45: {  	_ =	shalt  }
0x46: {  	_ =	shalt  }
0x47: {  	_ =	shalt  }
0x48: {  	_ =	shalt  }
0x49: {  	_ =	shalt  }
0x4a: {  	_ =	shalt  }
0x4b: {  	_ =	shalt  }
0x4c: {  	_ =	shalt  }
0x4d: {  	_ =	shalt  }
0x4e: {  	_ =	shalt  }
0x4f: {  	_ =	shalt  }
0x50: {  	_ =	shalt  }
0x51: {  	_ =	shalt  }
0x52: {  	_ =	shalt  }
0x53: {  	_ =	shalt  }
0x54: {  	_ =	shalt  }
0x55: {  	_ =	shalt  }
0x56: {  	_ =	shalt  }
0x57: {  	_ =	shalt  }
0x58: {  	_ =	shalt  }
0x59: {  	_ =	shalt  }
0x5a: {  	_ =	shalt  }
0x5b: {  	_ =	shalt  }
0x5c: {  	_ =	shalt  }
0x5d: {  	_ =	shalt  }
0x5e: {  	_ =	shalt  }
0x5f: {  	_ =	shalt  }
0x60: {  	_ =	shalt  }
0x61: {  	_ =	shalt  }
0x62: {  	_ =	shalt  }
0x63: {  	_ =	shalt  }
0x64: {  	_ =	shalt  }
0x65: {  	_ =	shalt  }
0x66: {  	_ =	shalt  }
0x67: {  	_ =	shalt  }
0x68: {  	_ =	shalt  }
0x69: {  	_ =	shalt  }
0x6a: {  	_ =	shalt  }
0x6b: {  	_ =	shalt  }
0x6c: {  	_ =	shalt  }
0x6d: {  	_ =	shalt  }
0x6e: {  	_ =	shalt  }
0x6f: {  	_ =	shalt  }
0x70: {  	_ =	shalt  }
0x71: {  	_ =	shalt  }
0x72: {  	_ =	shalt  }
0x73: {  	_ =	shalt  }
0x74: {  	_ =	shalt  }
0x75: {  	_ =	shalt  }
0x76: {  	_ =	shalt  }
0x77: {  	_ =	shalt  }
0x78: {  	_ =	shalt  }
0x79: {  	_ =	shalt  }
0x7a: {  	_ =	shalt  }
0x7b: {  	_ =	shalt  }
0x7c: {  	_ =	shalt  }
0x7d: {  	_ =	shalt  }
0x7e: {  	_ =	shalt  }
0x7f: {  	_ =	shalt  }
0x80: {  	_ =	shalt  }
0x81: {  	_ =	shalt  }
0x82: {  	_ =	shalt  }
0x83: {  	_ =	shalt  }
0x84: {  	_ =	shalt  }
0x85: {  	_ =	shalt  }
0x86: {  	_ =	shalt  }
0x87: {  	_ =	shalt  }
.Lfunc_end0:
.L_simem_size_0:
called_computation.1_lowered:
.L_overlay_start_0:
0x88: {  	s2 =	sld [smem:$0x3FD9]  }
0x89: {  	s3 =	sld [smem:$0x3FFE];
	_ =	sdelay $0x1  }
0x8a: {  	s1 =	srdreg.scid  }
0x8b: {  	s0 =	sand.u32 $0x1, s1  }
0x8c: {  	s17 =	sshll.u32 s0, $0xA;
	s2 =	sadd.s32 s3, s2  }
0x8d: {  	s2 =	sadd.s32 s2, s17  }
0x8e: {  	[smem:$0x3FC4] =	sst s2  }
0x8f: {  	_ = 	snop  }
0x90: {  	s2 =	sld [smem:$0x3FD0];
	(tm) =	ssettm $0x1  }
0x91: {  	s18 =	sld [smem:$0x3FFB];
	_ =	sdelay $0x3  }
0x92: {  	_ =	strace s18  }
0x93: {  	s3 =	sld [smem:$0x3FFC];
	_ =	sdelay $0x3  }
0x94: {  	_ =	strace s3  }
0x95: {  	s3 =	sld [smem:$0x3FFD];
	_ =	sdelay $0x3  }
0x96: {  	_ =	strace s3  }
0x97: {  	_ =	strace $0x8FFFFFFF  }
0x98: {  	s19 =	sld [smem:$0x3FDB];
	_ =	sdelay $0x1  }
0x99: {  	s4 =	simm.s32 $_scs_section_size  }
0x9a: {  	s5 =	simm.s32 $_size__tile_overlayer_lowered;
	s6 =	simm.s32 $_tile_overlayer_lowered  }
0x9b: {  	s22 =	simm.s32 $0x1BFF;
	s21 =	sshll.u32 s6, $0x1;
	s3 =	sadd.s32 s4, s19  }
0x9c: {  	s7 =	simm.s32 $0x0;
	s20 =	sshll.u32 s5, $0x1;
	s5 =	sadd.s32 s21, s3  }
0x9d: {  	[timem:s7], [sflag:s22] =	dma.local [hbm:s5], s20  }
0x9e: {  	_ =	swait.ge [sflag:s22], s20  }
0x9f: {  	s4 =	ssub.s32 $0x0, s20;
	[sflag:s22] =	ssyncset.done $0x0  }
0xa0: {  	[sflag:s22] =	ssyncadd.s32 s4;
	_ =	sdelay $0x1  }
0xa1: {  	s23 =	simm.s32 $0x1B8B  }
0xa2: {  	_ =	swait.ge [sflag:s23], $0x1  }
0xa3: {  	[sflag:s23] =	ssyncset.done $0x0  }
0xa4: {  	s25 =	simm.s32 $0x1B8E;
	s24 =	sld [smem:$0x3FFE];
	[sflag:s23] =	ssyncadd.s32 $0xFFFFFFFF  }
0xa5: {  	s26 =	simm.s32 $execute0_lowered;
	[smem:$0x3FD2] =	sst s25  }
0xa6: {  	s5 =	sshll.u32 s26, $0x1;
	_ =	strace $0x80000049;
	[dreg:$0x1] =	wrdreg $0xFFFFFFFF  }
0xa7: {  	s28 =	simm.s32 $_size_execute0_lowered;
	s3 =	sadd.s32 s3, s5;
	[dreg:$0x0] =	wrdreg $0x0  }
0xa8: {  	s5 =	sshll.u32 s28, $0x1;
	[dreg:$0x2] =	wrdreg s3  }
0xa9: {  	[dreg:$0x3] =	wrdreg s5  }
0xaa: {  	[dreg:$0x4] =	wrdreg $0xC0  }
0xab: {  	_ =	task [dreg:s7], $0x5FFFF  }
0xac: {  	[dreg:$0x1] =	wrdreg $0xFFFFFFFF  }
0xad: {  	[dreg:$0x0] =	wrdreg $0x60  }
0xae: {  	[dreg:$0x2] =	wrdreg s24  }
0xaf: {  	[dreg:$0x3] =	wrdreg s2  }
0xb0: {  	[dreg:$0x4] =	wrdreg $0xAC000  }
0xb1: {  	[dreg:$0x5] =	wrdreg $0x9  }
0xb2: {  	_ =	task.clear_ibuf [dreg:s7], $0x6FFFF;
	_ =	strace $0x90000049  }
0xb3: {  	s29 =	simm.s32 $0x9;
	_ =	strace $0x8000004B  }
0xb4: {  	_ =	swait.ge [sflag:s29], $0x1  }
0xb5: {  	[sflag:s29] =	ssyncadd.s32 $0xFFFFFFFF  }
0xb6: {  	_ =	strace $0x9000004B  }
0xb7: {  	_ =	sfence  }
0xb8: {  	s30 =	sld [smem:$0x0];
	_ =	sdelay $0x2  }
0xb9: {  	s31 =	sshll.u32 s1, $0xD;
	s1 =	sshrl.u32 s1, $0x2  }
0xba: {  	s3 =	sand.u32 $0x4000, s31;
	s1 =	sadd.s32 s1, s30  }
0xbb: {  	s0 =	sor.u32 s3, s0;
	s1 =	sshll.u32 s1, $0x11  }
0xbc: {  	s0 =	sor.u32 s1, s0  }
0xbd: {  	s0 =	sadd.s32 $0x8F2B, s0  }
0xbe: {  	[sflag:s0] =	ssyncadd.remote.s32 $0x1  }
0xbf: {  	_ =	sfence.sel $0xFFFF  }
0xc0: {  	[dreg:$0x0] =	wrdreg $0xFFFFFFFF;
	(pc) =	sbr.abs _section_cstart, $3  }
0xc1: {  	[dreg:$0x1] =	wrdreg $0xFFFFFFFF  }
0xc2: {  	_ =	task.clear_ibuf [dreg:s7], $0x2FFFF;
	_ =	strace $0x9FFFFFFF  }
0xc3: {  	(tm) =	ssettm $0x7FFFFFFF  }
tec
execute0_lowered:
.L_overlay_start_1:
0x0: {  	(tag) =	ssettag $0x1  }
0x1: {  	s0 =	rddreg [dreg:$0x0]  }
0x2: {  	s1 =	rddreg [dreg:$0x1]  }
0x3: {  	s25 =	simm.s32 $0x0;
	s2 =	srdreg.scid;
	s20 =	stileid.u32  }
0x4: {  	[smem:$0x7FF] =	sst s25;
	s4 =	sand.u32 $0x1, s2;
	s6 =	smul.u32 $0x900, s20  }
0x5: {  	s2 =	simm.s32 $0x120;
	s5 =	sadd.s32 $0x51C00, s0;
	s7 =	smul.u32 $0x14000, s20  }
0x6: {  	s10 =	sshll.u32 s20, $0x8;
	p0 =	seq.s32 s4, $0x0;
	s3 =	ssub.s32 $0x2, s4  }
0x7: {  	s14 =	smul.u32 $0x140000, s4;
	s2 =	simm.s32 @!p0 $0x20;
	s9 =	sshrl.u32 s3, $0x1  }
0x8: {  	s12 =	sadd.s32 $0x8000, s7;
	s13 =	sadd.s32 $0xA000, s7;
	s15 =	sadd.s32 $0xC000, s7  }
0x9: {  	s17 =	sadd.s32 $0xE000, s7;
	s18 =	sadd.s32 $0x10000, s7;
	s19 =	sadd.s32 $0x12000, s7  }
0xa: {  	s8 =	sadd.s32 $0xFFFFFFFF, s2;
	s3 =	ssub.s32 s3, s9;
	s9 =	sadd.s32 s10, s1  }
0xb: {  	s1 =	sadd.s32 s1, s6;
	s6 =	sadd.s32 $0x4000, s7;
	s22 =	sadd.s32 s14, s12  }
0xc: {  	s23 =	sadd.s32 s14, s13;
	s28 =	sadd.s32 s14, s15;
	s11 =	smul.u32 $0x5556, s8  }
0xd: {  	[dreg:$0x4] =	wrdreg s1;
	s1 =	sor.u32 $0x2000, s7;
	s16 =	sadd.s32 s14, s6  }
0xe: {  	s26 =	sshrl.u32 s23, $0x3;
	s23 =	sadd.s32 s14, s19;
	s30 =	sadd.s32 s14, s1  }
0xf: {  	s29 =	sshrl.u32 s11, $0x10;
	s11 =	sadd.s32 $0x6000, s7;
	s7 =	sadd.s32 s7, s14  }
0x10: {  	s16 =	sshrl.u32 s16, $0x3;
	s10 =	smul.u32 $0x3, s29;
	s7 =	sshrl.u32 s7, $0x3  }
0x11: {  	s21 =	sadd.s32 s14, s11;
	s29 =	sadd.s32 s14, s17;
	s7 =	sadd.s32 s5, s7  }
0x12: {  	s8 =	ssub.s32 s8, s10;
	s10 =	sshrl.u32 s30, $0x3;
	[dreg:$0x5] =	wrdreg s7  }
0x13: {  	s7 =	sadd.s32 s5, s16;
	s30 =	sadd.s32 s14, s18;
	s14 =	rddreg [dreg:$0x2]  }
0x14: {  	s10 =	sadd.s32 s5, s10;
	[dreg:$0x7] =	wrdreg s7;
	s7 =	sshrl.u32 s21, $0x3  }
0x15: {  	[dreg:$0x6] =	wrdreg s10;
	s7 =	sadd.s32 s5, s7  }
0x16: {  	s10 =	sshrl.u32 s22, $0x3;
	[dreg:$0x8] =	wrdreg s7;
	s7 =	sadd.s32 s5, s26  }
0x17: {  	s24 =	sadd.s32 s5, s10;
	[dreg:$0xa] =	wrdreg s7;
	s7 =	sshrl.u32 s28, $0x3  }
0x18: {  	s22 =	sshrl.u32 s30, $0x3;
	[dreg:$0x9] =	wrdreg s24;
	s7 =	sadd.s32 s5, s7  }
0x19: {  	s10 =	sshrl.u32 s29, $0x3;
	[dreg:$0xb] =	wrdreg s7;
	s7 =	sadd.s32 s5, s22  }
0x1a: {  	s21 =	sadd.s32 s5, s10;
	[dreg:$0xd] =	wrdreg s7;
	s7 =	sshrl.u32 s23, $0x3  }
0x1b: {  	s16 =	sadd.s32 $0x1800, s0;
	[dreg:$0xc] =	wrdreg s21;
	s5 =	sadd.s32 s5, s7  }
0x1c: {  	s0 =	sadd.s32 $0x51800, s0;
	s24 =	smul.u32 $0x50000, s20;
	[dreg:$0xe] =	wrdreg s5  }
0x1d: {  	s28 =	sadd.s32 $0x9000, s9;
	_ =	strace $0x8000004A;
	[dreg:$0xf] =	wrdreg s0  }
0x1e: {  	s30 =	smax.u32 s3, $0x1;
	s26 =	sshrl.u32 s24, $0x2;
	[dreg:$0x10] =	wrdreg s28  }
0x1f: {  	s20 =	sadd.s32 s26, s14;
	[dreg:$0x1c] =	wrdreg s30  }
0x20: {  	p0 =	sne.s32 s4, $0x0;
	s4 =	sadd.s32 s1, s14;
	[dreg:$0x11] =	wrdreg s20  }
0x21: {  	s5 =	sadd.s32 s6, s14;
	[dreg:$0x12] =	wrdreg s4  }
0x22: {  	s6 =	sadd.s32 s11, s14;
	[dreg:$0x13] =	wrdreg s5  }
0x23: {  	s7 =	sadd.s32 s12, s14;
	[dreg:$0x14] =	wrdreg s6  }
0x24: {  	s9 =	sadd.s32 s13, s14;
	[dreg:$0x15] =	wrdreg s7  }
0x25: {  	s15 =	sadd.s32 s15, s14;
	[dreg:$0x16] =	wrdreg s9  }
0x26: {  	s10 =	sadd.s32 s17, s14;
	[dreg:$0x17] =	wrdreg s15  }
0x27: {  	s31 =	simm.s32 $0x0;
	s11 =	sadd.s32 s18, s14;
	[dreg:$0x18] =	wrdreg s10  }
0x28: {  	s29 =	sor.u32 $0x4, s8;
	s12 =	sadd.s32 s19, s14;
	[dreg:$0x19] =	wrdreg s11  }
0x29: {  	s8 =	simm.s32 $0x7;
	s0 =	sand.u32 $0xFFFF, s29;
	[dreg:$0x1a] =	wrdreg s12  }
0x2a: {  	s17 =	simm.s32 $0x40;
	s13 =	simm.s32 $0x4C00;
	[dreg:$0x1b] =	wrdreg s0  }
.LBB2_1:
0x2b: {  	s1 =	simm.s32 @p0 $0x0;
	s0 =	rddreg [dreg:$0x10]  }
0x2c: {  	[tilespmem:s1], [sflag:$0x7] =	stream.linear.gather @p0 [hbm4b:s0+s1], $0x800, $0x38;
	[tilespmem:$0x1EC00] =	vst v63  }
0x2d: {  	[dreg:$0x1d] =	wrdreg s31;
	s1 =	simm.s32 @p0 $0x7  }
0x2e: {  	_ =	swait.ge @p0 [sflag:s1], $0x800  }
0x2f: {  	[sflag:s1] =	ssyncset.done @p0 $0x0  }
0x30: {  	s3 =	rddreg [dreg:$0x4];
	[sflag:s1] =	ssyncadd.s32 @p0 $0xFFFFF800;
	s1 =	simm.s32 @!p0 $0x0  }
0x31: {  	[tilespmem:s1], [sflag:$0x7] =	stream.linear.gather @!p0 [hbm4b:s3+s1], $0x4800, $0x38;
	[tilespmem:$0x1EC00] =	vst v63  }
0x32: {  	s1 =	simm.s32 @!p0 $0x7  }
0x33: {  	_ =	swait.ge @!p0 [sflag:s1], $0x4800  }
0x34: {  	[sflag:s1] =	ssyncset.done @!p0 $0x0  }
0x35: {  	s26 =	rddreg [dreg:$0xf];
	[sflag:s1] =	ssyncadd.s32 @!p0 $0xFFFFB800  }
0x36: {  	[tilespmem:s13], [sflag:$0x7] =	stream.linear.gather [hbm4b:s26+s25], $0x2000, $0x38;
	[tilespmem:$0x1EC00] =	vst v63  }
0x37: {  	_ =	swait.ge [sflag:s8], $0x2000  }
0x38: {  	[sflag:s8] =	ssyncset.done $0x0  }
0x39: {  	[sflag:s8] =	ssyncadd.s32 $0xFFFFE000  }
0x3a: {  	[spmem:s20] =	stream.linear.scatter [tilespmem:s13], [sflag:$0x7], $0x2000, $0x38;
	[tilespmem:$0x1EC00] =	vst v63  }
0x3b: {  	_ =	swait.ge [sflag:s8], $0x2000  }
0x3c: {  	[sflag:s8] =	ssyncset.done $0x0  }
0x3d: {  	[sflag:s8] =	ssyncadd.s32 $0xFFFFE000  }
0x3e: {  	[spmem:s4] =	stream.linear.scatter [tilespmem:s13], [sflag:$0x7], $0x2000, $0x38;
	[tilespmem:$0x1EC00] =	vst v63  }
0x3f: {  	_ =	swait.ge [sflag:s8], $0x2000  }
0x40: {  	[sflag:s8] =	ssyncset.done $0x0  }
0x41: {  	[sflag:s8] =	ssyncadd.s32 $0xFFFFE000  }
0x42: {  	[spmem:s5] =	stream.linear.scatter [tilespmem:s13], [sflag:$0x7], $0x2000, $0x38;
	[tilespmem:$0x1EC00] =	vst v63  }
0x43: {  	_ =	swait.ge [sflag:s8], $0x2000  }
0x44: {  	[sflag:s8] =	ssyncset.done $0x0  }
0x45: {  	[sflag:s8] =	ssyncadd.s32 $0xFFFFE000  }
0x46: {  	[spmem:s6] =	stream.linear.scatter [tilespmem:s13], [sflag:$0x7], $0x2000, $0x38;
	[tilespmem:$0x1EC00] =	vst v63  }
0x47: {  	_ =	swait.ge [sflag:s8], $0x2000  }
0x48: {  	[sflag:s8] =	ssyncset.done $0x0  }
0x49: {  	[sflag:s8] =	ssyncadd.s32 $0xFFFFE000  }
0x4a: {  	[spmem:s7] =	stream.linear.scatter [tilespmem:s13], [sflag:$0x7], $0x2000, $0x38;
	[tilespmem:$0x1EC00] =	vst v63  }
0x4b: {  	_ =	swait.ge [sflag:s8], $0x2000  }
0x4c: {  	[sflag:s8] =	ssyncset.done $0x0  }
0x4d: {  	[sflag:s8] =	ssyncadd.s32 $0xFFFFE000  }
0x4e: {  	[spmem:s9] =	stream.linear.scatter [tilespmem:s13], [sflag:$0x7], $0x2000, $0x38;
	[tilespmem:$0x1EC00] =	vst v63  }
0x4f: {  	_ =	swait.ge [sflag:s8], $0x2000  }
0x50: {  	[sflag:s8] =	ssyncset.done $0x0  }
0x51: {  	[sflag:s8] =	ssyncadd.s32 $0xFFFFE000  }
0x52: {  	[spmem:s15] =	stream.linear.scatter [tilespmem:s13], [sflag:$0x7], $0x2000, $0x38;
	[tilespmem:$0x1EC00] =	vst v63  }
0x53: {  	_ =	swait.ge [sflag:s8], $0x2000  }
0x54: {  	[sflag:s8] =	ssyncset.done $0x0  }
0x55: {  	[sflag:s8] =	ssyncadd.s32 $0xFFFFE000  }
0x56: {  	[spmem:s10] =	stream.linear.scatter [tilespmem:s13], [sflag:$0x7], $0x2000, $0x38;
	[tilespmem:$0x1EC00] =	vst v63  }
0x57: {  	_ =	swait.ge [sflag:s8], $0x2000  }
0x58: {  	[sflag:s8] =	ssyncset.done $0x0  }
0x59: {  	[sflag:s8] =	ssyncadd.s32 $0xFFFFE000  }
0x5a: {  	[spmem:s11] =	stream.linear.scatter [tilespmem:s13], [sflag:$0x7], $0x2000, $0x38;
	[tilespmem:$0x1EC00] =	vst v63  }
0x5b: {  	_ =	swait.ge [sflag:s8], $0x2000  }
0x5c: {  	[sflag:s8] =	ssyncset.done $0x0  }
0x5d: {  	[sflag:s8] =	ssyncadd.s32 $0xFFFFE000  }
0x5e: {  	[spmem:s12] =	stream.linear.scatter [tilespmem:s13], [sflag:$0x7], $0x2000, $0x38;
	[tilespmem:$0x1EC00] =	vst v63  }
0x5f: {  	_ =	swait.ge [sflag:s8], $0x2000  }
0x60: {  	[sflag:s8] =	ssyncset.done $0x0  }
0x61: {  	[sflag:s8] =	ssyncadd.s32 $0xFFFFE000  }
0x62: {  	[bflag:$0x0] =	sbarrier.arrive $0xFFFF  }
0x63: {  	v0 =	vld [tilespmem:$0x0];
	_ =	sdelay $0x1  }
0x64: {  	v1 =	vld [tilespmem:$0x10];
	_ =	sdelay $0x1  }
0x65: {  	v2 =	vld [tilespmem:$0x20]  }
0x66: {  	v3 =	vand.u32 $0xFFFF, v0  }
0x67: {  	v46 =	vld [tilespmem:$0x30];
	v0 =	vshrl.u32 v0, $0x10;
	[tilespmem:$0x4800] =	vst v3  }
0x68: {  	v47 =	vand.u32 $0xFFFF, v1;
	[tilespmem:$0x4A00] =	vst v0  }
0x69: {  	v48 =	vshrl.u32 v1, $0x10;
	[tilespmem:$0x4810] =	vst v47  }
0x6a: {  	v49 =	vand.u32 $0xFFFF, v2;
	[tilespmem:$0x4A10] =	vst v48  }
0x6b: {  	v50 =	vshrl.u32 v2, $0x10;
	[tilespmem:$0x4820] =	vst v49  }
0x6c: {  	v51 =	vand.u32 $0xFFFF, v46;
	[tilespmem:$0x4A20] =	vst v50  }
0x6d: {  	v52 =	vshrl.u32 v46, $0x10;
	[tilespmem:$0x4830] =	vst v51  }
0x6e: {  	s28 =	simm.s32 $0x4800;
	[tilespmem:$0x4A30] =	vst v52  }
0x6f: {  	[tilespmem:s13], [sflag:$0x1] =	stream.indirect.gather [hbm4b:s16+s17], $0x80, s28, s17, $0xb8;
	[tilespmem:$0x1EC00] =	vst v63  }
0x70: {  	v53 =	vld [tilespmem:$0x40];
	_ =	sdelay $0x1  }
0x71: {  	v54 =	vld [tilespmem:$0x50];
	_ =	sdelay $0x1  }
0x72: {  	v55 =	vld [tilespmem:$0x60]  }
0x73: {  	v56 =	vand.u32 $0xFFFF, v53  }
0x74: {  	v57 =	vld [tilespmem:$0x70];
	v0 =	vshrl.u32 v53, $0x10;
	[tilespmem:$0x4880] =	vst v56  }
0x75: {  	s29 =	simm.s32 $0x2;
	v58 =	vand.u32 $0xFFFF, v54;
	[tilespmem:$0x4A80] =	vst v0  }
0x76: {  	s1 =	smulhi.u32 $0xAAAAAAAB, s29;
	v59 =	vshrl.u32 v54, $0x10;
	[tilespmem:$0x4890] =	vst v58  }
0x77: {  	s30 =	simm.s32 $0x4880;
	p2 =	sne.s32 s2, $0x1;
	v60 =	vand.u32 $0xFFFF, v55;
	[tilespmem:$0x4A90] =	vst v59  }
.Ltmp0:
0x78: {  	s31 =	simm.s32 $0x6C00;
	s13 =	sshrl.u32 s1, $0x1;
	v61 =	vshrl.u32 v55, $0x10;
	[tilespmem:$0x48A0] =	vst v60;
	(pc) =	sbr.rel @!p2 .LBB2_2-.Ltmp0, $4  }
0x79: {  	p3 =	por $0x1, $0x1;
	p1 =	por $0x0, $0x0;
	s1 =	smul.u32 $0xFFFFFFF4, s13;
	v62 =	vand.u32 $0xFFFF, v57;
	[tilespmem:$0x4AA0] =	vst v61  }
0x7a: {  	s22 =	simm.s32 @!p3 $0x0;
	s5 =	simm.s32 $0x1;
	s6 =	simm.s32 $0x8C00;
	v63 =	vshrl.u32 v57, $0x10;
	[tilespmem:$0x48B0] =	vst v62  }
0x7b: {  	s10 =	simm.s32 $0x80;
	s24 =	smul.u32 $0xFFFFFA00, s13;
	s8 =	sshra.s32 s1, $0x2;
	[tilespmem:$0x4AB0] =	vst v63  }
0x7c: {  	[tilespmem:s31], [sflag:$0x2] =	stream.indirect.gather [hbm4b:s16+s17], $0x80, s30, s17, $0xb8;
	[tilespmem:$0x1EC00] =	vst v63  }
0x7d: {  	s1 =	sadd.s32 $0x6, s8  }
0x7e: {  	p1 =	sle.u32 s2, $0x2;
	s1 =	sadd.s32 @!p3 $0x0, s1  }
0x7f: {  	s4 =	simm.s32 @!p1 $0x0;
	_ =	swait.ge @!p3 [sflag:s1], $0x2000  }
0x80: {  	s6 =	sand.u32 @!p1 $0x7FFFFF80, s10;
	s4 =	sand.u32 @!p1 $0x40, s4;
	[sflag:s1] =	ssyncset.done @!p3 $0x0  }
0x81: {  	s4 =	sor.u32 @!p1 s4, s6;
	[sflag:s1] =	ssyncadd.s32 @!p3 $0xFFFFE000  }
0x82: {  	v0 =	vld @!p1 [tilespmem:s4+$0x0];
	_ =	sdelay $0x2  }
0x83: {  	s22 =	sshra.s32 s24, $0x2  }
0x84: {  	p2 =	por p1, p1;
	s6 =	sadd.s32 $0x4800, s22  }
0x85: {  	s1 =	sadd.s32 $0x4A00, s22;
	s17 =	sadd.s32 @!p1 $0x0, s6;
	v1 =	vand.u32 @!p2 $0xFFFF, v0  }
0x86: {  	s18 =	sadd.s32 @!p1 $0x0, s1;
	v0 =	vshrl.u32 @!p2 v0, $0x10;
	[tilespmem:s17+$0x100] =	vst @!p2 v1  }
0x87: {  	[tilespmem:s18+$0x100] =	vst @!p2 v0  }
0x88: {  	v0 =	vld @!p2 [tilespmem:s4+$0x10];
	_ =	sdelay $0x4  }
0x89: {  	v1 =	vand.u32 @!p2 $0xFFFF, v0  }
0x8a: {  	v0 =	vshrl.u32 @!p2 v0, $0x10;
	[tilespmem:s17+$0x110] =	vst @!p2 v1  }
0x8b: {  	s23 =	smul.u32 $0xFFFE8000, s13;
	s15 =	simm.s32 $0x2;
	[tilespmem:s18+$0x110] =	vst @!p2 v0  }
0x8c: {  	p4 =	sne.s32 s2, $0x2;
	s24 =	smulhi.u32 $0xAAAAAAAB, s25;
	s31 =	simm.s32 $0x3;
	v0 =	vld @!p2 [tilespmem:s4+$0x20]  }
0x8d: {  	s7 =	simm.s32 $0x6C00;
	s19 =	simm.s32 $0x0;
	s20 =	smulhi.u32 $0xAAAAAAAB, s31  }
0x8e: {  	s21 =	simm.s32 $0x0;
	s12 =	simm.s32 $0x4;
	s28 =	sshrl.u32 s24, $0x1  }
0x8f: {  	s9 =	simm.s32 $0x200;
	s13 =	sshrl.u32 s20, $0x1;
	s25 =	smul.u32 $0xFFFFFFF4, s28  }
0x90: {  	s8 =	sadd.s32 $0x3, s8;
	s10 =	simm.s32 $0xC0;
	s20 =	smul.u32 $0xFFFFFFF4, s13  }
.Ltmp1:
0x91: {  	s30 =	sadd.s32 @!p2 $0x0, s8;
	s6 =	simm.s32 $0xAC00;
	v1 =	vand.u32 @!p2 $0xFFFF, v0;
	(pc) =	sbr.rel @!p4 .LBB2_4-.Ltmp1, $4  }
0x92: {  	p3 =	por $0x0, $0x0;
	s24 =	smul.u32 $0xFFFFFA00, s13;
	s1 =	sshra.s32 s23, $0x2;
	v0 =	vshrl.u32 @!p2 v0, $0x10;
	[tilespmem:s17+$0x120] =	vst @!p2 v1  }
0x93: {  	s29 =	sadd.s32 @!p2 $0x100, s17;
	s22 =	simm.s32 @!p3 $0x1;
	p1 =	por $0x1, $0x1;
	[tilespmem:s18+$0x120] =	vst @!p2 v0  }
0x94: {  	s26 =	sadd.s32 $0x8C00, s1;
	s1 =	sshra.s32 s25, $0x2;
	s8 =	sshra.s32 s20, $0x2;
	v0 =	vld @!p2 [tilespmem:s4+$0x30]  }
0x95: {  	s20 =	simm.s32 $0x4C00;
	s23 =	sadd.s32 $0x1, s1;
	s4 =	smul.u32 $0xFFFFFA00, s28  }
.LBB2_5:
0x96: {  	s3 =	sadd.s32 $0x6, s8;
	s11 =	sadd.s32 $0x2, s5;
	s0 =	smov.u32 s14  }
0x97: {  	s14 =	sadd.s32 s19, s23;
	s25 =	smov.u32 s5;
	s5 =	smov.u32 s15  }
0x98: {  	s23 =	smov.u32 s6;
	s24 =	sshra.s32 s24, $0x2;
	s1 =	sadd.s32 $0x4, s1  }
0x99: {  	s13 =	smul.u32 $0xFFFE8000, s13;
	p5 =	sge.u32 s11, s2;
	s4 =	sshra.s32 s4, $0x2;
	v1 =	vand.u32 @!p2 $0xFFFF, v0;
	v0 =	vshrl.u32 @!p2 v0, $0x10  }
0x9a: {  	s15 =	sadd.s32 $0x1, s15;
	s11 =	smul.u32 $0xFFFE8000, s28;
	s4 =	sadd.s32 $0x4A00, s4;
	[tilespmem:s17+$0x130] =	vst @!p2 v1  }
0x9b: {  	s1 =	sadd.s32 s19, s1;
	s17 =	simm.s32 @!p2 $0x40;
	[tilespmem:s18+$0x130] =	vst @!p2 v0;
	s4 =	sadd.s32 s21, s4  }
0x9c: {  	p4 =	sne.s32 s15, s2;
	s18 =	sadd.s32 @!p5 $0xFFFFFF80, s10;
	s11 =	sshra.s32 s11, $0x2  }
0x9d: {  	[tilespmem:s26], [sflag:s30] =	stream.indirect.gather @!p2 [hbm4b:s16+s17], $0x80, s29, s17, $0xb8;
	[tilespmem:$0x1EC00] =	vst v63  }
0x9e: {  	s3 =	sadd.s32 @!p3 s22, s3;
	s18 =	sand.u32 @!p5 $0x40, s18;
	_ =	swait.ge [sflag:s14], $0x2000  }
0x9f: {  	s19 =	sand.u32 @!p5 $0x7FFFFF80, s10;
	s11 =	sadd.s32 s11, s20;
	[sflag:s14] =	ssyncset.done $0x0  }
0xa0: {  	[sflag:s14] =	ssyncadd.s32 $0xFFFFE000;
	s14 =	smov.u32 s0;
	s0 =	simm.s32 $0x40  }
0xa1: {  	[spmem:s14] =	stream.indirect.scatter.add.f32 [tilespmem:s11], [sflag:s1], $0x80, s4, s0, $0xb8;
	[tilespmem:$0x1EC00] =	vst v63  }
0xa2: {  	s1 =	sadd.s32 $0x4800, s24;
	s4 =	sshra.s32 @!p5 s9, $0x2;
	_ =	swait.ge @!p3 [sflag:s3], $0x2000  }
0xa3: {  	s11 =	sadd.s32 $0x4A00, s24;
	s17 =	sadd.s32 @!p5 s4, s1;
	[sflag:s3] =	ssyncset.done @!p3 $0x0  }
0xa4: {  	s22 =	sor.u32 @!p5 s18, s19;
	s18 =	sadd.s32 @!p5 s4, s11;
	[sflag:s3] =	ssyncadd.s32 @!p3 $0xFFFFE000  }
0xa5: {  	s20 =	smov.u32 s7;
	p2 =	por p5, p5;
	s1 =	smov.u32 s12;
	v0 =	vld @!p5 [tilespmem:s22+$0x0]  }
0xa6: {  	_ =	sdelay $0x3  }
0xa7: {  	v1 =	vand.u32 @!p2 $0xFFFF, v0;
	v0 =	vshrl.u32 @!p2 v0, $0x10  }
0xa8: {  	[tilespmem:s17+$0x100] =	vst @!p2 v1  }
0xa9: {  	[tilespmem:s18+$0x100] =	vst @!p2 v0  }
0xaa: {  	v0 =	vld @!p2 [tilespmem:s22+$0x10];
	_ =	sdelay $0x4  }
0xab: {  	v1 =	vand.u32 @!p2 $0xFFFF, v0;
	v0 =	vshrl.u32 @!p2 v0, $0x10  }
0xac: {  	[tilespmem:s17+$0x110] =	vst @!p2 v1  }
0xad: {  	[tilespmem:s18+$0x110] =	vst @!p2 v0  }
0xae: {  	v0 =	vld @!p2 [tilespmem:s22+$0x20];
	_ =	sdelay $0x1  }
0xaf: {  	s6 =	sadd.s32 $0x2000, s6  }
0xb0: {  	s31 =	sadd.s32 $0x1, s31;
	s10 =	sadd.s32 $0x40, s10;
	s7 =	sadd.s32 $0x2000, s7  }
0xb1: {  	s21 =	sshra.s32 s9, $0x2;
	s12 =	sadd.s32 $0x4, s12;
	s19 =	sshra.s32 s1, $0x2  }
0xb2: {  	s8 =	sadd.s32 $0x3, s8;
	s9 =	sadd.s32 $0x200, s9;
	s3 =	smulhi.u32 $0xAAAAAAAB, s25;
	v1 =	vand.u32 @!p2 $0xFFFF, v0;
	v0 =	vshrl.u32 @!p2 v0, $0x10  }
0xb3: {  	s4 =	smulhi.u32 $0xAAAAAAAB, s31;
	s11 =	sshra.s32 s13, $0x2;
	s1 =	sshra.s32 @!p2 s1, $0x2;
	[tilespmem:s17+$0x120] =	vst @!p2 v1  }
.Ltmp2:
0xb4: {  	s26 =	sadd.s32 s11, s23;
	s28 =	sshrl.u32 s3, $0x1;
	[tilespmem:s18+$0x120] =	vst @!p2 v0;
	(pc) =	sbr.rel @p4 .LBB2_5-.Ltmp2, $4  }
0xb5: {  	s29 =	sadd.s32 @!p2 $0x100, s17;
	s13 =	sshrl.u32 s4, $0x1;
	s3 =	smul.u32 $0xFFFFFFF4, s28;
	v0 =	vld @!p2 [tilespmem:s22+$0x30]  }
0xb6: {  	p3 =	seq.s32 s9, $0x0;
	s30 =	sadd.s32 @!p2 s1, s8;
	s4 =	smul.u32 $0xFFFFFFF4, s13  }
0xb7: {  	s24 =	smul.u32 $0xFFFFFA00, s13;
	s1 =	sshra.s32 s3, $0x2;
	s22 =	sshra.s32 @!p3 s12, $0x2  }
0xb8: {  	s8 =	sshra.s32 s4, $0x2;
	s4 =	smul.u32 $0xFFFFFA00, s28;
	s23 =	sadd.s32 $0x1, s1  }
0xb9: {  	s15 =	rddreg [dreg:$0x11]  }
0xba: {  	s25 =	simm.s32 $0x0;
	s31 =	rddreg [dreg:$0x1d]  }
.LBB2_7:
0xbb: {  	p2 =	por p2, !p1  }
0xbc: {  	v1 =	vand.u32 @!p2 $0xFFFF, v0  }
0xbd: {  	v0 =	vshrl.u32 @!p2 v0, $0x10;
	[tilespmem:s17+$0x130] =	vst @!p2 v1  }
0xbe: {  	s11 =	smul.u32 @p1 $0xFFFE8000, s28;
	s3 =	simm.s32 @!p2 $0x40;
	[tilespmem:s18+$0x130] =	vst @!p2 v0  }
0xbf: {  	[tilespmem:s26], [sflag:s30] =	stream.indirect.gather @!p2 [hbm4b:s16+s3], $0x80, s29, s3, $0xb8;
	[tilespmem:$0x1EC00] =	vst v63  }
0xc0: {  	s1 =	sadd.s32 @p1 $0x4, s1;
	s3 =	sshra.s32 @p1 s4, $0x2;
	s4 =	sadd.s32 @p1 s19, s23  }
0xc1: {  	s1 =	sadd.s32 @p1 s19, s1;
	s11 =	sshra.s32 @p1 s11, $0x2;
	_ =	swait.ge @p1 [sflag:s4], $0x2000  }
0xc2: {  	s17 =	simm.s32 $0x40;
	s3 =	sadd.s32 @p1 $0x4A00, s3;
	[sflag:s4] =	ssyncset.done @p1 $0x0  }
0xc3: {  	s11 =	sadd.s32 @p1 s11, s20;
	s3 =	sadd.s32 @p1 s21, s3;
	[sflag:s4] =	ssyncadd.s32 @p1 $0xFFFFE000  }
0xc4: {  	[spmem:s14] =	stream.indirect.scatter.add.f32 @p1 [tilespmem:s11], [sflag:s1], $0x80, s3, s17, $0xb8;
	[tilespmem:$0x1EC00] =	vst v63  }
0xc5: {  	s21 =	sadd.s32 $0x2, s5;
	s1 =	sadd.s32 $0x6, s8  }
0xc6: {  	p2 =	sge.u32 s21, s2;
	s1 =	sadd.s32 @!p3 s22, s1  }
0xc7: {  	s3 =	sadd.s32 @!p2 $0xFFFFFF80, s10;
	_ =	swait.ge @!p3 [sflag:s1], $0x2000  }
0xc8: {  	s4 =	sand.u32 @!p2 $0x7FFFFF80, s10;
	s3 =	sand.u32 @!p2 $0x40, s3;
	[sflag:s1] =	ssyncset.done @!p3 $0x0  }
0xc9: {  	[sflag:s1] =	ssyncadd.s32 @!p3 $0xFFFFE000;
	s1 =	sor.u32 @!p2 s3, s4  }
0xca: {  	v0 =	vld @!p2 [tilespmem:s1+$0x0];
	_ =	sdelay $0x2  }
0xcb: {  	s23 =	sshra.s32 s24, $0x2  }
0xcc: {  	s10 =	sshra.s32 @!p2 s9, $0x2;
	p1 =	por p2, p2;
	s4 =	sadd.s32 $0x4800, s23  }
0xcd: {  	s3 =	sadd.s32 $0x4A00, s23;
	s4 =	sadd.s32 @!p2 s10, s4;
	v1 =	vand.u32 @!p1 $0xFFFF, v0  }
0xce: {  	s3 =	sadd.s32 @!p2 s10, s3;
	v0 =	vshrl.u32 @!p1 v0, $0x10;
	[tilespmem:s4+$0x100] =	vst @!p1 v1  }
0xcf: {  	[tilespmem:s3+$0x100] =	vst @!p1 v0  }
0xd0: {  	v0 =	vld @!p1 [tilespmem:s1+$0x10];
	_ =	sdelay $0x4  }
0xd1: {  	v1 =	vand.u32 @!p1 $0xFFFF, v0  }
0xd2: {  	v0 =	vshrl.u32 @!p1 v0, $0x10;
	[tilespmem:s4+$0x110] =	vst @!p1 v1  }
0xd3: {  	[tilespmem:s3+$0x110] =	vst @!p1 v0  }
0xd4: {  	v0 =	vld @!p1 [tilespmem:s1+$0x20];
	_ =	sdelay $0x4  }
0xd5: {  	v1 =	vand.u32 @!p1 $0xFFFF, v0  }
0xd6: {  	v0 =	vshrl.u32 @!p1 v0, $0x10;
	[tilespmem:s4+$0x120] =	vst @!p1 v1  }
0xd7: {  	[tilespmem:s3+$0x120] =	vst @!p1 v0  }
0xd8: {  	v0 =	vld @!p1 [tilespmem:s1+$0x30]  }
0xd9: {  	s26 =	smulhi.u32 $0xAAAAAAAB, s5;
	_ =	sdelay $0x1  }
0xda: {  	s24 =	smul.u32 $0xFFFE8000, s13;
	s28 =	sshrl.u32 s26, $0x1  }
0xdb: {  	s29 =	smul.u32 $0xFFFFFFF4, s28  }
0xdc: {  	s30 =	smul.u32 $0xFFFFFA00, s28;
	s1 =	sshra.s32 s24, $0x2;
	v1 =	vand.u32 @!p1 $0xFFFF, v0  }
0xdd: {  	s8 =	sadd.s32 $0x3, s8;
	s10 =	sshra.s32 @!p1 s12, $0x2;
	s1 =	sadd.s32 s1, s6;
	v0 =	vshrl.u32 @!p1 v0, $0x10;
	[tilespmem:s4+$0x130] =	vst @!p1 v1  }
0xde: {  	s6 =	sadd.s32 @!p1 s10, s8;
	s4 =	sadd.s32 @!p1 $0x100, s4;
	[tilespmem:s3+$0x130] =	vst @!p1 v0;
	s3 =	simm.s32 @!p1 $0x40  }
0xdf: {  	[tilespmem:s1], [sflag:s6] =	stream.indirect.gather @!p1 [hbm4b:s16+s3], $0x80, s4, s3, $0xb8;
	[tilespmem:$0x1EC00] =	vst v63  }
0xe0: {  	s0 =	sshra.s32 s12, $0x2;
	s3 =	sshra.s32 s29, $0x2  }
0xe1: {  	s10 =	sshra.s32 s9, $0x2;
	s4 =	sshra.s32 s30, $0x2;
	s11 =	sadd.s32 $0x1, s3  }
0xe2: {  	s1 =	smul.u32 $0xFFFE8000, s28;
	s4 =	sadd.s32 $0x4A00, s4;
	s8 =	sadd.s32 s0, s11  }
0xe3: {  	s3 =	sadd.s32 $0x4, s3;
	s4 =	sadd.s32 s10, s4;
	_ =	swait.ge [sflag:s8], $0x2000  }
0xe4: {  	s1 =	sshra.s32 s1, $0x2;
	s3 =	sadd.s32 s0, s3;
	[sflag:s8] =	ssyncset.done $0x0  }
0xe5: {  	s1 =	sadd.s32 s1, s7;
	s0 =	rddreg [dreg:$0x1b];
	[sflag:s8] =	ssyncadd.s32 $0xFFFFE000  }
0xe6: {  	[spmem:s14] =	stream.indirect.scatter.add.f32 [tilespmem:s1], [sflag:s3], $0x80, s4, s17, $0xb8;
	[tilespmem:$0x1EC00] =	vst v63  }
0xe7: {  	_ =	swait.ge [sflag:s0], $0x2000  }
0xe8: {  	[sflag:s0] =	ssyncset.done $0x0  }
0xe9: {  	[sflag:s0] =	ssyncadd.s32 $0xFFFFE000  }
0xea: {  	s13 =	simm.s32 $0x4C00;
	s8 =	simm.s32 $0x7;
	[bflag:$0x0] =	sbarrier.arrive $0xFFFF  }
0xeb: {  	[tilespmem:s13], [sflag:$0x7] =	stream.linear.gather [spmem:s15], $0x2000, $0x38;
	[tilespmem:$0x1EC00] =	vst v63  }
0xec: {  	_ =	swait.ge [sflag:s8], $0x2000  }
0xed: {  	[sflag:s8] =	ssyncset.done $0x0  }
0xee: {  	s12 =	rddreg [dreg:$0x5];
	[sflag:s8] =	ssyncadd.s32 $0xFFFFE000  }
0xef: {  	[hbm4b:s12+s25] =	stream.linear.scatter [tilespmem:s13], [sflag:$0x7], $0x2000, $0x38;
	[tilespmem:$0x1EC00] =	vst v63  }
0xf0: {  	_ =	swait.ge [sflag:s8], $0x2000  }
0xf1: {  	[sflag:s8] =	ssyncset.done $0x0  }
0xf2: {  	s4 =	rddreg [dreg:$0x12];
	[sflag:s8] =	ssyncadd.s32 $0xFFFFE000  }
0xf3: {  	[tilespmem:s13], [sflag:$0x7] =	stream.linear.gather [spmem:s4], $0x2000, $0x38;
	[tilespmem:$0x1EC00] =	vst v63  }
0xf4: {  	_ =	swait.ge [sflag:s8], $0x2000  }
0xf5: {  	[sflag:s8] =	ssyncset.done $0x0  }
0xf6: {  	s18 =	rddreg [dreg:$0x6];
	[sflag:s8] =	ssyncadd.s32 $0xFFFFE000  }
0xf7: {  	[hbm4b:s18+s25] =	stream.linear.scatter [tilespmem:s13], [sflag:$0x7], $0x2000, $0x38;
	[tilespmem:$0x1EC00] =	vst v63  }
0xf8: {  	_ =	swait.ge [sflag:s8], $0x2000  }
0xf9: {  	[sflag:s8] =	ssyncset.done $0x0  }
0xfa: {  	s5 =	rddreg [dreg:$0x13];
	[sflag:s8] =	ssyncadd.s32 $0xFFFFE000  }
0xfb: {  	[tilespmem:s13], [sflag:$0x7] =	stream.linear.gather [spmem:s5], $0x2000, $0x38;
	[tilespmem:$0x1EC00] =	vst v63  }
0xfc: {  	_ =	swait.ge [sflag:s8], $0x2000  }
0xfd: {  	[sflag:s8] =	ssyncset.done $0x0  }
0xfe: {  	s19 =	rddreg [dreg:$0x7];
	[sflag:s8] =	ssyncadd.s32 $0xFFFFE000  }
0xff: {  	[hbm4b:s19+s25] =	stream.linear.scatter [tilespmem:s13], [sflag:$0x7], $0x2000, $0x38;
	[tilespmem:$0x1EC00] =	vst v63  }
0x100: {  	_ =	swait.ge [sflag:s8], $0x2000  }
0x101: {  	[sflag:s8] =	ssyncset.done $0x0  }
0x102: {  	s6 =	rddreg [dreg:$0x14];
	[sflag:s8] =	ssyncadd.s32 $0xFFFFE000  }
0x103: {  	[tilespmem:s13], [sflag:$0x7] =	stream.linear.gather [spmem:s6], $0x2000, $0x38;
	[tilespmem:$0x1EC00] =	vst v63  }
0x104: {  	_ =	swait.ge [sflag:s8], $0x2000  }
0x105: {  	[sflag:s8] =	ssyncset.done $0x0  }
0x106: {  	s20 =	rddreg [dreg:$0x8];
	[sflag:s8] =	ssyncadd.s32 $0xFFFFE000  }
0x107: {  	[hbm4b:s20+s25] =	stream.linear.scatter [tilespmem:s13], [sflag:$0x7], $0x2000, $0x38;
	[tilespmem:$0x1EC00] =	vst v63  }
0x108: {  	_ =	swait.ge [sflag:s8], $0x2000  }
0x109: {  	[sflag:s8] =	ssyncset.done $0x0  }
0x10a: {  	s7 =	rddreg [dreg:$0x15];
	[sflag:s8] =	ssyncadd.s32 $0xFFFFE000  }
0x10b: {  	[tilespmem:s13], [sflag:$0x7] =	stream.linear.gather [spmem:s7], $0x2000, $0x38;
	[tilespmem:$0x1EC00] =	vst v63  }
0x10c: {  	_ =	swait.ge [sflag:s8], $0x2000  }
0x10d: {  	[sflag:s8] =	ssyncset.done $0x0  }
0x10e: {  	s21 =	rddreg [dreg:$0x9];
	[sflag:s8] =	ssyncadd.s32 $0xFFFFE000  }
0x10f: {  	[hbm4b:s21+s25] =	stream.linear.scatter [tilespmem:s13], [sflag:$0x7], $0x2000, $0x38;
	[tilespmem:$0x1EC00] =	vst v63  }
0x110: {  	_ =	swait.ge [sflag:s8], $0x2000  }
0x111: {  	[sflag:s8] =	ssyncset.done $0x0  }
0x112: {  	s9 =	rddreg [dreg:$0x16];
	[sflag:s8] =	ssyncadd.s32 $0xFFFFE000  }
0x113: {  	[tilespmem:s13], [sflag:$0x7] =	stream.linear.gather [spmem:s9], $0x2000, $0x38;
	[tilespmem:$0x1EC00] =	vst v63  }
0x114: {  	_ =	swait.ge [sflag:s8], $0x2000  }
0x115: {  	[sflag:s8] =	ssyncset.done $0x0  }
0x116: {  	s22 =	rddreg [dreg:$0xa];
	[sflag:s8] =	ssyncadd.s32 $0xFFFFE000  }
0x117: {  	[hbm4b:s22+s25] =	stream.linear.scatter [tilespmem:s13], [sflag:$0x7], $0x2000, $0x38;
	[tilespmem:$0x1EC00] =	vst v63  }
0x118: {  	_ =	swait.ge [sflag:s8], $0x2000  }
0x119: {  	[sflag:s8] =	ssyncset.done $0x0  }
0x11a: {  	s23 =	rddreg [dreg:$0x17];
	[sflag:s8] =	ssyncadd.s32 $0xFFFFE000  }
0x11b: {  	[tilespmem:s13], [sflag:$0x7] =	stream.linear.gather [spmem:s23], $0x2000, $0x38;
	[tilespmem:$0x1EC00] =	vst v63  }
0x11c: {  	_ =	swait.ge [sflag:s8], $0x2000  }
0x11d: {  	[sflag:s8] =	ssyncset.done $0x0  }
0x11e: {  	s24 =	rddreg [dreg:$0xb];
	[sflag:s8] =	ssyncadd.s32 $0xFFFFE000  }
0x11f: {  	[hbm4b:s24+s25] =	stream.linear.scatter [tilespmem:s13], [sflag:$0x7], $0x2000, $0x38;
	[tilespmem:$0x1EC00] =	vst v63  }
0x120: {  	_ =	swait.ge [sflag:s8], $0x2000  }
0x121: {  	[sflag:s8] =	ssyncset.done $0x0  }
0x122: {  	s10 =	rddreg [dreg:$0x18];
	[sflag:s8] =	ssyncadd.s32 $0xFFFFE000  }
0x123: {  	[tilespmem:s13], [sflag:$0x7] =	stream.linear.gather [spmem:s10], $0x2000, $0x38;
	[tilespmem:$0x1EC00] =	vst v63  }
0x124: {  	_ =	swait.ge [sflag:s8], $0x2000  }
0x125: {  	[sflag:s8] =	ssyncset.done $0x0  }
0x126: {  	s26 =	rddreg [dreg:$0xc];
	[sflag:s8] =	ssyncadd.s32 $0xFFFFE000  }
0x127: {  	[hbm4b:s26+s25] =	stream.linear.scatter [tilespmem:s13], [sflag:$0x7], $0x2000, $0x38;
	[tilespmem:$0x1EC00] =	vst v63  }
0x128: {  	_ =	swait.ge [sflag:s8], $0x2000  }
0x129: {  	[sflag:s8] =	ssyncset.done $0x0  }
0x12a: {  	s11 =	rddreg [dreg:$0x19];
	[sflag:s8] =	ssyncadd.s32 $0xFFFFE000  }
0x12b: {  	[tilespmem:s13], [sflag:$0x7] =	stream.linear.gather [spmem:s11], $0x2000, $0x38;
	[tilespmem:$0x1EC00] =	vst v63  }
0x12c: {  	_ =	swait.ge [sflag:s8], $0x2000  }
0x12d: {  	[sflag:s8] =	ssyncset.done $0x0  }
0x12e: {  	s28 =	rddreg [dreg:$0xd];
	[sflag:s8] =	ssyncadd.s32 $0xFFFFE000  }
0x12f: {  	[hbm4b:s28+s25] =	stream.linear.scatter [tilespmem:s13], [sflag:$0x7], $0x2000, $0x38;
	[tilespmem:$0x1EC00] =	vst v63  }
0x130: {  	_ =	swait.ge [sflag:s8], $0x2000  }
0x131: {  	[sflag:s8] =	ssyncset.done $0x0  }
0x132: {  	s12 =	rddreg [dreg:$0x1a];
	[sflag:s8] =	ssyncadd.s32 $0xFFFFE000  }
0x133: {  	[tilespmem:s13], [sflag:$0x7] =	stream.linear.gather [spmem:s12], $0x2000, $0x38;
	[tilespmem:$0x1EC00] =	vst v63  }
0x134: {  	_ =	swait.ge [sflag:s8], $0x2000  }
0x135: {  	[sflag:s8] =	ssyncset.done $0x0  }
0x136: {  	s29 =	rddreg [dreg:$0xe];
	[sflag:s8] =	ssyncadd.s32 $0xFFFFE000  }
0x137: {  	[hbm4b:s29+s25] =	stream.linear.scatter [tilespmem:s13], [sflag:$0x7], $0x2000, $0x38;
	[tilespmem:$0x1EC00] =	vst v63  }
0x138: {  	_ =	swait.ge [sflag:s8], $0x2000  }
0x139: {  	s31 =	sadd.s32 $0x1, s31;
	s30 =	rddreg [dreg:$0x1c]  }
0x13a: {  	p1 =	sne.s32 s31, s30  }
.Ltmp3:
0x13b: {  	_ = 	snop;
	(pc) =	sbr.rel @p1 .LBB2_1-.Ltmp3, $4  }
.Ltmp4:
0x13c: {  	_ = 	snop;
	(pc) =	sbr.rel @!p1 .LBB2_8-.Ltmp4, $4  }
0x13d: {  	_ = 	snop  }
0x13e: {  	[sflag:s8] =	ssyncset.done $0x0  }
0x13f: {  	s20 =	smov.u32 s15;
	s15 =	smov.u32 s23;
	[sflag:s8] =	ssyncadd.s32 $0xFFFFE000  }
0x140: {  	_ = 	snop  }
.LBB2_2:
.Ltmp5:
0x141: {  	(pc) =	sbr.rel .LBB2_7-.Ltmp5, $3  }
0x142: {  	_ =	sdelay $0x1  }
0x143: {  	s5 =	simm.s32 $0x0;
	s15 =	smov.u32 s20;
	s9 =	simm.s32 $0x0  }
0x144: {  	s7 =	simm.s32 $0x4C00;
	s12 =	simm.s32 $0x0;
	s31 =	rddreg [dreg:$0x1d]  }
.LBB2_4:
.Ltmp6:
0x145: {  	(pc) =	sbr.rel .LBB2_7-.Ltmp6, $3  }
0x146: {  	_ =	sdelay $0x1  }
0x147: {  	s15 =	rddreg [dreg:$0x11]  }
0x148: {  	s20 =	simm.s32 $0x4C00;
	s25 =	simm.s32 $0x0;
	s31 =	rddreg [dreg:$0x1d]  }
.LBB2_8:
0x149: {  	_ =	sfence.sel $0x180000  }
0x14a: {  	[bflag:$0x0] =	sbarrier.arrive $0xFFFF  }
0x14b: {  	_ =	strace $0x9000004A  }
0x14c: {  	s0 =	stileid.u32;
	[bflag:$0x2] =	sbarrier.arrive $0xFFFF  }
0x14d: {  	p0 =	sne.s32 s0, $0x0;
	s0 =	rddreg [dreg:$0x3]  }
0x14e: {  	s0 =	sadd.s32 @!p0 $0x100000, s0  }
0x14f: {  	[sflag:s0] =	ssyncadd.tile.s32 @!p0 $0x1;
	_ =	shalt  }
.Lfunc_end2:
_tile_overlayer_lowered:
.L_overlay_start_2:
0x150: {  	(tag) =	ssettag $0x2  }
0x151: {  	s0 =	rddreg [dreg:$0x0];
	s2 =	stileid.u32  }
0x152: {  	s1 =	rddreg [dreg:$0x1];
	p0 =	sne.s32 s2, $0x0  }
0x153: {  	s3 =	rddreg [dreg:$0x2];
	[bflag:$0x3] =	sbarrier.arrive $0xFFFF;
	s2 =	simm.s32 @!p0 $0x1C07  }
0x154: {  	[timem:s3], [sflag:s2] =	dma.local @!p0 [hbm:s0], s1  }
0x155: {  	s0 =	simm.s32 @!p0 $0x7  }
0x156: {  	_ =	swait.ge @!p0 [sflag:s0], s1  }
0x157: {  	s1 =	ssub.s32 @!p0 $0x0, s1;
	[sflag:s0] =	ssyncset.done @!p0 $0x0  }
0x158: {  	[sflag:s0] =	ssyncadd.s32 @!p0 s1  }
0x159: {  	[bflag:$0x3] =	sbarrier.arrive $0xFFFF  }
0x15a: {  	_ =	shalt  }

</sc_bundles>
